<compile_context>
chip_gen: v7x
topology: tpu7x:2x2x1
jax: 0.10.2.dev20260603
libtpu: 0.0.44.dev20260713+nightly
codegen_flags: <defaults>
</compile_context>

<pallas_src>
import jax
import jax.numpy as jnp
from jax import lax
from jax.experimental import pallas as pl
from jax.experimental.pallas import tpu as pltpu
from jax.experimental.pallas import tpu_sc as plsc

B, L, H = 4096, 50, 768
LP = 56
HH = H // 2
NC, NS = 2, 16
NW = NC * NS
ROWS_PER_W = B // NW
LANES = 16
HVH = HH // LANES
NUM_TYPES = 1000
REP = 8


def _body(emb_hbm, idsp_hbm, tab0_hbm, tab1_hbm, out_hbm,
          idx_v, buf_e, buf_g, sem_i, sem_e, sem_g, sem_o):
    wid = lax.axis_index("s") * NC + lax.axis_index("c")
    base = wid * ROWS_PER_W
    tabs = (tab0_hbm, tab1_hbm)

    def start_idx(r):
        pltpu.async_copy(idsp_hbm.at[pl.ds((base + r) * LP, LP)],
                         idx_v.at[r % 4], sem_i.at[r % 4])

    def wait_idx(r):
        pltpu.make_async_copy(idsp_hbm.at[pl.ds((base + r) * LP, LP)],
                              idx_v.at[r % 4], sem_i.at[r % 4]).wait()

    def start_gather(r, h):
        pltpu.async_copy(tabs[h].at[idx_v.at[r % 4]], buf_g.at[h],
                         sem_g.at[h])

    def wait_gather(r, h):
        pltpu.make_async_copy(tabs[h].at[idx_v.at[r % 4]], buf_g.at[h],
                              sem_g.at[h]).wait()

    def start_emb(r, b):
        pltpu.async_copy(emb_hbm.at[base + r], buf_e.at[b], sem_e.at[b])

    def wait_emb(r, b):
        pltpu.make_async_copy(emb_hbm.at[base + r], buf_e.at[b],
                              sem_e.at[b]).wait()

    def start_out(r, b):
        pltpu.async_copy(buf_e.at[b], out_hbm.at[base + r], sem_o.at[b])

    def wait_out(r, b):
        pltpu.make_async_copy(buf_e.at[b], out_hbm.at[base + r],
                              sem_o.at[b]).wait()

    start_idx(0)
    start_idx(1)
    wait_idx(0)
    start_emb(0, 0)
    start_gather(0, 0)
    start_gather(0, 1)
    wait_idx(1)

    def outer(r2, carry):
        for b in range(2):
            r = r2 * 2 + b

            @pl.when(r + 2 < ROWS_PER_W)
            def _idx_prefetch():
                start_idx(r + 2)

            @pl.when(r + 1 < ROWS_PER_W)
            def _emb_prefetch():
                @pl.when(r >= 1)
                def _drain():
                    wait_out(r - 1, 1 - b)
                start_emb(r + 1, 1 - b)

            wait_emb(r, b)

            for h in range(2):
                wait_gather(r, h)

                def tok(l, carry2):
                    for j in range(HVH):
                        plsc.addupdate(
                            buf_e.at[b, l, pl.ds(h * HH + j * LANES, LANES)],
                            buf_g[h, l, pl.ds(j * LANES, LANES)])
                    return carry2

                lax.fori_loop(0, L, tok, 0)

                @pl.when(r + 1 < ROWS_PER_W)
                def _gather_next():
                    start_gather(r + 1, h)

            start_out(r, b)

            @pl.when(r + 2 < ROWS_PER_W)
            def _idx_ready():
                wait_idx(r + 2)
        return carry

    lax.fori_loop(0, ROWS_PER_W // 2, outer, 0)
    wait_out(ROWS_PER_W - 2, 0)
    wait_out(ROWS_PER_W - 1, 1)


@jax.jit
def kernel(batch_Phrase_emb, Phrase_type_ids, phrase_attribute_emb_all):
    ids = Phrase_type_ids.astype(jnp.int32)
    ids_pad = jnp.pad(ids, ((0, 0), (0, LP - L)), constant_values=1000)
    worker = (jnp.arange(B, dtype=jnp.int32) // ROWS_PER_W) % REP
    ids_off = (ids_pad + (worker * (NUM_TYPES + 1))[:, None]).reshape(-1)
    tab0 = jnp.tile(phrase_attribute_emb_all[:, :HH], (REP, 1))
    tab1 = jnp.tile(phrase_attribute_emb_all[:, HH:], (REP, 1))

    run = pl.kernel(
        _body,
        out_type=jax.ShapeDtypeStruct((B, L, H), jnp.float32),
        mesh=plsc.VectorSubcoreMesh(core_axis_name="c", subcore_axis_name="s"),
        scratch_types=[
            pltpu.VMEM((4, LP), jnp.int32),
            pltpu.VMEM((2, L, H), jnp.float32),
            pltpu.VMEM((2, LP, HH), jnp.float32),
            pltpu.SemaphoreType.DMA((4,)),
            pltpu.SemaphoreType.DMA((2,)),
            pltpu.SemaphoreType.DMA((2,)),
            pltpu.SemaphoreType.DMA((2,)),
        ],
    )
    return run(batch_Phrase_emb, ids_off, tab0, tab1)

# --- scband reference (transcript-rebuilt; emitter-appended) ---
"""Pipeline reference for scband-phrase-type-encoder-704374637086 (READ-ONLY COPY).

The authoritative reference and input builder live on the scoring server;
editing this copy changes nothing except your own understanding.
"""

import jax, jax.numpy as jnp
import numpy as np

B, L, H = 4096, 50, 768
NUM_TYPES = 1000  # +1 zero row for 'other'

def setup_inputs(seed: int = 0) -> dict:
    key = jax.random.key(seed)
    k1, k2, k3 = jax.random.split(key, 3)
    batch_Phrase_emb = jax.random.normal(k1, (B, L, H), dtype=jnp.float32)
    Phrase_type_ids = jax.random.randint(k2, (B, L), 0, NUM_TYPES + 1, dtype=jnp.int64)
    # phrase_attribute_emb_all = cat(BERT CLS embeddings of type descriptions, zero row)
    phrase_attribute_emb = jax.random.normal(k3, (NUM_TYPES, H), dtype=jnp.float32)
    type_other = jnp.zeros((1, H), dtype=jnp.float32)
    phrase_attribute_emb_all = jnp.concatenate([phrase_attribute_emb, type_other], axis=0)
    return {
        "batch_Phrase_emb": batch_Phrase_emb,
        "Phrase_type_ids": Phrase_type_ids,
        "phrase_attribute_emb_all": phrase_attribute_emb_all,
    }

def reference(batch_Phrase_emb, Phrase_type_ids, phrase_attribute_emb_all):
    # gather type embeddings by id, add to phrase embeddings
    batch_Phrase_type_emb = jnp.take(phrase_attribute_emb_all, Phrase_type_ids, axis=0)
    out = batch_Phrase_emb + batch_Phrase_type_emb
    return out

if __name__ == "__main__":
    import jax
    _d = setup_inputs()
    print(jax.jit(kernel)(*tuple(_d.values())))

</pallas_src>

<mosaic_0001>
#map = affine_map<(d0, d1) -> (0, 0, 0)>
#map1 = affine_map<(d0, d1) -> (0)>
#map2 = affine_map<(d0, d1) -> (0, 0)>
module attributes {stable_mosaic.version = 14 : i64} {
  func.func @_body(%arg0: i32, %arg1: i32, %arg2: memref<4096x50x768xf32, #tpu.memory_space<hbm>>, %arg3: memref<229376xi32, #tpu.memory_space<hbm>>, %arg4: memref<8008x384xf32, #tpu.memory_space<hbm>>, %arg5: memref<8008x384xf32, #tpu.memory_space<hbm>>, %arg6: memref<4096x50x768xf32, #tpu.memory_space<hbm>>, %arg7: memref<4x56xi32, #tpu.memory_space<vmem>>, %arg8: memref<2x50x768xf32, #tpu.memory_space<vmem>>, %arg9: memref<2x56x384xf32, #tpu.memory_space<vmem>>, %arg10: memref<4x!tpu.dma_semaphore, #tpu.memory_space<semaphore_mem>>, %arg11: memref<2x!tpu.dma_semaphore, #tpu.memory_space<semaphore_mem>>, %arg12: memref<2x!tpu.dma_semaphore, #tpu.memory_space<semaphore_mem>>, %arg13: memref<2x!tpu.dma_semaphore, #tpu.memory_space<semaphore_mem>>) attributes {dimension_semantics = [#tpu.dimension_semantics<core_parallel>, #tpu.dimension_semantics<subcore_parallel>], iteration_bounds = array<i64: 2, 16>, scalar_prefetch = 0 : i64, scratch_operands = 7 : i64, tpu.core_type = #tpu.core_type<sc_vector_subcore>, window_params = [{transform_indices = #map}, {transform_indices = #map1}, {transform_indices = #map2}, {transform_indices = #map2}, {transform_indices = #map}]} {
    %mul3A = arith.constant 2 : i32
    %mul3A_0 = arith.muli %arg1, %mul3A : i32
    %add3A = arith.addi %mul3A_0, %arg0 : i32
    %mul3A_1 = arith.constant 128 : i32
    %mul3A_2 = arith.muli %add3A, %mul3A_1 : i32
    %add3A_3 = arith.constant 0 : i32
    %add3A_4 = arith.addi %mul3A_2, %add3A_3 : i32
    %mul3A_5 = arith.constant 56 : i32
    %mul3A_6 = arith.muli %add3A_4, %mul3A_5 : i32
    %dma_start3A = arith.constant 0 : i32
    %dma_start3A_7 = arith.constant 0 : i32
    %dma_start3A_8 = arith.constant 0 : i32
    %dma_start3A_9 = tpu.memref_slice %arg7[%dma_start3A, %dma_start3A_8] : memref<4x56xi32, #tpu.memory_space<vmem>> -> memref<1x56xi32, #tpu.memory_space<vmem>>
    %dma_start3A_10 = tpu.memref_squeeze %dma_start3A_9 : memref<1x56xi32, #tpu.memory_space<vmem>> -> memref<56xi32, #tpu.memory_space<vmem>>
    %dma_start3A_11 = tpu.memref_slice %arg3[%mul3A_6] : memref<229376xi32, #tpu.memory_space<hbm>> -> memref<56xi32, #tpu.memory_space<hbm>>
    %dma_start3A_12 = tpu.memref_slice %arg10[%dma_start3A_7] : memref<4x!tpu.dma_semaphore, #tpu.memory_space<semaphore_mem>> -> memref<1x!tpu.dma_semaphore, #tpu.memory_space<semaphore_mem>>
    %dma_start3A_13 = tpu.memref_squeeze %dma_start3A_12 : memref<1x!tpu.dma_semaphore, #tpu.memory_space<semaphore_mem>> -> memref<!tpu.dma_semaphore, #tpu.memory_space<semaphore_mem>>
    %dma_start3A_14 = arith.constant 0 : i32
    %dma_start3A_15 = tpu.memref_slice %arg7[%dma_start3A, %dma_start3A_14] : memref<4x56xi32, #tpu.memory_space<vmem>> -> memref<1x56xi32, #tpu.memory_space<vmem>>
    %dma_start3A_16 = tpu.memref_squeeze %dma_start3A_15 : memref<1x56xi32, #tpu.memory_space<vmem>> -> memref<56xi32, #tpu.memory_space<vmem>>
    %dma_start3A_17 = tpu.memref_slice %arg3[%mul3A_6] : memref<229376xi32, #tpu.memory_space<hbm>> -> memref<56xi32, #tpu.memory_space<hbm>>
    tpu.enqueue_dma source(%dma_start3A_17 : memref<56xi32, #tpu.memory_space<hbm>>) target(%dma_start3A_16 : memref<56xi32, #tpu.memory_space<vmem>>) target_semaphore(%dma_start3A_13 : memref<!tpu.dma_semaphore, #tpu.memory_space<semaphore_mem>>)
    %add3A_18 = arith.constant 1 : i32
    %add3A_19 = arith.addi %mul3A_2, %add3A_18 : i32
    %mul3A_20 = arith.constant 56 : i32
    %mul3A_21 = arith.muli %add3A_19, %mul3A_20 : i32
    %dma_start3A_22 = arith.constant 1 : i32
    %dma_start3A_23 = arith.constant 1 : i32
    %dma_start3A_24 = arith.constant 0 : i32
    %dma_start3A_25 = tpu.memref_slice %arg7[%dma_start3A_22, %dma_start3A_24] : memref<4x56xi32, #tpu.memory_space<vmem>> -> memref<1x56xi32, #tpu.memory_space<vmem>>
    %dma_start3A_26 = tpu.memref_squeeze %dma_start3A_25 : memref<1x56xi32, #tpu.memory_space<vmem>> -> memref<56xi32, #tpu.memory_space<vmem>>
    %dma_start3A_27 = tpu.memref_slice %arg3[%mul3A_21] : memref<229376xi32, #tpu.memory_space<hbm>> -> memref<56xi32, #tpu.memory_space<hbm>>
    %dma_start3A_28 = tpu.memref_slice %arg10[%dma_start3A_23] : memref<4x!tpu.dma_semaphore, #tpu.memory_space<semaphore_mem>> -> memref<1x!tpu.dma_semaphore, #tpu.memory_space<semaphore_mem>>
    %dma_start3A_29 = tpu.memref_squeeze %dma_start3A_28 : memref<1x!tpu.dma_semaphore, #tpu.memory_space<semaphore_mem>> -> memref<!tpu.dma_semaphore, #tpu.memory_space<semaphore_mem>>
    %dma_start3A_30 = arith.constant 0 : i32
    %dma_start3A_31 = tpu.memref_slice %arg7[%dma_start3A_22, %dma_start3A_30] : memref<4x56xi32, #tpu.memory_space<vmem>> -> memref<1x56xi32, #tpu.memory_space<vmem>>
    %dma_start3A_32 = tpu.memref_squeeze %dma_start3A_31 : memref<1x56xi32, #tpu.memory_space<vmem>> -> memref<56xi32, #tpu.memory_space<vmem>>
    %dma_start3A_33 = tpu.memref_slice %arg3[%mul3A_21] : memref<229376xi32, #tpu.memory_space<hbm>> -> memref<56xi32, #tpu.memory_space<hbm>>
    tpu.enqueue_dma source(%dma_start3A_33 : memref<56xi32, #tpu.memory_space<hbm>>) target(%dma_start3A_32 : memref<56xi32, #tpu.memory_space<vmem>>) target_semaphore(%dma_start3A_29 : memref<!tpu.dma_semaphore, #tpu.memory_space<semaphore_mem>>)
    %add3A_34 = arith.constant 0 : i32
    %add3A_35 = arith.addi %mul3A_2, %add3A_34 : i32
    %mul3A_36 = arith.constant 56 : i32
    %mul3A_37 = arith.muli %add3A_35, %mul3A_36 : i32
    %dma_wait3A = arith.constant 0 : i32
    %dma_wait3A_38 = arith.constant 0 : i32
    %dma_wait3A_39 = arith.constant 0 : i32
    %dma_wait3A_40 = tpu.memref_slice %arg7[%dma_wait3A, %dma_wait3A_39] : memref<4x56xi32, #tpu.memory_space<vmem>> -> memref<1x56xi32, #tpu.memory_space<vmem>>
    %dma_wait3A_41 = tpu.memref_squeeze %dma_wait3A_40 : memref<1x56xi32, #tpu.memory_space<vmem>> -> memref<56xi32, #tpu.memory_space<vmem>>
    %dma_wait3A_42 = tpu.memref_slice %arg3[%mul3A_37] : memref<229376xi32, #tpu.memory_space<hbm>> -> memref<56xi32, #tpu.memory_space<hbm>>
    %dma_wait3A_43 = tpu.memref_slice %arg10[%dma_wait3A_38] : memref<4x!tpu.dma_semaphore, #tpu.memory_space<semaphore_mem>> -> memref<1x!tpu.dma_semaphore, #tpu.memory_space<semaphore_mem>>
    %dma_wait3A_44 = tpu.memref_squeeze %dma_wait3A_43 : memref<1x!tpu.dma_semaphore, #tpu.memory_space<semaphore_mem>> -> memref<!tpu.dma_semaphore, #tpu.memory_space<semaphore_mem>>
    %dma_wait3A_45 = arith.constant 0 : i32
    %dma_wait3A_46 = tpu.memref_slice %arg7[%dma_wait3A, %dma_wait3A_45] : memref<4x56xi32, #tpu.memory_space<vmem>> -> memref<1x56xi32, #tpu.memory_space<vmem>>
    %dma_wait3A_47 = tpu.memref_squeeze %dma_wait3A_46 : memref<1x56xi32, #tpu.memory_space<vmem>> -> memref<56xi32, #tpu.memory_space<vmem>>
    %dma_wait3A_48 = tpu.memref_slice %arg3[%mul3A_37] : memref<229376xi32, #tpu.memory_space<hbm>> -> memref<56xi32, #tpu.memory_space<hbm>>
    tpu.wait_dma2 semaphore(%dma_wait3A_44 : memref<!tpu.dma_semaphore, #tpu.memory_space<semaphore_mem>>) src(%dma_wait3A_48 : memref<56xi32, #tpu.memory_space<hbm>>) dst(%dma_wait3A_47 : memref<56xi32, #tpu.memory_space<vmem>>)
    %add3A_49 = arith.constant 0 : i32
    %add3A_50 = arith.addi %mul3A_2, %add3A_49 : i32
    %dma_start3A_51 = arith.constant 0 : i32
    %dma_start3A_52 = arith.constant 0 : i32
    %dma_start3A_53 = arith.constant 0 : i32
    %dma_start3A_54 = arith.constant 0 : i32
    %dma_start3A_55 = tpu.memref_slice %arg8[%dma_start3A_51, %dma_start3A_53, %dma_start3A_54] : memref<2x50x768xf32, #tpu.memory_space<vmem>> -> memref<1x50x768xf32, #tpu.memory_space<vmem>>
    %dma_start3A_56 = tpu.memref_squeeze %dma_start3A_55 : memref<1x50x768xf32, #tpu.memory_space<vmem>> -> memref<50x768xf32, #tpu.memory_space<vmem>>
    %dma_start3A_57 = arith.constant 0 : i32
    %dma_start3A_58 = arith.constant 0 : i32
    %dma_start3A_59 = tpu.memref_slice %arg2[%add3A_50, %dma_start3A_57, %dma_start3A_58] : memref<4096x50x768xf32, #tpu.memory_space<hbm>> -> memref<1x50x768xf32, #tpu.memory_space<hbm>>
    %dma_start3A_60 = tpu.memref_squeeze %dma_start3A_59 : memref<1x50x768xf32, #tpu.memory_space<hbm>> -> memref<50x768xf32, #tpu.memory_space<hbm>>
    %dma_start3A_61 = tpu.memref_slice %arg11[%dma_start3A_52] : memref<2x!tpu.dma_semaphore, #tpu.memory_space<semaphore_mem>> -> memref<1x!tpu.dma_semaphore, #tpu.memory_space<semaphore_mem>>
    %dma_start3A_62 = tpu.memref_squeeze %dma_start3A_61 : memref<1x!tpu.dma_semaphore, #tpu.memory_space<semaphore_mem>> -> memref<!tpu.dma_semaphore, #tpu.memory_space<semaphore_mem>>
    %dma_start3A_63 = arith.constant 0 : i32
    %dma_start3A_64 = arith.constant 0 : i32
    %dma_start3A_65 = tpu.memref_slice %arg8[%dma_start3A_51, %dma_start3A_63, %dma_start3A_64] : memref<2x50x768xf32, #tpu.memory_space<vmem>> -> memref<1x50x768xf32, #tpu.memory_space<vmem>>
    %dma_start3A_66 = tpu.memref_squeeze %dma_start3A_65 : memref<1x50x768xf32, #tpu.memory_space<vmem>> -> memref<50x768xf32, #tpu.memory_space<vmem>>
    %dma_start3A_67 = arith.constant 0 : i32
    %dma_start3A_68 = arith.constant 0 : i32
    %dma_start3A_69 = tpu.memref_slice %arg2[%add3A_50, %dma_start3A_67, %dma_start3A_68] : memref<4096x50x768xf32, #tpu.memory_space<hbm>> -> memref<1x50x768xf32, #tpu.memory_space<hbm>>
    %dma_start3A_70 = tpu.memref_squeeze %dma_start3A_69 : memref<1x50x768xf32, #tpu.memory_space<hbm>> -> memref<50x768xf32, #tpu.memory_space<hbm>>
    tpu.enqueue_dma source(%dma_start3A_70 : memref<50x768xf32, #tpu.memory_space<hbm>>) target(%dma_start3A_66 : memref<50x768xf32, #tpu.memory_space<vmem>>) target_semaphore(%dma_start3A_62 : memref<!tpu.dma_semaphore, #tpu.memory_space<semaphore_mem>>)
    %dma_start3A_71 = arith.constant 0 : i32
    %dma_start3A_72 = arith.constant 0 : i32
    %dma_start3A_73 = arith.constant 0 : i32
    %dma_start3A_74 = arith.constant 0 : i32
    %dma_start3A_75 = arith.constant 0 : i32
    %dma_start3A_76 = tpu.memref_slice %arg9[%dma_start3A_72, %dma_start3A_74, %dma_start3A_75] : memref<2x56x384xf32, #tpu.memory_space<vmem>> -> memref<1x56x384xf32, #tpu.memory_space<vmem>>
    %dma_start3A_77 = tpu.memref_squeeze %dma_start3A_76 : memref<1x56x384xf32, #tpu.memory_space<vmem>> -> memref<56x384xf32, #tpu.memory_space<vmem>>
    %dma_start3A_78 = arith.constant 0 : i32
    %dma_start3A_79 = tpu.memref_slice %arg7[%dma_start3A_71, %dma_start3A_78] : memref<4x56xi32, #tpu.memory_space<vmem>> -> memref<1x56xi32, #tpu.memory_space<vmem>>
    %dma_start3A_80 = tpu.memref_squeeze %dma_start3A_79 : memref<1x56xi32, #tpu.memory_space<vmem>> -> memref<56xi32, #tpu.memory_space<vmem>>
    %dma_start3A_81 = arith.constant 0 : i32
    %dma_start3A_82 = arith.constant 0 : i32
    %dma_start3A_83 = tpu.memref_slice %arg4[%dma_start3A_81, %dma_start3A_82] : memref<8008x384xf32, #tpu.memory_space<hbm>> -> memref<8008x384xf32, #tpu.memory_space<hbm>>
    %dma_start3A_84 = tpu.memref_slice %arg12[%dma_start3A_73] : memref<2x!tpu.dma_semaphore, #tpu.memory_space<semaphore_mem>> -> memref<1x!tpu.dma_semaphore, #tpu.memory_space<semaphore_mem>>
    %dma_start3A_85 = tpu.memref_squeeze %dma_start3A_84 : memref<1x!tpu.dma_semaphore, #tpu.memory_space<semaphore_mem>> -> memref<!tpu.dma_semaphore, #tpu.memory_space<semaphore_mem>>
    tpu.enqueue_indirect_dma source(%dma_start3A_83 : memref<8008x384xf32, #tpu.memory_space<hbm>>) target(%dma_start3A_77 : memref<56x384xf32, #tpu.memory_space<vmem>>) offsets(%dma_start3A_80 : memref<56xi32, #tpu.memory_space<vmem>>) semaphore(%dma_start3A_85 : memref<!tpu.dma_semaphore, #tpu.memory_space<semaphore_mem>>)
    %dma_start3A_86 = arith.constant 0 : i32
    %dma_start3A_87 = arith.constant 1 : i32
    %dma_start3A_88 = arith.constant 1 : i32
    %dma_start3A_89 = arith.constant 0 : i32
    %dma_start3A_90 = arith.constant 0 : i32
    %dma_start3A_91 = tpu.memref_slice %arg9[%dma_start3A_87, %dma_start3A_89, %dma_start3A_90] : memref<2x56x384xf32, #tpu.memory_space<vmem>> -> memref<1x56x384xf32, #tpu.memory_space<vmem>>
    %dma_start3A_92 = tpu.memref_squeeze %dma_start3A_91 : memref<1x56x384xf32, #tpu.memory_space<vmem>> -> memref<56x384xf32, #tpu.memory_space<vmem>>
    %dma_start3A_93 = arith.constant 0 : i32
    %dma_start3A_94 = tpu.memref_slice %arg7[%dma_start3A_86, %dma_start3A_93] : memref<4x56xi32, #tpu.memory_space<vmem>> -> memref<1x56xi32, #tpu.memory_space<vmem>>
    %dma_start3A_95 = tpu.memref_squeeze %dma_start3A_94 : memref<1x56xi32, #tpu.memory_space<vmem>> -> memref<56xi32, #tpu.memory_space<vmem>>
    %dma_start3A_96 = arith.constant 0 : i32
    %dma_start3A_97 = arith.constant 0 : i32
    %dma_start3A_98 = tpu.memref_slice %arg5[%dma_start3A_96, %dma_start3A_97] : memref<8008x384xf32, #tpu.memory_space<hbm>> -> memref<8008x384xf32, #tpu.memory_space<hbm>>
    %dma_start3A_99 = tpu.memref_slice %arg12[%dma_start3A_88] : memref<2x!tpu.dma_semaphore, #tpu.memory_space<semaphore_mem>> -> memref<1x!tpu.dma_semaphore, #tpu.memory_space<semaphore_mem>>
    %dma_start3A_100 = tpu.memref_squeeze %dma_start3A_99 : memref<1x!tpu.dma_semaphore, #tpu.memory_space<semaphore_mem>> -> memref<!tpu.dma_semaphore, #tpu.memory_space<semaphore_mem>>
    tpu.enqueue_indirect_dma source(%dma_start3A_98 : memref<8008x384xf32, #tpu.memory_space<hbm>>) target(%dma_start3A_92 : memref<56x384xf32, #tpu.memory_space<vmem>>) offsets(%dma_start3A_95 : memref<56xi32, #tpu.memory_space<vmem>>) semaphore(%dma_start3A_100 : memref<!tpu.dma_semaphore, #tpu.memory_space<semaphore_mem>>)
    %add3A_101 = arith.constant 1 : i32
    %add3A_102 = arith.addi %mul3A_2, %add3A_101 : i32
    %mul3A_103 = arith.constant 56 : i32
    %mul3A_104 = arith.muli %add3A_102, %mul3A_103 : i32
    %dma_wait3A_105 = arith.constant 1 : i32
    %dma_wait3A_106 = arith.constant 1 : i32
    %dma_wait3A_107 = arith.constant 0 : i32
    %dma_wait3A_108 = tpu.memref_slice %arg7[%dma_wait3A_105, %dma_wait3A_107] : memref<4x56xi32, #tpu.memory_space<vmem>> -> memref<1x56xi32, #tpu.memory_space<vmem>>
    %dma_wait3A_109 = tpu.memref_squeeze %dma_wait3A_108 : memref<1x56xi32, #tpu.memory_space<vmem>> -> memref<56xi32, #tpu.memory_space<vmem>>
    %dma_wait3A_110 = tpu.memref_slice %arg3[%mul3A_104] : memref<229376xi32, #tpu.memory_space<hbm>> -> memref<56xi32, #tpu.memory_space<hbm>>
    %dma_wait3A_111 = tpu.memref_slice %arg10[%dma_wait3A_106] : memref<4x!tpu.dma_semaphore, #tpu.memory_space<semaphore_mem>> -> memref<1x!tpu.dma_semaphore, #tpu.memory_space<semaphore_mem>>
    %dma_wait3A_112 = tpu.memref_squeeze %dma_wait3A_111 : memref<1x!tpu.dma_semaphore, #tpu.memory_space<semaphore_mem>> -> memref<!tpu.dma_semaphore, #tpu.memory_space<semaphore_mem>>
    %dma_wait3A_113 = arith.constant 0 : i32
    %dma_wait3A_114 = tpu.memref_slice %arg7[%dma_wait3A_105, %dma_wait3A_113] : memref<4x56xi32, #tpu.memory_space<vmem>> -> memref<1x56xi32, #tpu.memory_space<vmem>>
    %dma_wait3A_115 = tpu.memref_squeeze %dma_wait3A_114 : memref<1x56xi32, #tpu.memory_space<vmem>> -> memref<56xi32, #tpu.memory_space<vmem>>
    %dma_wait3A_116 = tpu.memref_slice %arg3[%mul3A_104] : memref<229376xi32, #tpu.memory_space<hbm>> -> memref<56xi32, #tpu.memory_space<hbm>>
    tpu.wait_dma2 semaphore(%dma_wait3A_112 : memref<!tpu.dma_semaphore, #tpu.memory_space<semaphore_mem>>) src(%dma_wait3A_116 : memref<56xi32, #tpu.memory_space<hbm>>) dst(%dma_wait3A_115 : memref<56xi32, #tpu.memory_space<vmem>>)
    %scan3A = arith.constant 0 : i32
    %scan3A_117 = arith.constant 0 : i32
    %scan3A_118 = arith.constant 64 : i32
    %scan3A_119 = arith.addi %scan3A_117, %scan3A_118 : i32
    %scan3A_120 = arith.constant 1 : i32
    scf.for %scan3A_166 = %scan3A_117 to %scan3A_119 step %scan3A_120  : i32 {
      %mul3A_167 = arith.constant 2 : i32
      %mul3A_168 = arith.muli %scan3A_166, %mul3A_167 : i32
      %add3A_169 = arith.constant 0 : i32
      %add3A_170 = arith.addi %mul3A_168, %add3A_169 : i32
      %add3A_171 = arith.constant 2 : i32
      %add3A_172 = arith.addi %add3A_170, %add3A_171 : i32
      %lt3A = arith.constant 128 : i32
      %lt3A_173 = arith.cmpi slt, %add3A_172, %lt3A : i32
      %convert_element_type3A = arith.extui %lt3A_173 : i1 to i32
      %cond3A = arith.constant 0 : i32
      %cond3A_174 = arith.cmpi ne, %convert_element_type3A, %cond3A : i32
      scf.if %cond3A_174 {
        %add3A_464 = arith.constant 2 : i32
        %add3A_465 = arith.addi %add3A_170, %add3A_464 : i32
        %add3A_466 = arith.addi %mul3A_2, %add3A_465 : i32
        %mul3A_467 = arith.constant 56 : i32
        %mul3A_468 = arith.muli %add3A_466, %mul3A_467 : i32
        %jit3A_469 = arith.constant 4 : i32
        %eq3A_470 = arith.constant 0 : i32
        %eq3A_471 = arith.cmpi eq, %jit3A_469, %eq3A_470 : i32
        %jit3A_472 = arith.constant 1 : i32
        %select_n3A_473 = arith.select %eq3A_471, %jit3A_472, %jit3A_469 : i32
        %rem3A_474 = arith.remsi %add3A_465, %select_n3A_473 : i32
        %ne3A_475 = arith.constant 0 : i32
        %ne3A_476 = arith.cmpi ne, %rem3A_474, %ne3A_475 : i32
        %lt3A_477 = arith.constant 0 : i32
        %lt3A_478 = arith.cmpi slt, %rem3A_474, %lt3A_477 : i32
        %lt3A_479 = arith.constant 0 : i32
        %lt3A_480 = arith.cmpi slt, %select_n3A_473, %lt3A_479 : i32
        %ne3A_481 = arith.xori %lt3A_478, %lt3A_480 : i1
        %and3A_482 = arith.andi %ne3A_481, %ne3A_476 : i1
        %add3A_483 = arith.addi %rem3A_474, %select_n3A_473 : i32
        %select_n3A_484 = arith.select %and3A_482, %add3A_483, %rem3A_474 : i32
        %jit3A_485 = arith.constant 4 : i32
        %eq3A_486 = arith.constant 0 : i32
        %eq3A_487 = arith.cmpi eq, %jit3A_485, %eq3A_486 : i32
        %jit3A_488 = arith.constant 1 : i32
        %select_n3A_489 = arith.select %eq3A_487, %jit3A_488, %jit3A_485 : i32
        %rem3A_490 = arith.remsi %add3A_465, %select_n3A_489 : i32
        %ne3A_491 = arith.constant 0 : i32
        %ne3A_492 = arith.cmpi ne, %rem3A_490, %ne3A_491 : i32
        %lt3A_493 = arith.constant 0 : i32
        %lt3A_494 = arith.cmpi slt, %rem3A_490, %lt3A_493 : i32
        %lt3A_495 = arith.constant 0 : i32
        %lt3A_496 = arith.cmpi slt, %select_n3A_489, %lt3A_495 : i32
        %ne3A_497 = arith.xori %lt3A_494, %lt3A_496 : i1
        %and3A_498 = arith.andi %ne3A_497, %ne3A_492 : i1
        %add3A_499 = arith.addi %rem3A_490, %select_n3A_489 : i32
        %select_n3A_500 = arith.select %and3A_498, %add3A_499, %rem3A_490 : i32
        %dma_start3A_501 = arith.constant 0 : i32
        %dma_start3A_502 = tpu.memref_slice %arg7[%select_n3A_484, %dma_start3A_501] : memref<4x56xi32, #tpu.memory_space<vmem>> -> memref<1x56xi32, #tpu.memory_space<vmem>>
        %dma_start3A_503 = tpu.memref_squeeze %dma_start3A_502 : memref<1x56xi32, #tpu.memory_space<vmem>> -> memref<56xi32, #tpu.memory_space<vmem>>
        %dma_start3A_504 = tpu.memref_slice %arg3[%mul3A_468] : memref<229376xi32, #tpu.memory_space<hbm>> -> memref<56xi32, #tpu.memory_space<hbm>>
        %dma_start3A_505 = tpu.memref_slice %arg10[%select_n3A_500] : memref<4x!tpu.dma_semaphore, #tpu.memory_space<semaphore_mem>> -> memref<1x!tpu.dma_semaphore, #tpu.memory_space<semaphore_mem>>
        %dma_start3A_506 = tpu.memref_squeeze %dma_start3A_505 : memref<1x!tpu.dma_semaphore, #tpu.memory_space<semaphore_mem>> -> memref<!tpu.dma_semaphore, #tpu.memory_space<semaphore_mem>>
        %dma_start3A_507 = arith.constant 0 : i32
        %dma_start3A_508 = tpu.memref_slice %arg7[%select_n3A_484, %dma_start3A_507] : memref<4x56xi32, #tpu.memory_space<vmem>> -> memref<1x56xi32, #tpu.memory_space<vmem>>
        %dma_start3A_509 = tpu.memref_squeeze %dma_start3A_508 : memref<1x56xi32, #tpu.memory_space<vmem>> -> memref<56xi32, #tpu.memory_space<vmem>>
        %dma_start3A_510 = tpu.memref_slice %arg3[%mul3A_468] : memref<229376xi32, #tpu.memory_space<hbm>> -> memref<56xi32, #tpu.memory_space<hbm>>
        tpu.enqueue_dma source(%dma_start3A_510 : memref<56xi32, #tpu.memory_space<hbm>>) target(%dma_start3A_509 : memref<56xi32, #tpu.memory_space<vmem>>) target_semaphore(%dma_start3A_506 : memref<!tpu.dma_semaphore, #tpu.memory_space<semaphore_mem>>)
      } else {
      }
      %add3A_175 = arith.constant 1 : i32
      %add3A_176 = arith.addi %add3A_170, %add3A_175 : i32
      %lt3A_177 = arith.constant 128 : i32
      %lt3A_178 = arith.cmpi slt, %add3A_176, %lt3A_177 : i32
      %convert_element_type3A_179 = arith.extui %lt3A_178 : i1 to i32
      %cond3A_180 = arith.constant 0 : i32
      %cond3A_181 = arith.cmpi ne, %convert_element_type3A_179, %cond3A_180 : i32
      scf.if %cond3A_181 {
        %ge3A = arith.constant 1 : i32
        %ge3A_464 = arith.cmpi sge, %add3A_170, %ge3A : i32
        %convert_element_type3A_465 = arith.extui %ge3A_464 : i1 to i32
        %cond3A_466 = arith.constant 0 : i32
        %cond3A_467 = arith.cmpi ne, %convert_element_type3A_465, %cond3A_466 : i32
        scf.if %cond3A_467 {
          %sub3A = arith.constant 1 : i32
          %sub3A_491 = arith.subi %add3A_170, %sub3A : i32
          %add3A_492 = arith.addi %mul3A_2, %sub3A_491 : i32
          %dma_wait3A_493 = arith.constant 1 : i32
          %dma_wait3A_494 = arith.constant 1 : i32
          %dma_wait3A_495 = arith.constant 0 : i32
          %dma_wait3A_496 = arith.constant 0 : i32
          %dma_wait3A_497 = tpu.memref_slice %arg8[%dma_wait3A_493, %dma_wait3A_495, %dma_wait3A_496] : memref<2x50x768xf32, #tpu.memory_space<vmem>> -> memref<1x50x768xf32, #tpu.memory_space<vmem>>
          %dma_wait3A_498 = tpu.memref_squeeze %dma_wait3A_497 : memref<1x50x768xf32, #tpu.memory_space<vmem>> -> memref<50x768xf32, #tpu.memory_space<vmem>>
          %dma_wait3A_499 = arith.constant 0 : i32
          %dma_wait3A_500 = arith.constant 0 : i32
          %dma_wait3A_501 = tpu.memref_slice %arg6[%add3A_492, %dma_wait3A_499, %dma_wait3A_500] : memref<4096x50x768xf32, #tpu.memory_space<hbm>> -> memref<1x50x768xf32, #tpu.memory_space<hbm>>
          %dma_wait3A_502 = tpu.memref_squeeze %dma_wait3A_501 : memref<1x50x768xf32, #tpu.memory_space<hbm>> -> memref<50x768xf32, #tpu.memory_space<hbm>>
          %dma_wait3A_503 = tpu.memref_slice %arg13[%dma_wait3A_494] : memref<2x!tpu.dma_semaphore, #tpu.memory_space<semaphore_mem>> -> memref<1x!tpu.dma_semaphore, #tpu.memory_space<semaphore_mem>>
          %dma_wait3A_504 = tpu.memref_squeeze %dma_wait3A_503 : memref<1x!tpu.dma_semaphore, #tpu.memory_space<semaphore_mem>> -> memref<!tpu.dma_semaphore, #tpu.memory_space<semaphore_mem>>
          %dma_wait3A_505 = arith.constant 0 : i32
          %dma_wait3A_506 = arith.constant 0 : i32
          %dma_wait3A_507 = tpu.memref_slice %arg6[%add3A_492, %dma_wait3A_505, %dma_wait3A_506] : memref<4096x50x768xf32, #tpu.memory_space<hbm>> -> memref<1x50x768xf32, #tpu.memory_space<hbm>>
          %dma_wait3A_508 = tpu.memref_squeeze %dma_wait3A_507 : memref<1x50x768xf32, #tpu.memory_space<hbm>> -> memref<50x768xf32, #tpu.memory_space<hbm>>
          %dma_wait3A_509 = arith.constant 0 : i32
          %dma_wait3A_510 = arith.constant 0 : i32
          %dma_wait3A_511 = tpu.memref_slice %arg8[%dma_wait3A_493, %dma_wait3A_509, %dma_wait3A_510] : memref<2x50x768xf32, #tpu.memory_space<vmem>> -> memref<1x50x768xf32, #tpu.memory_space<vmem>>
          %dma_wait3A_512 = tpu.memref_squeeze %dma_wait3A_511 : memref<1x50x768xf32, #tpu.memory_space<vmem>> -> memref<50x768xf32, #tpu.memory_space<vmem>>
          tpu.wait_dma2 semaphore(%dma_wait3A_504 : memref<!tpu.dma_semaphore, #tpu.memory_space<semaphore_mem>>) src(%dma_wait3A_512 : memref<50x768xf32, #tpu.memory_space<vmem>>) dst(%dma_wait3A_508 : memref<50x768xf32, #tpu.memory_space<hbm>>)
        } else {
        }
        %add3A_468 = arith.constant 1 : i32
        %add3A_469 = arith.addi %add3A_170, %add3A_468 : i32
        %add3A_470 = arith.addi %mul3A_2, %add3A_469 : i32
        %dma_start3A_471 = arith.constant 1 : i32
        %dma_start3A_472 = arith.constant 1 : i32
        %dma_start3A_473 = arith.constant 0 : i32
        %dma_start3A_474 = arith.constant 0 : i32
        %dma_start3A_475 = tpu.memref_slice %arg8[%dma_start3A_471, %dma_start3A_473, %dma_start3A_474] : memref<2x50x768xf32, #tpu.memory_space<vmem>> -> memref<1x50x768xf32, #tpu.memory_space<vmem>>
        %dma_start3A_476 = tpu.memref_squeeze %dma_start3A_475 : memref<1x50x768xf32, #tpu.memory_space<vmem>> -> memref<50x768xf32, #tpu.memory_space<vmem>>
        %dma_start3A_477 = arith.constant 0 : i32
        %dma_start3A_478 = arith.constant 0 : i32
        %dma_start3A_479 = tpu.memref_slice %arg2[%add3A_470, %dma_start3A_477, %dma_start3A_478] : memref<4096x50x768xf32, #tpu.memory_space<hbm>> -> memref<1x50x768xf32, #tpu.memory_space<hbm>>
        %dma_start3A_480 = tpu.memref_squeeze %dma_start3A_479 : memref<1x50x768xf32, #tpu.memory_space<hbm>> -> memref<50x768xf32, #tpu.memory_space<hbm>>
        %dma_start3A_481 = tpu.memref_slice %arg11[%dma_start3A_472] : memref<2x!tpu.dma_semaphore, #tpu.memory_space<semaphore_mem>> -> memref<1x!tpu.dma_semaphore, #tpu.memory_space<semaphore_mem>>
        %dma_start3A_482 = tpu.memref_squeeze %dma_start3A_481 : memref<1x!tpu.dma_semaphore, #tpu.memory_space<semaphore_mem>> -> memref<!tpu.dma_semaphore, #tpu.memory_space<semaphore_mem>>
        %dma_start3A_483 = arith.constant 0 : i32
        %dma_start3A_484 = arith.constant 0 : i32
        %dma_start3A_485 = tpu.memref_slice %arg8[%dma_start3A_471, %dma_start3A_483, %dma_start3A_484] : memref<2x50x768xf32, #tpu.memory_space<vmem>> -> memref<1x50x768xf32, #tpu.memory_space<vmem>>
        %dma_start3A_486 = tpu.memref_squeeze %dma_start3A_485 : memref<1x50x768xf32, #tpu.memory_space<vmem>> -> memref<50x768xf32, #tpu.memory_space<vmem>>
        %dma_start3A_487 = arith.constant 0 : i32
        %dma_start3A_488 = arith.constant 0 : i32
        %dma_start3A_489 = tpu.memref_slice %arg2[%add3A_470, %dma_start3A_487, %dma_start3A_488] : memref<4096x50x768xf32, #tpu.memory_space<hbm>> -> memref<1x50x768xf32, #tpu.memory_space<hbm>>
        %dma_start3A_490 = tpu.memref_squeeze %dma_start3A_489 : memref<1x50x768xf32, #tpu.memory_space<hbm>> -> memref<50x768xf32, #tpu.memory_space<hbm>>
        tpu.enqueue_dma source(%dma_start3A_490 : memref<50x768xf32, #tpu.memory_space<hbm>>) target(%dma_start3A_486 : memref<50x768xf32, #tpu.memory_space<vmem>>) target_semaphore(%dma_start3A_482 : memref<!tpu.dma_semaphore, #tpu.memory_space<semaphore_mem>>)
      } else {
      }
      %add3A_182 = arith.addi %mul3A_2, %add3A_170 : i32
      %dma_wait3A_183 = arith.constant 0 : i32
      %dma_wait3A_184 = arith.constant 0 : i32
      %dma_wait3A_185 = arith.constant 0 : i32
      %dma_wait3A_186 = arith.constant 0 : i32
      %dma_wait3A_187 = tpu.memref_slice %arg8[%dma_wait3A_183, %dma_wait3A_185, %dma_wait3A_186] : memref<2x50x768xf32, #tpu.memory_space<vmem>> -> memref<1x50x768xf32, #tpu.memory_space<vmem>>
      %dma_wait3A_188 = tpu.memref_squeeze %dma_wait3A_187 : memref<1x50x768xf32, #tpu.memory_space<vmem>> -> memref<50x768xf32, #tpu.memory_space<vmem>>
      %dma_wait3A_189 = arith.constant 0 : i32
      %dma_wait3A_190 = arith.constant 0 : i32
      %dma_wait3A_191 = tpu.memref_slice %arg2[%add3A_182, %dma_wait3A_189, %dma_wait3A_190] : memref<4096x50x768xf32, #tpu.memory_space<hbm>> -> memref<1x50x768xf32, #tpu.memory_space<hbm>>
      %dma_wait3A_192 = tpu.memref_squeeze %dma_wait3A_191 : memref<1x50x768xf32, #tpu.memory_space<hbm>> -> memref<50x768xf32, #tpu.memory_space<hbm>>
      %dma_wait3A_193 = tpu.memref_slice %arg11[%dma_wait3A_184] : memref<2x!tpu.dma_semaphore, #tpu.memory_space<semaphore_mem>> -> memref<1x!tpu.dma_semaphore, #tpu.memory_space<semaphore_mem>>
      %dma_wait3A_194 = tpu.memref_squeeze %dma_wait3A_193 : memref<1x!tpu.dma_semaphore, #tpu.memory_space<semaphore_mem>> -> memref<!tpu.dma_semaphore, #tpu.memory_space<semaphore_mem>>
      %dma_wait3A_195 = arith.constant 0 : i32
      %dma_wait3A_196 = arith.constant 0 : i32
      %dma_wait3A_197 = tpu.memref_slice %arg8[%dma_wait3A_183, %dma_wait3A_195, %dma_wait3A_196] : memref<2x50x768xf32, #tpu.memory_space<vmem>> -> memref<1x50x768xf32, #tpu.memory_space<vmem>>
      %dma_wait3A_198 = tpu.memref_squeeze %dma_wait3A_197 : memref<1x50x768xf32, #tpu.memory_space<vmem>> -> memref<50x768xf32, #tpu.memory_space<vmem>>
      %dma_wait3A_199 = arith.constant 0 : i32
      %dma_wait3A_200 = arith.constant 0 : i32
      %dma_wait3A_201 = tpu.memref_slice %arg2[%add3A_182, %dma_wait3A_199, %dma_wait3A_200] : memref<4096x50x768xf32, #tpu.memory_space<hbm>> -> memref<1x50x768xf32, #tpu.memory_space<hbm>>
      %dma_wait3A_202 = tpu.memref_squeeze %dma_wait3A_201 : memref<1x50x768xf32, #tpu.memory_space<hbm>> -> memref<50x768xf32, #tpu.memory_space<hbm>>
      tpu.wait_dma2 semaphore(%dma_wait3A_194 : memref<!tpu.dma_semaphore, #tpu.memory_space<semaphore_mem>>) src(%dma_wait3A_202 : memref<50x768xf32, #tpu.memory_space<hbm>>) dst(%dma_wait3A_198 : memref<50x768xf32, #tpu.memory_space<vmem>>)
      %jit3A = arith.constant 4 : i32
      %eq3A = arith.constant 0 : i32
      %eq3A_203 = arith.cmpi eq, %jit3A, %eq3A : i32
      %jit3A_204 = arith.constant 1 : i32
      %select_n3A = arith.select %eq3A_203, %jit3A_204, %jit3A : i32
      %rem3A = arith.remsi %add3A_170, %select_n3A : i32
      %ne3A = arith.constant 0 : i32
      %ne3A_205 = arith.cmpi ne, %rem3A, %ne3A : i32
      %lt3A_206 = arith.constant 0 : i32
      %lt3A_207 = arith.cmpi slt, %rem3A, %lt3A_206 : i32
      %lt3A_208 = arith.constant 0 : i32
      %lt3A_209 = arith.cmpi slt, %select_n3A, %lt3A_208 : i32
      %ne3A_210 = arith.xori %lt3A_207, %lt3A_209 : i1
      %and3A = arith.andi %ne3A_210, %ne3A_205 : i1
      %add3A_211 = arith.addi %rem3A, %select_n3A : i32
      %select_n3A_212 = arith.select %and3A, %add3A_211, %rem3A : i32
      %dma_wait3A_213 = arith.constant 0 : i32
      %dma_wait3A_214 = arith.constant 0 : i32
      %dma_wait3A_215 = arith.constant 0 : i32
      %dma_wait3A_216 = arith.constant 0 : i32
      %dma_wait3A_217 = tpu.memref_slice %arg9[%dma_wait3A_213, %dma_wait3A_215, %dma_wait3A_216] : memref<2x56x384xf32, #tpu.memory_space<vmem>> -> memref<1x56x384xf32, #tpu.memory_space<vmem>>
      %dma_wait3A_218 = tpu.memref_squeeze %dma_wait3A_217 : memref<1x56x384xf32, #tpu.memory_space<vmem>> -> memref<56x384xf32, #tpu.memory_space<vmem>>
      %dma_wait3A_219 = arith.constant 0 : i32
      %dma_wait3A_220 = tpu.memref_slice %arg7[%select_n3A_212, %dma_wait3A_219] : memref<4x56xi32, #tpu.memory_space<vmem>> -> memref<1x56xi32, #tpu.memory_space<vmem>>
      %dma_wait3A_221 = tpu.memref_squeeze %dma_wait3A_220 : memref<1x56xi32, #tpu.memory_space<vmem>> -> memref<56xi32, #tpu.memory_space<vmem>>
      %dma_wait3A_222 = arith.constant 0 : i32
      %dma_wait3A_223 = arith.constant 0 : i32
      %dma_wait3A_224 = tpu.memref_slice %arg4[%dma_wait3A_222, %dma_wait3A_223] : memref<8008x384xf32, #tpu.memory_space<hbm>> -> memref<8008x384xf32, #tpu.memory_space<hbm>>
      %dma_wait3A_225 = tpu.memref_slice %arg12[%dma_wait3A_214] : memref<2x!tpu.dma_semaphore, #tpu.memory_space<semaphore_mem>> -> memref<1x!tpu.dma_semaphore, #tpu.memory_space<semaphore_mem>>
      %dma_wait3A_226 = tpu.memref_squeeze %dma_wait3A_225 : memref<1x!tpu.dma_semaphore, #tpu.memory_space<semaphore_mem>> -> memref<!tpu.dma_semaphore, #tpu.memory_space<semaphore_mem>>
      tpu.wait_indirect_dma semaphore(%dma_wait3A_226 : memref<!tpu.dma_semaphore, #tpu.memory_space<semaphore_mem>>) src(%dma_wait3A_224 : memref<8008x384xf32, #tpu.memory_space<hbm>>) dst(%dma_wait3A_218 : memref<56x384xf32, #tpu.memory_space<vmem>>)
      %scan3A_227 = arith.constant 0 : i32
      %scan3A_228 = arith.constant 0 : i32
      %scan3A_229 = arith.constant 50 : i32
      %scan3A_230 = arith.addi %scan3A_228, %scan3A_229 : i32
      %scan3A_231 = arith.constant 1 : i32
      scf.for %scan3A_464 = %scan3A_228 to %scan3A_230 step %scan3A_231  : i32 {
        %get3A = arith.constant 0 : i32
        %get3A_465 = arith.index_cast %get3A : i32 to index
        %get3A_466 = arith.index_cast %scan3A_464 : i32 to index
        %get3A_467 = arith.constant 0 : index
        %get3A_468 = tpu.vector_load %arg9[%get3A_465, %get3A_466, %get3A_467] {strides = array<i32>} : memref<2x56x384xf32, #tpu.memory_space<vmem>>, vector<1x1x16xf32>,
        %get3A_469 = vector.shape_cast %get3A_468 : vector<1x1x16xf32> to vector<16xf32>
        %swap3A = arith.constant 0 : i32
        %swap3A_470 = arith.index_cast %swap3A : i32 to index
        %swap3A_471 = arith.index_cast %scan3A_464 : i32 to index
        %swap3A_472 = arith.constant 0 : index
        %swap3A_473 = tpu.vector_load %arg8[%swap3A_470, %swap3A_471, %swap3A_472] {strides = array<i32>} : memref<2x50x768xf32, #tpu.memory_space<vmem>>, vector<1x1x16xf32>,
        %swap3A_474 = vector.shape_cast %swap3A_473 : vector<1x1x16xf32> to vector<16xf32>
        %swap3A_475 = vector.shape_cast %get3A_469 : vector<16xf32> to vector<1x1x16xf32>
        tpu.vector_store %arg8[%swap3A_470, %swap3A_471, %swap3A_472], %swap3A_475 {add = true, strides = array<i32>} : memref<2x50x768xf32, #tpu.memory_space<vmem>>, vector<1x1x16xf32>,
        %get3A_476 = arith.constant 0 : i32
        %get3A_477 = arith.index_cast %get3A_476 : i32 to index
        %get3A_478 = arith.index_cast %scan3A_464 : i32 to index
        %get3A_479 = arith.constant 16 : index
        %get3A_480 = tpu.vector_load %arg9[%get3A_477, %get3A_478, %get3A_479] {strides = array<i32>} : memref<2x56x384xf32, #tpu.memory_space<vmem>>, vector<1x1x16xf32>,
        %get3A_481 = vector.shape_cast %get3A_480 : vector<1x1x16xf32> to vector<16xf32>
        %swap3A_482 = arith.constant 0 : i32
        %swap3A_483 = arith.index_cast %swap3A_482 : i32 to index
        %swap3A_484 = arith.index_cast %scan3A_464 : i32 to index
        %swap3A_485 = arith.constant 16 : index
        %swap3A_486 = tpu.vector_load %arg8[%swap3A_483, %swap3A_484, %swap3A_485] {strides = array<i32>} : memref<2x50x768xf32, #tpu.memory_space<vmem>>, vector<1x1x16xf32>,
        %swap3A_487 = vector.shape_cast %swap3A_486 : vector<1x1x16xf32> to vector<16xf32>
        %swap3A_488 = vector.shape_cast %get3A_481 : vector<16xf32> to vector<1x1x16xf32>
        tpu.vector_store %arg8[%swap3A_483, %swap3A_484, %swap3A_485], %swap3A_488 {add = true, strides = array<i32>} : memref<2x50x768xf32, #tpu.memory_space<vmem>>, vector<1x1x16xf32>,
        %get3A_489 = arith.constant 0 : i32
        %get3A_490 = arith.index_cast %get3A_489 : i32 to index
        %get3A_491 = arith.index_cast %scan3A_464 : i32 to index
        %get3A_492 = arith.constant 32 : index
        %get3A_493 = tpu.vector_load %arg9[%get3A_490, %get3A_491, %get3A_492] {strides = array<i32>} : memref<2x56x384xf32, #tpu.memory_space<vmem>>, vector<1x1x16xf32>,
        %get3A_494 = vector.shape_cast %get3A_493 : vector<1x1x16xf32> to vector<16xf32>
        %swap3A_495 = arith.constant 0 : i32
        %swap3A_496 = arith.index_cast %swap3A_495 : i32 to index
        %swap3A_497 = arith.index_cast %scan3A_464 : i32 to index
        %swap3A_498 = arith.constant 32 : index
        %swap3A_499 = tpu.vector_load %arg8[%swap3A_496, %swap3A_497, %swap3A_498] {strides = array<i32>} : memref<2x50x768xf32, #tpu.memory_space<vmem>>, vector<1x1x16xf32>,
        %swap3A_500 = vector.shape_cast %swap3A_499 : vector<1x1x16xf32> to vector<16xf32>
        %swap3A_501 = vector.shape_cast %get3A_494 : vector<16xf32> to vector<1x1x16xf32>
        tpu.vector_store %arg8[%swap3A_496, %swap3A_497, %swap3A_498], %swap3A_501 {add = true, strides = array<i32>} : memref<2x50x768xf32, #tpu.memory_space<vmem>>, vector<1x1x16xf32>,
        %get3A_502 = arith.constant 0 : i32
        %get3A_503 = arith.index_cast %get3A_502 : i32 to index
        %get3A_504 = arith.index_cast %scan3A_464 : i32 to index
        %get3A_505 = arith.constant 48 : index
        %get3A_506 = tpu.vector_load %arg9[%get3A_503, %get3A_504, %get3A_505] {strides = array<i32>} : memref<2x56x384xf32, #tpu.memory_space<vmem>>, vector<1x1x16xf32>,
        %get3A_507 = vector.shape_cast %get3A_506 : vector<1x1x16xf32> to vector<16xf32>
        %swap3A_508 = arith.constant 0 : i32
        %swap3A_509 = arith.index_cast %swap3A_508 : i32 to index
        %swap3A_510 = arith.index_cast %scan3A_464 : i32 to index
        %swap3A_511 = arith.constant 48 : index
        %swap3A_512 = tpu.vector_load %arg8[%swap3A_509, %swap3A_510, %swap3A_511] {strides = array<i32>} : memref<2x50x768xf32, #tpu.memory_space<vmem>>, vector<1x1x16xf32>,
        %swap3A_513 = vector.shape_cast %swap3A_512 : vector<1x1x16xf32> to vector<16xf32>
        %swap3A_514 = vector.shape_cast %get3A_507 : vector<16xf32> to vector<1x1x16xf32>
        tpu.vector_store %arg8[%swap3A_509, %swap3A_510, %swap3A_511], %swap3A_514 {add = true, strides = array<i32>} : memref<2x50x768xf32, #tpu.memory_space<vmem>>, vector<1x1x16xf32>,
        %get3A_515 = arith.constant 0 : i32
        %get3A_516 = arith.index_cast %get3A_515 : i32 to index
        %get3A_517 = arith.index_cast %scan3A_464 : i32 to index
        %get3A_518 = arith.constant 64 : index
        %get3A_519 = tpu.vector_load %arg9[%get3A_516, %get3A_517, %get3A_518] {strides = array<i32>} : memref<2x56x384xf32, #tpu.memory_space<vmem>>, vector<1x1x16xf32>,
        %get3A_520 = vector.shape_cast %get3A_519 : vector<1x1x16xf32> to vector<16xf32>
        %swap3A_521 = arith.constant 0 : i32
        %swap3A_522 = arith.index_cast %swap3A_521 : i32 to index
        %swap3A_523 = arith.index_cast %scan3A_464 : i32 to index
        %swap3A_524 = arith.constant 64 : index
        %swap3A_525 = tpu.vector_load %arg8[%swap3A_522, %swap3A_523, %swap3A_524] {strides = array<i32>} : memref<2x50x768xf32, #tpu.memory_space<vmem>>, vector<1x1x16xf32>,
        %swap3A_526 = vector.shape_cast %swap3A_525 : vector<1x1x16xf32> to vector<16xf32>
        %swap3A_527 = vector.shape_cast %get3A_520 : vector<16xf32> to vector<1x1x16xf32>
        tpu.vector_store %arg8[%swap3A_522, %swap3A_523, %swap3A_524], %swap3A_527 {add = true, strides = array<i32>} : memref<2x50x768xf32, #tpu.memory_space<vmem>>, vector<1x1x16xf32>,
        %get3A_528 = arith.constant 0 : i32
        %get3A_529 = arith.index_cast %get3A_528 : i32 to index
        %get3A_530 = arith.index_cast %scan3A_464 : i32 to index
        %get3A_531 = arith.constant 80 : index
        %get3A_532 = tpu.vector_load %arg9[%get3A_529, %get3A_530, %get3A_531] {strides = array<i32>} : memref<2x56x384xf32, #tpu.memory_space<vmem>>, vector<1x1x16xf32>,
        %get3A_533 = vector.shape_cast %get3A_532 : vector<1x1x16xf32> to vector<16xf32>
        %swap3A_534 = arith.constant 0 : i32
        %swap3A_535 = arith.index_cast %swap3A_534 : i32 to index
        %swap3A_536 = arith.index_cast %scan3A_464 : i32 to index
        %swap3A_537 = arith.constant 80 : index
        %swap3A_538 = tpu.vector_load %arg8[%swap3A_535, %swap3A_536, %swap3A_537] {strides = array<i32>} : memref<2x50x768xf32, #tpu.memory_space<vmem>>, vector<1x1x16xf32>,
        %swap3A_539 = vector.shape_cast %swap3A_538 : vector<1x1x16xf32> to vector<16xf32>
        %swap3A_540 = vector.shape_cast %get3A_533 : vector<16xf32> to vector<1x1x16xf32>
        tpu.vector_store %arg8[%swap3A_535, %swap3A_536, %swap3A_537], %swap3A_540 {add = true, strides = array<i32>} : memref<2x50x768xf32, #tpu.memory_space<vmem>>, vector<1x1x16xf32>,
        %get3A_541 = arith.constant 0 : i32
        %get3A_542 = arith.index_cast %get3A_541 : i32 to index
        %get3A_543 = arith.index_cast %scan3A_464 : i32 to index
        %get3A_544 = arith.constant 96 : index
        %get3A_545 = tpu.vector_load %arg9[%get3A_542, %get3A_543, %get3A_544] {strides = array<i32>} : memref<2x56x384xf32, #tpu.memory_space<vmem>>, vector<1x1x16xf32>,
        %get3A_546 = vector.shape_cast %get3A_545 : vector<1x1x16xf32> to vector<16xf32>
        %swap3A_547 = arith.constant 0 : i32
        %swap3A_548 = arith.index_cast %swap3A_547 : i32 to index
        %swap3A_549 = arith.index_cast %scan3A_464 : i32 to index
        %swap3A_550 = arith.constant 96 : index
        %swap3A_551 = tpu.vector_load %arg8[%swap3A_548, %swap3A_549, %swap3A_550] {strides = array<i32>} : memref<2x50x768xf32, #tpu.memory_space<vmem>>, vector<1x1x16xf32>,
        %swap3A_552 = vector.shape_cast %swap3A_551 : vector<1x1x16xf32> to vector<16xf32>
        %swap3A_553 = vector.shape_cast %get3A_546 : vector<16xf32> to vector<1x1x16xf32>
        tpu.vector_store %arg8[%swap3A_548, %swap3A_549, %swap3A_550], %swap3A_553 {add = true, strides = array<i32>} : memref<2x50x768xf32, #tpu.memory_space<vmem>>, vector<1x1x16xf32>,
        %get3A_554 = arith.constant 0 : i32
        %get3A_555 = arith.index_cast %get3A_554 : i32 to index
        %get3A_556 = arith.index_cast %scan3A_464 : i32 to index
        %get3A_557 = arith.constant 112 : index
        %get3A_558 = tpu.vector_load %arg9[%get3A_555, %get3A_556, %get3A_557] {strides = array<i32>} : memref<2x56x384xf32, #tpu.memory_space<vmem>>, vector<1x1x16xf32>,
        %get3A_559 = vector.shape_cast %get3A_558 : vector<1x1x16xf32> to vector<16xf32>
        %swap3A_560 = arith.constant 0 : i32
        %swap3A_561 = arith.index_cast %swap3A_560 : i32 to index
        %swap3A_562 = arith.index_cast %scan3A_464 : i32 to index
        %swap3A_563 = arith.constant 112 : index
        %swap3A_564 = tpu.vector_load %arg8[%swap3A_561, %swap3A_562, %swap3A_563] {strides = array<i32>} : memref<2x50x768xf32, #tpu.memory_space<vmem>>, vector<1x1x16xf32>,
        %swap3A_565 = vector.shape_cast %swap3A_564 : vector<1x1x16xf32> to vector<16xf32>
        %swap3A_566 = vector.shape_cast %get3A_559 : vector<16xf32> to vector<1x1x16xf32>
        tpu.vector_store %arg8[%swap3A_561, %swap3A_562, %swap3A_563], %swap3A_566 {add = true, strides = array<i32>} : memref<2x50x768xf32, #tpu.memory_space<vmem>>, vector<1x1x16xf32>,
        %get3A_567 = arith.constant 0 : i32
        %get3A_568 = arith.index_cast %get3A_567 : i32 to index
        %get3A_569 = arith.index_cast %scan3A_464 : i32 to index
        %get3A_570 = arith.constant 128 : index
        %get3A_571 = tpu.vector_load %arg9[%get3A_568, %get3A_569, %get3A_570] {strides = array<i32>} : memref<2x56x384xf32, #tpu.memory_space<vmem>>, vector<1x1x16xf32>,
        %get3A_572 = vector.shape_cast %get3A_571 : vector<1x1x16xf32> to vector<16xf32>
        %swap3A_573 = arith.constant 0 : i32
        %swap3A_574 = arith.index_cast %swap3A_573 : i32 to index
        %swap3A_575 = arith.index_cast %scan3A_464 : i32 to index
        %swap3A_576 = arith.constant 128 : index
        %swap3A_577 = tpu.vector_load %arg8[%swap3A_574, %swap3A_575, %swap3A_576] {strides = array<i32>} : memref<2x50x768xf32, #tpu.memory_space<vmem>>, vector<1x1x16xf32>,
        %swap3A_578 = vector.shape_cast %swap3A_577 : vector<1x1x16xf32> to vector<16xf32>
        %swap3A_579 = vector.shape_cast %get3A_572 : vector<16xf32> to vector<1x1x16xf32>
        tpu.vector_store %arg8[%swap3A_574, %swap3A_575, %swap3A_576], %swap3A_579 {add = true, strides = array<i32>} : memref<2x50x768xf32, #tpu.memory_space<vmem>>, vector<1x1x16xf32>,
        %get3A_580 = arith.constant 0 : i32
        %get3A_581 = arith.index_cast %get3A_580 : i32 to index
        %get3A_582 = arith.index_cast %scan3A_464 : i32 to index
        %get3A_583 = arith.constant 144 : index
        %get3A_584 = tpu.vector_load %arg9[%get3A_581, %get3A_582, %get3A_583] {strides = array<i32>} : memref<2x56x384xf32, #tpu.memory_space<vmem>>, vector<1x1x16xf32>,
        %get3A_585 = vector.shape_cast %get3A_584 : vector<1x1x16xf32> to vector<16xf32>
        %swap3A_586 = arith.constant 0 : i32
        %swap3A_587 = arith.index_cast %swap3A_586 : i32 to index
        %swap3A_588 = arith.index_cast %scan3A_464 : i32 to index
        %swap3A_589 = arith.constant 144 : index
        %swap3A_590 = tpu.vector_load %arg8[%swap3A_587, %swap3A_588, %swap3A_589] {strides = array<i32>} : memref<2x50x768xf32, #tpu.memory_space<vmem>>, vector<1x1x16xf32>,
        %swap3A_591 = vector.shape_cast %swap3A_590 : vector<1x1x16xf32> to vector<16xf32>
        %swap3A_592 = vector.shape_cast %get3A_585 : vector<16xf32> to vector<1x1x16xf32>
        tpu.vector_store %arg8[%swap3A_587, %swap3A_588, %swap3A_589], %swap3A_592 {add = true, strides = array<i32>} : memref<2x50x768xf32, #tpu.memory_space<vmem>>, vector<1x1x16xf32>,
        %get3A_593 = arith.constant 0 : i32
        %get3A_594 = arith.index_cast %get3A_593 : i32 to index
        %get3A_595 = arith.index_cast %scan3A_464 : i32 to index
        %get3A_596 = arith.constant 160 : index
        %get3A_597 = tpu.vector_load %arg9[%get3A_594, %get3A_595, %get3A_596] {strides = array<i32>} : memref<2x56x384xf32, #tpu.memory_space<vmem>>, vector<1x1x16xf32>,
        %get3A_598 = vector.shape_cast %get3A_597 : vector<1x1x16xf32> to vector<16xf32>
        %swap3A_599 = arith.constant 0 : i32
        %swap3A_600 = arith.index_cast %swap3A_599 : i32 to index
        %swap3A_601 = arith.index_cast %scan3A_464 : i32 to index
        %swap3A_602 = arith.constant 160 : index
        %swap3A_603 = tpu.vector_load %arg8[%swap3A_600, %swap3A_601, %swap3A_602] {strides = array<i32>} : memref<2x50x768xf32, #tpu.memory_space<vmem>>, vector<1x1x16xf32>,
        %swap3A_604 = vector.shape_cast %swap3A_603 : vector<1x1x16xf32> to vector<16xf32>
        %swap3A_605 = vector.shape_cast %get3A_598 : vector<16xf32> to vector<1x1x16xf32>
        tpu.vector_store %arg8[%swap3A_600, %swap3A_601, %swap3A_602], %swap3A_605 {add = true, strides = array<i32>} : memref<2x50x768xf32, #tpu.memory_space<vmem>>, vector<1x1x16xf32>,
        %get3A_606 = arith.constant 0 : i32
        %get3A_607 = arith.index_cast %get3A_606 : i32 to index
        %get3A_608 = arith.index_cast %scan3A_464 : i32 to index
        %get3A_609 = arith.constant 176 : index
        %get3A_610 = tpu.vector_load %arg9[%get3A_607, %get3A_608, %get3A_609] {strides = array<i32>} : memref<2x56x384xf32, #tpu.memory_space<vmem>>, vector<1x1x16xf32>,
        %get3A_611 = vector.shape_cast %get3A_610 : vector<1x1x16xf32> to vector<16xf32>
        %swap3A_612 = arith.constant 0 : i32
        %swap3A_613 = arith.index_cast %swap3A_612 : i32 to index
        %swap3A_614 = arith.index_cast %scan3A_464 : i32 to index
        %swap3A_615 = arith.constant 176 : index
        %swap3A_616 = tpu.vector_load %arg8[%swap3A_613, %swap3A_614, %swap3A_615] {strides = array<i32>} : memref<2x50x768xf32, #tpu.memory_space<vmem>>, vector<1x1x16xf32>,
        %swap3A_617 = vector.shape_cast %swap3A_616 : vector<1x1x16xf32> to vector<16xf32>
        %swap3A_618 = vector.shape_cast %get3A_611 : vector<16xf32> to vector<1x1x16xf32>
        tpu.vector_store %arg8[%swap3A_613, %swap3A_614, %swap3A_615], %swap3A_618 {add = true, strides = array<i32>} : memref<2x50x768xf32, #tpu.memory_space<vmem>>, vector<1x1x16xf32>,
        %get3A_619 = arith.constant 0 : i32
        %get3A_620 = arith.index_cast %get3A_619 : i32 to index
        %get3A_621 = arith.index_cast %scan3A_464 : i32 to index
        %get3A_622 = arith.constant 192 : index
        %get3A_623 = tpu.vector_load %arg9[%get3A_620, %get3A_621, %get3A_622] {strides = array<i32>} : memref<2x56x384xf32, #tpu.memory_space<vmem>>, vector<1x1x16xf32>,
        %get3A_624 = vector.shape_cast %get3A_623 : vector<1x1x16xf32> to vector<16xf32>
        %swap3A_625 = arith.constant 0 : i32
        %swap3A_626 = arith.index_cast %swap3A_625 : i32 to index
        %swap3A_627 = arith.index_cast %scan3A_464 : i32 to index
        %swap3A_628 = arith.constant 192 : index
        %swap3A_629 = tpu.vector_load %arg8[%swap3A_626, %swap3A_627, %swap3A_628] {strides = array<i32>} : memref<2x50x768xf32, #tpu.memory_space<vmem>>, vector<1x1x16xf32>,
        %swap3A_630 = vector.shape_cast %swap3A_629 : vector<1x1x16xf32> to vector<16xf32>
        %swap3A_631 = vector.shape_cast %get3A_624 : vector<16xf32> to vector<1x1x16xf32>
        tpu.vector_store %arg8[%swap3A_626, %swap3A_627, %swap3A_628], %swap3A_631 {add = true, strides = array<i32>} : memref<2x50x768xf32, #tpu.memory_space<vmem>>, vector<1x1x16xf32>,
        %get3A_632 = arith.constant 0 : i32
        %get3A_633 = arith.index_cast %get3A_632 : i32 to index
        %get3A_634 = arith.index_cast %scan3A_464 : i32 to index
        %get3A_635 = arith.constant 208 : index
        %get3A_636 = tpu.vector_load %arg9[%get3A_633, %get3A_634, %get3A_635] {strides = array<i32>} : memref<2x56x384xf32, #tpu.memory_space<vmem>>, vector<1x1x16xf32>,
        %get3A_637 = vector.shape_cast %get3A_636 : vector<1x1x16xf32> to vector<16xf32>
        %swap3A_638 = arith.constant 0 : i32
        %swap3A_639 = arith.index_cast %swap3A_638 : i32 to index
        %swap3A_640 = arith.index_cast %scan3A_464 : i32 to index
        %swap3A_641 = arith.constant 208 : index
        %swap3A_642 = tpu.vector_load %arg8[%swap3A_639, %swap3A_640, %swap3A_641] {strides = array<i32>} : memref<2x50x768xf32, #tpu.memory_space<vmem>>, vector<1x1x16xf32>,
        %swap3A_643 = vector.shape_cast %swap3A_642 : vector<1x1x16xf32> to vector<16xf32>
        %swap3A_644 = vector.shape_cast %get3A_637 : vector<16xf32> to vector<1x1x16xf32>
        tpu.vector_store %arg8[%swap3A_639, %swap3A_640, %swap3A_641], %swap3A_644 {add = true, strides = array<i32>} : memref<2x50x768xf32, #tpu.memory_space<vmem>>, vector<1x1x16xf32>,
        %get3A_645 = arith.constant 0 : i32
        %get3A_646 = arith.index_cast %get3A_645 : i32 to index
        %get3A_647 = arith.index_cast %scan3A_464 : i32 to index
        %get3A_648 = arith.constant 224 : index
        %get3A_649 = tpu.vector_load %arg9[%get3A_646, %get3A_647, %get3A_648] {strides = array<i32>} : memref<2x56x384xf32, #tpu.memory_space<vmem>>, vector<1x1x16xf32>,
        %get3A_650 = vector.shape_cast %get3A_649 : vector<1x1x16xf32> to vector<16xf32>
        %swap3A_651 = arith.constant 0 : i32
        %swap3A_652 = arith.index_cast %swap3A_651 : i32 to index
        %swap3A_653 = arith.index_cast %scan3A_464 : i32 to index
        %swap3A_654 = arith.constant 224 : index
        %swap3A_655 = tpu.vector_load %arg8[%swap3A_652, %swap3A_653, %swap3A_654] {strides = array<i32>} : memref<2x50x768xf32, #tpu.memory_space<vmem>>, vector<1x1x16xf32>,
        %swap3A_656 = vector.shape_cast %swap3A_655 : vector<1x1x16xf32> to vector<16xf32>
        %swap3A_657 = vector.shape_cast %get3A_650 : vector<16xf32> to vector<1x1x16xf32>
        tpu.vector_store %arg8[%swap3A_652, %swap3A_653, %swap3A_654], %swap3A_657 {add = true, strides = array<i32>} : memref<2x50x768xf32, #tpu.memory_space<vmem>>, vector<1x1x16xf32>,
        %get3A_658 = arith.constant 0 : i32
        %get3A_659 = arith.index_cast %get3A_658 : i32 to index
        %get3A_660 = arith.index_cast %scan3A_464 : i32 to index
        %get3A_661 = arith.constant 240 : index
        %get3A_662 = tpu.vector_load %arg9[%get3A_659, %get3A_660, %get3A_661] {strides = array<i32>} : memref<2x56x384xf32, #tpu.memory_space<vmem>>, vector<1x1x16xf32>,
        %get3A_663 = vector.shape_cast %get3A_662 : vector<1x1x16xf32> to vector<16xf32>
        %swap3A_664 = arith.constant 0 : i32
        %swap3A_665 = arith.index_cast %swap3A_664 : i32 to index
        %swap3A_666 = arith.index_cast %scan3A_464 : i32 to index
        %swap3A_667 = arith.constant 240 : index
        %swap3A_668 = tpu.vector_load %arg8[%swap3A_665, %swap3A_666, %swap3A_667] {strides = array<i32>} : memref<2x50x768xf32, #tpu.memory_space<vmem>>, vector<1x1x16xf32>,
        %swap3A_669 = vector.shape_cast %swap3A_668 : vector<1x1x16xf32> to vector<16xf32>
        %swap3A_670 = vector.shape_cast %get3A_663 : vector<16xf32> to vector<1x1x16xf32>
        tpu.vector_store %arg8[%swap3A_665, %swap3A_666, %swap3A_667], %swap3A_670 {add = true, strides = array<i32>} : memref<2x50x768xf32, #tpu.memory_space<vmem>>, vector<1x1x16xf32>,
        %get3A_671 = arith.constant 0 : i32
        %get3A_672 = arith.index_cast %get3A_671 : i32 to index
        %get3A_673 = arith.index_cast %scan3A_464 : i32 to index
        %get3A_674 = arith.constant 256 : index
        %get3A_675 = tpu.vector_load %arg9[%get3A_672, %get3A_673, %get3A_674] {strides = array<i32>} : memref<2x56x384xf32, #tpu.memory_space<vmem>>, vector<1x1x16xf32>,
        %get3A_676 = vector.shape_cast %get3A_675 : vector<1x1x16xf32> to vector<16xf32>
        %swap3A_677 = arith.constant 0 : i32
        %swap3A_678 = arith.index_cast %swap3A_677 : i32 to index
        %swap3A_679 = arith.index_cast %scan3A_464 : i32 to index
        %swap3A_680 = arith.constant 256 : index
        %swap3A_681 = tpu.vector_load %arg8[%swap3A_678, %swap3A_679, %swap3A_680] {strides = array<i32>} : memref<2x50x768xf32, #tpu.memory_space<vmem>>, vector<1x1x16xf32>,
        %swap3A_682 = vector.shape_cast %swap3A_681 : vector<1x1x16xf32> to vector<16xf32>
        %swap3A_683 = vector.shape_cast %get3A_676 : vector<16xf32> to vector<1x1x16xf32>
        tpu.vector_store %arg8[%swap3A_678, %swap3A_679, %swap3A_680], %swap3A_683 {add = true, strides = array<i32>} : memref<2x50x768xf32, #tpu.memory_space<vmem>>, vector<1x1x16xf32>,
        %get3A_684 = arith.constant 0 : i32
        %get3A_685 = arith.index_cast %get3A_684 : i32 to index
        %get3A_686 = arith.index_cast %scan3A_464 : i32 to index
        %get3A_687 = arith.constant 272 : index
        %get3A_688 = tpu.vector_load %arg9[%get3A_685, %get3A_686, %get3A_687] {strides = array<i32>} : memref<2x56x384xf32, #tpu.memory_space<vmem>>, vector<1x1x16xf32>,
        %get3A_689 = vector.shape_cast %get3A_688 : vector<1x1x16xf32> to vector<16xf32>
        %swap3A_690 = arith.constant 0 : i32
        %swap3A_691 = arith.index_cast %swap3A_690 : i32 to index
        %swap3A_692 = arith.index_cast %scan3A_464 : i32 to index
        %swap3A_693 = arith.constant 272 : index
        %swap3A_694 = tpu.vector_load %arg8[%swap3A_691, %swap3A_692, %swap3A_693] {strides = array<i32>} : memref<2x50x768xf32, #tpu.memory_space<vmem>>, vector<1x1x16xf32>,
        %swap3A_695 = vector.shape_cast %swap3A_694 : vector<1x1x16xf32> to vector<16xf32>
        %swap3A_696 = vector.shape_cast %get3A_689 : vector<16xf32> to vector<1x1x16xf32>
        tpu.vector_store %arg8[%swap3A_691, %swap3A_692, %swap3A_693], %swap3A_696 {add = true, strides = array<i32>} : memref<2x50x768xf32, #tpu.memory_space<vmem>>, vector<1x1x16xf32>,
        %get3A_697 = arith.constant 0 : i32
        %get3A_698 = arith.index_cast %get3A_697 : i32 to index
        %get3A_699 = arith.index_cast %scan3A_464 : i32 to index
        %get3A_700 = arith.constant 288 : index
        %get3A_701 = tpu.vector_load %arg9[%get3A_698, %get3A_699, %get3A_700] {strides = array<i32>} : memref<2x56x384xf32, #tpu.memory_space<vmem>>, vector<1x1x16xf32>,
        %get3A_702 = vector.shape_cast %get3A_701 : vector<1x1x16xf32> to vector<16xf32>
        %swap3A_703 = arith.constant 0 : i32
        %swap3A_704 = arith.index_cast %swap3A_703 : i32 to index
        %swap3A_705 = arith.index_cast %scan3A_464 : i32 to index
        %swap3A_706 = arith.constant 288 : index
        %swap3A_707 = tpu.vector_load %arg8[%swap3A_704, %swap3A_705, %swap3A_706] {strides = array<i32>} : memref<2x50x768xf32, #tpu.memory_space<vmem>>, vector<1x1x16xf32>,
        %swap3A_708 = vector.shape_cast %swap3A_707 : vector<1x1x16xf32> to vector<16xf32>
        %swap3A_709 = vector.shape_cast %get3A_702 : vector<16xf32> to vector<1x1x16xf32>
        tpu.vector_store %arg8[%swap3A_704, %swap3A_705, %swap3A_706], %swap3A_709 {add = true, strides = array<i32>} : memref<2x50x768xf32, #tpu.memory_space<vmem>>, vector<1x1x16xf32>,
        %get3A_710 = arith.constant 0 : i32
        %get3A_711 = arith.index_cast %get3A_710 : i32 to index
        %get3A_712 = arith.index_cast %scan3A_464 : i32 to index
        %get3A_713 = arith.constant 304 : index
        %get3A_714 = tpu.vector_load %arg9[%get3A_711, %get3A_712, %get3A_713] {strides = array<i32>} : memref<2x56x384xf32, #tpu.memory_space<vmem>>, vector<1x1x16xf32>,
        %get3A_715 = vector.shape_cast %get3A_714 : vector<1x1x16xf32> to vector<16xf32>
        %swap3A_716 = arith.constant 0 : i32
        %swap3A_717 = arith.index_cast %swap3A_716 : i32 to index
        %swap3A_718 = arith.index_cast %scan3A_464 : i32 to index
        %swap3A_719 = arith.constant 304 : index
        %swap3A_720 = tpu.vector_load %arg8[%swap3A_717, %swap3A_718, %swap3A_719] {strides = array<i32>} : memref<2x50x768xf32, #tpu.memory_space<vmem>>, vector<1x1x16xf32>,
        %swap3A_721 = vector.shape_cast %swap3A_720 : vector<1x1x16xf32> to vector<16xf32>
        %swap3A_722 = vector.shape_cast %get3A_715 : vector<16xf32> to vector<1x1x16xf32>
        tpu.vector_store %arg8[%swap3A_717, %swap3A_718, %swap3A_719], %swap3A_722 {add = true, strides = array<i32>} : memref<2x50x768xf32, #tpu.memory_space<vmem>>, vector<1x1x16xf32>,
        %get3A_723 = arith.constant 0 : i32
        %get3A_724 = arith.index_cast %get3A_723 : i32 to index
        %get3A_725 = arith.index_cast %scan3A_464 : i32 to index
        %get3A_726 = arith.constant 320 : index
        %get3A_727 = tpu.vector_load %arg9[%get3A_724, %get3A_725, %get3A_726] {strides = array<i32>} : memref<2x56x384xf32, #tpu.memory_space<vmem>>, vector<1x1x16xf32>,
        %get3A_728 = vector.shape_cast %get3A_727 : vector<1x1x16xf32> to vector<16xf32>
        %swap3A_729 = arith.constant 0 : i32
        %swap3A_730 = arith.index_cast %swap3A_729 : i32 to index
        %swap3A_731 = arith.index_cast %scan3A_464 : i32 to index
        %swap3A_732 = arith.constant 320 : index
        %swap3A_733 = tpu.vector_load %arg8[%swap3A_730, %swap3A_731, %swap3A_732] {strides = array<i32>} : memref<2x50x768xf32, #tpu.memory_space<vmem>>, vector<1x1x16xf32>,
        %swap3A_734 = vector.shape_cast %swap3A_733 : vector<1x1x16xf32> to vector<16xf32>
        %swap3A_735 = vector.shape_cast %get3A_728 : vector<16xf32> to vector<1x1x16xf32>
        tpu.vector_store %arg8[%swap3A_730, %swap3A_731, %swap3A_732], %swap3A_735 {add = true, strides = array<i32>} : memref<2x50x768xf32, #tpu.memory_space<vmem>>, vector<1x1x16xf32>,
        %get3A_736 = arith.constant 0 : i32
        %get3A_737 = arith.index_cast %get3A_736 : i32 to index
        %get3A_738 = arith.index_cast %scan3A_464 : i32 to index
        %get3A_739 = arith.constant 336 : index
        %get3A_740 = tpu.vector_load %arg9[%get3A_737, %get3A_738, %get3A_739] {strides = array<i32>} : memref<2x56x384xf32, #tpu.memory_space<vmem>>, vector<1x1x16xf32>,
        %get3A_741 = vector.shape_cast %get3A_740 : vector<1x1x16xf32> to vector<16xf32>
        %swap3A_742 = arith.constant 0 : i32
        %swap3A_743 = arith.index_cast %swap3A_742 : i32 to index
        %swap3A_744 = arith.index_cast %scan3A_464 : i32 to index
        %swap3A_745 = arith.constant 336 : index
        %swap3A_746 = tpu.vector_load %arg8[%swap3A_743, %swap3A_744, %swap3A_745] {strides = array<i32>} : memref<2x50x768xf32, #tpu.memory_space<vmem>>, vector<1x1x16xf32>,
        %swap3A_747 = vector.shape_cast %swap3A_746 : vector<1x1x16xf32> to vector<16xf32>
        %swap3A_748 = vector.shape_cast %get3A_741 : vector<16xf32> to vector<1x1x16xf32>
        tpu.vector_store %arg8[%swap3A_743, %swap3A_744, %swap3A_745], %swap3A_748 {add = true, strides = array<i32>} : memref<2x50x768xf32, #tpu.memory_space<vmem>>, vector<1x1x16xf32>,
        %get3A_749 = arith.constant 0 : i32
        %get3A_750 = arith.index_cast %get3A_749 : i32 to index
        %get3A_751 = arith.index_cast %scan3A_464 : i32 to index
        %get3A_752 = arith.constant 352 : index
        %get3A_753 = tpu.vector_load %arg9[%get3A_750, %get3A_751, %get3A_752] {strides = array<i32>} : memref<2x56x384xf32, #tpu.memory_space<vmem>>, vector<1x1x16xf32>,
        %get3A_754 = vector.shape_cast %get3A_753 : vector<1x1x16xf32> to vector<16xf32>
        %swap3A_755 = arith.constant 0 : i32
        %swap3A_756 = arith.index_cast %swap3A_755 : i32 to index
        %swap3A_757 = arith.index_cast %scan3A_464 : i32 to index
        %swap3A_758 = arith.constant 352 : index
        %swap3A_759 = tpu.vector_load %arg8[%swap3A_756, %swap3A_757, %swap3A_758] {strides = array<i32>} : memref<2x50x768xf32, #tpu.memory_space<vmem>>, vector<1x1x16xf32>,
        %swap3A_760 = vector.shape_cast %swap3A_759 : vector<1x1x16xf32> to vector<16xf32>
        %swap3A_761 = vector.shape_cast %get3A_754 : vector<16xf32> to vector<1x1x16xf32>
        tpu.vector_store %arg8[%swap3A_756, %swap3A_757, %swap3A_758], %swap3A_761 {add = true, strides = array<i32>} : memref<2x50x768xf32, #tpu.memory_space<vmem>>, vector<1x1x16xf32>,
        %get3A_762 = arith.constant 0 : i32
        %get3A_763 = arith.index_cast %get3A_762 : i32 to index
        %get3A_764 = arith.index_cast %scan3A_464 : i32 to index
        %get3A_765 = arith.constant 368 : index
        %get3A_766 = tpu.vector_load %arg9[%get3A_763, %get3A_764, %get3A_765] {strides = array<i32>} : memref<2x56x384xf32, #tpu.memory_space<vmem>>, vector<1x1x16xf32>,
        %get3A_767 = vector.shape_cast %get3A_766 : vector<1x1x16xf32> to vector<16xf32>
        %swap3A_768 = arith.constant 0 : i32
        %swap3A_769 = arith.index_cast %swap3A_768 : i32 to index
        %swap3A_770 = arith.index_cast %scan3A_464 : i32 to index
        %swap3A_771 = arith.constant 368 : index
        %swap3A_772 = tpu.vector_load %arg8[%swap3A_769, %swap3A_770, %swap3A_771] {strides = array<i32>} : memref<2x50x768xf32, #tpu.memory_space<vmem>>, vector<1x1x16xf32>,
        %swap3A_773 = vector.shape_cast %swap3A_772 : vector<1x1x16xf32> to vector<16xf32>
        %swap3A_774 = vector.shape_cast %get3A_767 : vector<16xf32> to vector<1x1x16xf32>
        tpu.vector_store %arg8[%swap3A_769, %swap3A_770, %swap3A_771], %swap3A_774 {add = true, strides = array<i32>} : memref<2x50x768xf32, #tpu.memory_space<vmem>>, vector<1x1x16xf32>,
      }
      %scan3A_232 = arith.constant 50 : i32
      %add3A_233 = arith.constant 1 : i32
      %add3A_234 = arith.addi %add3A_170, %add3A_233 : i32
      %lt3A_235 = arith.constant 128 : i32
      %lt3A_236 = arith.cmpi slt, %add3A_234, %lt3A_235 : i32
      %convert_element_type3A_237 = arith.extui %lt3A_236 : i1 to i32
      %cond3A_238 = arith.constant 0 : i32
      %cond3A_239 = arith.cmpi ne, %convert_element_type3A_237, %cond3A_238 : i32
      scf.if %cond3A_239 {
        %add3A_464 = arith.constant 1 : i32
        %add3A_465 = arith.addi %add3A_170, %add3A_464 : i32
        %jit3A_466 = arith.constant 4 : i32
        %eq3A_467 = arith.constant 0 : i32
        %eq3A_468 = arith.cmpi eq, %jit3A_466, %eq3A_467 : i32
        %jit3A_469 = arith.constant 1 : i32
        %select_n3A_470 = arith.select %eq3A_468, %jit3A_469, %jit3A_466 : i32
        %rem3A_471 = arith.remsi %add3A_465, %select_n3A_470 : i32
        %ne3A_472 = arith.constant 0 : i32
        %ne3A_473 = arith.cmpi ne, %rem3A_471, %ne3A_472 : i32
        %lt3A_474 = arith.constant 0 : i32
        %lt3A_475 = arith.cmpi slt, %rem3A_471, %lt3A_474 : i32
        %lt3A_476 = arith.constant 0 : i32
        %lt3A_477 = arith.cmpi slt, %select_n3A_470, %lt3A_476 : i32
        %ne3A_478 = arith.xori %lt3A_475, %lt3A_477 : i1
        %and3A_479 = arith.andi %ne3A_478, %ne3A_473 : i1
        %add3A_480 = arith.addi %rem3A_471, %select_n3A_470 : i32
        %select_n3A_481 = arith.select %and3A_479, %add3A_480, %rem3A_471 : i32
        %dma_start3A_482 = arith.constant 0 : i32
        %dma_start3A_483 = arith.constant 0 : i32
        %dma_start3A_484 = arith.constant 0 : i32
        %dma_start3A_485 = arith.constant 0 : i32
        %dma_start3A_486 = tpu.memref_slice %arg9[%dma_start3A_482, %dma_start3A_484, %dma_start3A_485] : memref<2x56x384xf32, #tpu.memory_space<vmem>> -> memref<1x56x384xf32, #tpu.memory_space<vmem>>
        %dma_start3A_487 = tpu.memref_squeeze %dma_start3A_486 : memref<1x56x384xf32, #tpu.memory_space<vmem>> -> memref<56x384xf32, #tpu.memory_space<vmem>>
        %dma_start3A_488 = arith.constant 0 : i32
        %dma_start3A_489 = tpu.memref_slice %arg7[%select_n3A_481, %dma_start3A_488] : memref<4x56xi32, #tpu.memory_space<vmem>> -> memref<1x56xi32, #tpu.memory_space<vmem>>
        %dma_start3A_490 = tpu.memref_squeeze %dma_start3A_489 : memref<1x56xi32, #tpu.memory_space<vmem>> -> memref<56xi32, #tpu.memory_space<vmem>>
        %dma_start3A_491 = arith.constant 0 : i32
        %dma_start3A_492 = arith.constant 0 : i32
        %dma_start3A_493 = tpu.memref_slice %arg4[%dma_start3A_491, %dma_start3A_492] : memref<8008x384xf32, #tpu.memory_space<hbm>> -> memref<8008x384xf32, #tpu.memory_space<hbm>>
        %dma_start3A_494 = tpu.memref_slice %arg12[%dma_start3A_483] : memref<2x!tpu.dma_semaphore, #tpu.memory_space<semaphore_mem>> -> memref<1x!tpu.dma_semaphore, #tpu.memory_space<semaphore_mem>>
        %dma_start3A_495 = tpu.memref_squeeze %dma_start3A_494 : memref<1x!tpu.dma_semaphore, #tpu.memory_space<semaphore_mem>> -> memref<!tpu.dma_semaphore, #tpu.memory_space<semaphore_mem>>
        tpu.enqueue_indirect_dma source(%dma_start3A_493 : memref<8008x384xf32, #tpu.memory_space<hbm>>) target(%dma_start3A_487 : memref<56x384xf32, #tpu.memory_space<vmem>>) offsets(%dma_start3A_490 : memref<56xi32, #tpu.memory_space<vmem>>) semaphore(%dma_start3A_495 : memref<!tpu.dma_semaphore, #tpu.memory_space<semaphore_mem>>)
      } else {
      }
      %jit3A_240 = arith.constant 4 : i32
      %eq3A_241 = arith.constant 0 : i32
      %eq3A_242 = arith.cmpi eq, %jit3A_240, %eq3A_241 : i32
      %jit3A_243 = arith.constant 1 : i32
      %select_n3A_244 = arith.select %eq3A_242, %jit3A_243, %jit3A_240 : i32
      %rem3A_245 = arith.remsi %add3A_170, %select_n3A_244 : i32
      %ne3A_246 = arith.constant 0 : i32
      %ne3A_247 = arith.cmpi ne, %rem3A_245, %ne3A_246 : i32
      %lt3A_248 = arith.constant 0 : i32
      %lt3A_249 = arith.cmpi slt, %rem3A_245, %lt3A_248 : i32
      %lt3A_250 = arith.constant 0 : i32
      %lt3A_251 = arith.cmpi slt, %select_n3A_244, %lt3A_250 : i32
      %ne3A_252 = arith.xori %lt3A_249, %lt3A_251 : i1
      %and3A_253 = arith.andi %ne3A_252, %ne3A_247 : i1
      %add3A_254 = arith.addi %rem3A_245, %select_n3A_244 : i32
      %select_n3A_255 = arith.select %and3A_253, %add3A_254, %rem3A_245 : i32
      %dma_wait3A_256 = arith.constant 1 : i32
      %dma_wait3A_257 = arith.constant 1 : i32
      %dma_wait3A_258 = arith.constant 0 : i32
      %dma_wait3A_259 = arith.constant 0 : i32
      %dma_wait3A_260 = tpu.memref_slice %arg9[%dma_wait3A_256, %dma_wait3A_258, %dma_wait3A_259] : memref<2x56x384xf32, #tpu.memory_space<vmem>> -> memref<1x56x384xf32, #tpu.memory_space<vmem>>
      %dma_wait3A_261 = tpu.memref_squeeze %dma_wait3A_260 : memref<1x56x384xf32, #tpu.memory_space<vmem>> -> memref<56x384xf32, #tpu.memory_space<vmem>>
      %dma_wait3A_262 = arith.constant 0 : i32
      %dma_wait3A_263 = tpu.memref_slice %arg7[%select_n3A_255, %dma_wait3A_262] : memref<4x56xi32, #tpu.memory_space<vmem>> -> memref<1x56xi32, #tpu.memory_space<vmem>>
      %dma_wait3A_264 = tpu.memref_squeeze %dma_wait3A_263 : memref<1x56xi32, #tpu.memory_space<vmem>> -> memref<56xi32, #tpu.memory_space<vmem>>
      %dma_wait3A_265 = arith.constant 0 : i32
      %dma_wait3A_266 = arith.constant 0 : i32
      %dma_wait3A_267 = tpu.memref_slice %arg5[%dma_wait3A_265, %dma_wait3A_266] : memref<8008x384xf32, #tpu.memory_space<hbm>> -> memref<8008x384xf32, #tpu.memory_space<hbm>>
      %dma_wait3A_268 = tpu.memref_slice %arg12[%dma_wait3A_257] : memref<2x!tpu.dma_semaphore, #tpu.memory_space<semaphore_mem>> -> memref<1x!tpu.dma_semaphore, #tpu.memory_space<semaphore_mem>>
      %dma_wait3A_269 = tpu.memref_squeeze %dma_wait3A_268 : memref<1x!tpu.dma_semaphore, #tpu.memory_space<semaphore_mem>> -> memref<!tpu.dma_semaphore, #tpu.memory_space<semaphore_mem>>
      tpu.wait_indirect_dma semaphore(%dma_wait3A_269 : memref<!tpu.dma_semaphore, #tpu.memory_space<semaphore_mem>>) src(%dma_wait3A_267 : memref<8008x384xf32, #tpu.memory_space<hbm>>) dst(%dma_wait3A_261 : memref<56x384xf32, #tpu.memory_space<vmem>>)
      %scan3A_270 = arith.constant 0 : i32
      %scan3A_271 = arith.constant 0 : i32
      %scan3A_272 = arith.constant 50 : i32
      %scan3A_273 = arith.addi %scan3A_271, %scan3A_272 : i32
      %scan3A_274 = arith.constant 1 : i32
      scf.for %scan3A_464 = %scan3A_271 to %scan3A_273 step %scan3A_274  : i32 {
        %get3A = arith.constant 1 : i32
        %get3A_465 = arith.index_cast %get3A : i32 to index
        %get3A_466 = arith.index_cast %scan3A_464 : i32 to index
        %get3A_467 = arith.constant 0 : index
        %get3A_468 = tpu.vector_load %arg9[%get3A_465, %get3A_466, %get3A_467] {strides = array<i32>} : memref<2x56x384xf32, #tpu.memory_space<vmem>>, vector<1x1x16xf32>,
        %get3A_469 = vector.shape_cast %get3A_468 : vector<1x1x16xf32> to vector<16xf32>
        %swap3A = arith.constant 0 : i32
        %swap3A_470 = arith.index_cast %swap3A : i32 to index
        %swap3A_471 = arith.index_cast %scan3A_464 : i32 to index
        %swap3A_472 = arith.constant 384 : index
        %swap3A_473 = tpu.vector_load %arg8[%swap3A_470, %swap3A_471, %swap3A_472] {strides = array<i32>} : memref<2x50x768xf32, #tpu.memory_space<vmem>>, vector<1x1x16xf32>,
        %swap3A_474 = vector.shape_cast %swap3A_473 : vector<1x1x16xf32> to vector<16xf32>
        %swap3A_475 = vector.shape_cast %get3A_469 : vector<16xf32> to vector<1x1x16xf32>
        tpu.vector_store %arg8[%swap3A_470, %swap3A_471, %swap3A_472], %swap3A_475 {add = true, strides = array<i32>} : memref<2x50x768xf32, #tpu.memory_space<vmem>>, vector<1x1x16xf32>,
        %get3A_476 = arith.constant 1 : i32
        %get3A_477 = arith.index_cast %get3A_476 : i32 to index
        %get3A_478 = arith.index_cast %scan3A_464 : i32 to index
        %get3A_479 = arith.constant 16 : index
        %get3A_480 = tpu.vector_load %arg9[%get3A_477, %get3A_478, %get3A_479] {strides = array<i32>} : memref<2x56x384xf32, #tpu.memory_space<vmem>>, vector<1x1x16xf32>,
        %get3A_481 = vector.shape_cast %get3A_480 : vector<1x1x16xf32> to vector<16xf32>
        %swap3A_482 = arith.constant 0 : i32
        %swap3A_483 = arith.index_cast %swap3A_482 : i32 to index
        %swap3A_484 = arith.index_cast %scan3A_464 : i32 to index
        %swap3A_485 = arith.constant 400 : index
        %swap3A_486 = tpu.vector_load %arg8[%swap3A_483, %swap3A_484, %swap3A_485] {strides = array<i32>} : memref<2x50x768xf32, #tpu.memory_space<vmem>>, vector<1x1x16xf32>,
        %swap3A_487 = vector.shape_cast %swap3A_486 : vector<1x1x16xf32> to vector<16xf32>
        %swap3A_488 = vector.shape_cast %get3A_481 : vector<16xf32> to vector<1x1x16xf32>
        tpu.vector_store %arg8[%swap3A_483, %swap3A_484, %swap3A_485], %swap3A_488 {add = true, strides = array<i32>} : memref<2x50x768xf32, #tpu.memory_space<vmem>>, vector<1x1x16xf32>,
        %get3A_489 = arith.constant 1 : i32
        %get3A_490 = arith.index_cast %get3A_489 : i32 to index
        %get3A_491 = arith.index_cast %scan3A_464 : i32 to index
        %get3A_492 = arith.constant 32 : index
        %get3A_493 = tpu.vector_load %arg9[%get3A_490, %get3A_491, %get3A_492] {strides = array<i32>} : memref<2x56x384xf32, #tpu.memory_space<vmem>>, vector<1x1x16xf32>,
        %get3A_494 = vector.shape_cast %get3A_493 : vector<1x1x16xf32> to vector<16xf32>
        %swap3A_495 = arith.constant 0 : i32
        %swap3A_496 = arith.index_cast %swap3A_495 : i32 to index
        %swap3A_497 = arith.index_cast %scan3A_464 : i32 to index
        %swap3A_498 = arith.constant 416 : index
        %swap3A_499 = tpu.vector_load %arg8[%swap3A_496, %swap3A_497, %swap3A_498] {strides = array<i32>} : memref<2x50x768xf32, #tpu.memory_space<vmem>>, vector<1x1x16xf32>,
        %swap3A_500 = vector.shape_cast %swap3A_499 : vector<1x1x16xf32> to vector<16xf32>
        %swap3A_501 = vector.shape_cast %get3A_494 : vector<16xf32> to vector<1x1x16xf32>
        tpu.vector_store %arg8[%swap3A_496, %swap3A_497, %swap3A_498], %swap3A_501 {add = true, strides = array<i32>} : memref<2x50x768xf32, #tpu.memory_space<vmem>>, vector<1x1x16xf32>,
        %get3A_502 = arith.constant 1 : i32
        %get3A_503 = arith.index_cast %get3A_502 : i32 to index
        %get3A_504 = arith.index_cast %scan3A_464 : i32 to index
        %get3A_505 = arith.constant 48 : index
        %get3A_506 = tpu.vector_load %arg9[%get3A_503, %get3A_504, %get3A_505] {strides = array<i32>} : memref<2x56x384xf32, #tpu.memory_space<vmem>>, vector<1x1x16xf32>,
        %get3A_507 = vector.shape_cast %get3A_506 : vector<1x1x16xf32> to vector<16xf32>
        %swap3A_508 = arith.constant 0 : i32
        %swap3A_509 = arith.index_cast %swap3A_508 : i32 to index
        %swap3A_510 = arith.index_cast %scan3A_464 : i32 to index
        %swap3A_511 = arith.constant 432 : index
        %swap3A_512 = tpu.vector_load %arg8[%swap3A_509, %swap3A_510, %swap3A_511] {strides = array<i32>} : memref<2x50x768xf32, #tpu.memory_space<vmem>>, vector<1x1x16xf32>,
        %swap3A_513 = vector.shape_cast %swap3A_512 : vector<1x1x16xf32> to vector<16xf32>
        %swap3A_514 = vector.shape_cast %get3A_507 : vector<16xf32> to vector<1x1x16xf32>
        tpu.vector_store %arg8[%swap3A_509, %swap3A_510, %swap3A_511], %swap3A_514 {add = true, strides = array<i32>} : memref<2x50x768xf32, #tpu.memory_space<vmem>>, vector<1x1x16xf32>,
        %get3A_515 = arith.constant 1 : i32
        %get3A_516 = arith.index_cast %get3A_515 : i32 to index
        %get3A_517 = arith.index_cast %scan3A_464 : i32 to index
        %get3A_518 = arith.constant 64 : index
        %get3A_519 = tpu.vector_load %arg9[%get3A_516, %get3A_517, %get3A_518] {strides = array<i32>} : memref<2x56x384xf32, #tpu.memory_space<vmem>>, vector<1x1x16xf32>,
        %get3A_520 = vector.shape_cast %get3A_519 : vector<1x1x16xf32> to vector<16xf32>
        %swap3A_521 = arith.constant 0 : i32
        %swap3A_522 = arith.index_cast %swap3A_521 : i32 to index
        %swap3A_523 = arith.index_cast %scan3A_464 : i32 to index
        %swap3A_524 = arith.constant 448 : index
        %swap3A_525 = tpu.vector_load %arg8[%swap3A_522, %swap3A_523, %swap3A_524] {strides = array<i32>} : memref<2x50x768xf32, #tpu.memory_space<vmem>>, vector<1x1x16xf32>,
        %swap3A_526 = vector.shape_cast %swap3A_525 : vector<1x1x16xf32> to vector<16xf32>
        %swap3A_527 = vector.shape_cast %get3A_520 : vector<16xf32> to vector<1x1x16xf32>
        tpu.vector_store %arg8[%swap3A_522, %swap3A_523, %swap3A_524], %swap3A_527 {add = true, strides = array<i32>} : memref<2x50x768xf32, #tpu.memory_space<vmem>>, vector<1x1x16xf32>,
        %get3A_528 = arith.constant 1 : i32
        %get3A_529 = arith.index_cast %get3A_528 : i32 to index
        %get3A_530 = arith.index_cast %scan3A_464 : i32 to index
        %get3A_531 = arith.constant 80 : index
        %get3A_532 = tpu.vector_load %arg9[%get3A_529, %get3A_530, %get3A_531] {strides = array<i32>} : memref<2x56x384xf32, #tpu.memory_space<vmem>>, vector<1x1x16xf32>,
        %get3A_533 = vector.shape_cast %get3A_532 : vector<1x1x16xf32> to vector<16xf32>
        %swap3A_534 = arith.constant 0 : i32
        %swap3A_535 = arith.index_cast %swap3A_534 : i32 to index
        %swap3A_536 = arith.index_cast %scan3A_464 : i32 to index
        %swap3A_537 = arith.constant 464 : index
        %swap3A_538 = tpu.vector_load %arg8[%swap3A_535, %swap3A_536, %swap3A_537] {strides = array<i32>} : memref<2x50x768xf32, #tpu.memory_space<vmem>>, vector<1x1x16xf32>,
        %swap3A_539 = vector.shape_cast %swap3A_538 : vector<1x1x16xf32> to vector<16xf32>
        %swap3A_540 = vector.shape_cast %get3A_533 : vector<16xf32> to vector<1x1x16xf32>
        tpu.vector_store %arg8[%swap3A_535, %swap3A_536, %swap3A_537], %swap3A_540 {add = true, strides = array<i32>} : memref<2x50x768xf32, #tpu.memory_space<vmem>>, vector<1x1x16xf32>,
        %get3A_541 = arith.constant 1 : i32
        %get3A_542 = arith.index_cast %get3A_541 : i32 to index
        %get3A_543 = arith.index_cast %scan3A_464 : i32 to index
        %get3A_544 = arith.constant 96 : index
        %get3A_545 = tpu.vector_load %arg9[%get3A_542, %get3A_543, %get3A_544] {strides = array<i32>} : memref<2x56x384xf32, #tpu.memory_space<vmem>>, vector<1x1x16xf32>,
        %get3A_546 = vector.shape_cast %get3A_545 : vector<1x1x16xf32> to vector<16xf32>
        %swap3A_547 = arith.constant 0 : i32
        %swap3A_548 = arith.index_cast %swap3A_547 : i32 to index
        %swap3A_549 = arith.index_cast %scan3A_464 : i32 to index
        %swap3A_550 = arith.constant 480 : index
        %swap3A_551 = tpu.vector_load %arg8[%swap3A_548, %swap3A_549, %swap3A_550] {strides = array<i32>} : memref<2x50x768xf32, #tpu.memory_space<vmem>>, vector<1x1x16xf32>,
        %swap3A_552 = vector.shape_cast %swap3A_551 : vector<1x1x16xf32> to vector<16xf32>
        %swap3A_553 = vector.shape_cast %get3A_546 : vector<16xf32> to vector<1x1x16xf32>
        tpu.vector_store %arg8[%swap3A_548, %swap3A_549, %swap3A_550], %swap3A_553 {add = true, strides = array<i32>} : memref<2x50x768xf32, #tpu.memory_space<vmem>>, vector<1x1x16xf32>,
        %get3A_554 = arith.constant 1 : i32
        %get3A_555 = arith.index_cast %get3A_554 : i32 to index
        %get3A_556 = arith.index_cast %scan3A_464 : i32 to index
        %get3A_557 = arith.constant 112 : index
        %get3A_558 = tpu.vector_load %arg9[%get3A_555, %get3A_556, %get3A_557] {strides = array<i32>} : memref<2x56x384xf32, #tpu.memory_space<vmem>>, vector<1x1x16xf32>,
        %get3A_559 = vector.shape_cast %get3A_558 : vector<1x1x16xf32> to vector<16xf32>
        %swap3A_560 = arith.constant 0 : i32
        %swap3A_561 = arith.index_cast %swap3A_560 : i32 to index
        %swap3A_562 = arith.index_cast %scan3A_464 : i32 to index
        %swap3A_563 = arith.constant 496 : index
        %swap3A_564 = tpu.vector_load %arg8[%swap3A_561, %swap3A_562, %swap3A_563] {strides = array<i32>} : memref<2x50x768xf32, #tpu.memory_space<vmem>>, vector<1x1x16xf32>,
        %swap3A_565 = vector.shape_cast %swap3A_564 : vector<1x1x16xf32> to vector<16xf32>
        %swap3A_566 = vector.shape_cast %get3A_559 : vector<16xf32> to vector<1x1x16xf32>
        tpu.vector_store %arg8[%swap3A_561, %swap3A_562, %swap3A_563], %swap3A_566 {add = true, strides = array<i32>} : memref<2x50x768xf32, #tpu.memory_space<vmem>>, vector<1x1x16xf32>,
        %get3A_567 = arith.constant 1 : i32
        %get3A_568 = arith.index_cast %get3A_567 : i32 to index
        %get3A_569 = arith.index_cast %scan3A_464 : i32 to index
        %get3A_570 = arith.constant 128 : index
        %get3A_571 = tpu.vector_load %arg9[%get3A_568, %get3A_569, %get3A_570] {strides = array<i32>} : memref<2x56x384xf32, #tpu.memory_space<vmem>>, vector<1x1x16xf32>,
        %get3A_572 = vector.shape_cast %get3A_571 : vector<1x1x16xf32> to vector<16xf32>
        %swap3A_573 = arith.constant 0 : i32
        %swap3A_574 = arith.index_cast %swap3A_573 : i32 to index
        %swap3A_575 = arith.index_cast %scan3A_464 : i32 to index
        %swap3A_576 = arith.constant 512 : index
        %swap3A_577 = tpu.vector_load %arg8[%swap3A_574, %swap3A_575, %swap3A_576] {strides = array<i32>} : memref<2x50x768xf32, #tpu.memory_space<vmem>>, vector<1x1x16xf32>,
        %swap3A_578 = vector.shape_cast %swap3A_577 : vector<1x1x16xf32> to vector<16xf32>
        %swap3A_579 = vector.shape_cast %get3A_572 : vector<16xf32> to vector<1x1x16xf32>
        tpu.vector_store %arg8[%swap3A_574, %swap3A_575, %swap3A_576], %swap3A_579 {add = true, strides = array<i32>} : memref<2x50x768xf32, #tpu.memory_space<vmem>>, vector<1x1x16xf32>,
        %get3A_580 = arith.constant 1 : i32
        %get3A_581 = arith.index_cast %get3A_580 : i32 to index
        %get3A_582 = arith.index_cast %scan3A_464 : i32 to index
        %get3A_583 = arith.constant 144 : index
        %get3A_584 = tpu.vector_load %arg9[%get3A_581, %get3A_582, %get3A_583] {strides = array<i32>} : memref<2x56x384xf32, #tpu.memory_space<vmem>>, vector<1x1x16xf32>,
        %get3A_585 = vector.shape_cast %get3A_584 : vector<1x1x16xf32> to vector<16xf32>
        %swap3A_586 = arith.constant 0 : i32
        %swap3A_587 = arith.index_cast %swap3A_586 : i32 to index
        %swap3A_588 = arith.index_cast %scan3A_464 : i32 to index
        %swap3A_589 = arith.constant 528 : index
        %swap3A_590 = tpu.vector_load %arg8[%swap3A_587, %swap3A_588, %swap3A_589] {strides = array<i32>} : memref<2x50x768xf32, #tpu.memory_space<vmem>>, vector<1x1x16xf32>,
        %swap3A_591 = vector.shape_cast %swap3A_590 : vector<1x1x16xf32> to vector<16xf32>
        %swap3A_592 = vector.shape_cast %get3A_585 : vector<16xf32> to vector<1x1x16xf32>
        tpu.vector_store %arg8[%swap3A_587, %swap3A_588, %swap3A_589], %swap3A_592 {add = true, strides = array<i32>} : memref<2x50x768xf32, #tpu.memory_space<vmem>>, vector<1x1x16xf32>,
        %get3A_593 = arith.constant 1 : i32
        %get3A_594 = arith.index_cast %get3A_593 : i32 to index
        %get3A_595 = arith.index_cast %scan3A_464 : i32 to index
        %get3A_596 = arith.constant 160 : index
        %get3A_597 = tpu.vector_load %arg9[%get3A_594, %get3A_595, %get3A_596] {strides = array<i32>} : memref<2x56x384xf32, #tpu.memory_space<vmem>>, vector<1x1x16xf32>,
        %get3A_598 = vector.shape_cast %get3A_597 : vector<1x1x16xf32> to vector<16xf32>
        %swap3A_599 = arith.constant 0 : i32
        %swap3A_600 = arith.index_cast %swap3A_599 : i32 to index
        %swap3A_601 = arith.index_cast %scan3A_464 : i32 to index
        %swap3A_602 = arith.constant 544 : index
        %swap3A_603 = tpu.vector_load %arg8[%swap3A_600, %swap3A_601, %swap3A_602] {strides = array<i32>} : memref<2x50x768xf32, #tpu.memory_space<vmem>>, vector<1x1x16xf32>,
        %swap3A_604 = vector.shape_cast %swap3A_603 : vector<1x1x16xf32> to vector<16xf32>
        %swap3A_605 = vector.shape_cast %get3A_598 : vector<16xf32> to vector<1x1x16xf32>
        tpu.vector_store %arg8[%swap3A_600, %swap3A_601, %swap3A_602], %swap3A_605 {add = true, strides = array<i32>} : memref<2x50x768xf32, #tpu.memory_space<vmem>>, vector<1x1x16xf32>,
        %get3A_606 = arith.constant 1 : i32
        %get3A_607 = arith.index_cast %get3A_606 : i32 to index
        %get3A_608 = arith.index_cast %scan3A_464 : i32 to index
        %get3A_609 = arith.constant 176 : index
        %get3A_610 = tpu.vector_load %arg9[%get3A_607, %get3A_608, %get3A_609] {strides = array<i32>} : memref<2x56x384xf32, #tpu.memory_space<vmem>>, vector<1x1x16xf32>,
        %get3A_611 = vector.shape_cast %get3A_610 : vector<1x1x16xf32> to vector<16xf32>
        %swap3A_612 = arith.constant 0 : i32
        %swap3A_613 = arith.index_cast %swap3A_612 : i32 to index
        %swap3A_614 = arith.index_cast %scan3A_464 : i32 to index
        %swap3A_615 = arith.constant 560 : index
        %swap3A_616 = tpu.vector_load %arg8[%swap3A_613, %swap3A_614, %swap3A_615] {strides = array<i32>} : memref<2x50x768xf32, #tpu.memory_space<vmem>>, vector<1x1x16xf32>,
        %swap3A_617 = vector.shape_cast %swap3A_616 : vector<1x1x16xf32> to vector<16xf32>
        %swap3A_618 = vector.shape_cast %get3A_611 : vector<16xf32> to vector<1x1x16xf32>
        tpu.vector_store %arg8[%swap3A_613, %swap3A_614, %swap3A_615], %swap3A_618 {add = true, strides = array<i32>} : memref<2x50x768xf32, #tpu.memory_space<vmem>>, vector<1x1x16xf32>,
        %get3A_619 = arith.constant 1 : i32
        %get3A_620 = arith.index_cast %get3A_619 : i32 to index
        %get3A_621 = arith.index_cast %scan3A_464 : i32 to index
        %get3A_622 = arith.constant 192 : index
        %get3A_623 = tpu.vector_load %arg9[%get3A_620, %get3A_621, %get3A_622] {strides = array<i32>} : memref<2x56x384xf32, #tpu.memory_space<vmem>>, vector<1x1x16xf32>,
        %get3A_624 = vector.shape_cast %get3A_623 : vector<1x1x16xf32> to vector<16xf32>
        %swap3A_625 = arith.constant 0 : i32
        %swap3A_626 = arith.index_cast %swap3A_625 : i32 to index
        %swap3A_627 = arith.index_cast %scan3A_464 : i32 to index
        %swap3A_628 = arith.constant 576 : index
        %swap3A_629 = tpu.vector_load %arg8[%swap3A_626, %swap3A_627, %swap3A_628] {strides = array<i32>} : memref<2x50x768xf32, #tpu.memory_space<vmem>>, vector<1x1x16xf32>,
        %swap3A_630 = vector.shape_cast %swap3A_629 : vector<1x1x16xf32> to vector<16xf32>
        %swap3A_631 = vector.shape_cast %get3A_624 : vector<16xf32> to vector<1x1x16xf32>
        tpu.vector_store %arg8[%swap3A_626, %swap3A_627, %swap3A_628], %swap3A_631 {add = true, strides = array<i32>} : memref<2x50x768xf32, #tpu.memory_space<vmem>>, vector<1x1x16xf32>,
        %get3A_632 = arith.constant 1 : i32
        %get3A_633 = arith.index_cast %get3A_632 : i32 to index
        %get3A_634 = arith.index_cast %scan3A_464 : i32 to index
        %get3A_635 = arith.constant 208 : index
        %get3A_636 = tpu.vector_load %arg9[%get3A_633, %get3A_634, %get3A_635] {strides = array<i32>} : memref<2x56x384xf32, #tpu.memory_space<vmem>>, vector<1x1x16xf32>,
        %get3A_637 = vector.shape_cast %get3A_636 : vector<1x1x16xf32> to vector<16xf32>
        %swap3A_638 = arith.constant 0 : i32
        %swap3A_639 = arith.index_cast %swap3A_638 : i32 to index
        %swap3A_640 = arith.index_cast %scan3A_464 : i32 to index
        %swap3A_641 = arith.constant 592 : index
        %swap3A_642 = tpu.vector_load %arg8[%swap3A_639, %swap3A_640, %swap3A_641] {strides = array<i32>} : memref<2x50x768xf32, #tpu.memory_space<vmem>>, vector<1x1x16xf32>,
        %swap3A_643 = vector.shape_cast %swap3A_642 : vector<1x1x16xf32> to vector<16xf32>
        %swap3A_644 = vector.shape_cast %get3A_637 : vector<16xf32> to vector<1x1x16xf32>
        tpu.vector_store %arg8[%swap3A_639, %swap3A_640, %swap3A_641], %swap3A_644 {add = true, strides = array<i32>} : memref<2x50x768xf32, #tpu.memory_space<vmem>>, vector<1x1x16xf32>,
        %get3A_645 = arith.constant 1 : i32
        %get3A_646 = arith.index_cast %get3A_645 : i32 to index
        %get3A_647 = arith.index_cast %scan3A_464 : i32 to index
        %get3A_648 = arith.constant 224 : index
        %get3A_649 = tpu.vector_load %arg9[%get3A_646, %get3A_647, %get3A_648] {strides = array<i32>} : memref<2x56x384xf32, #tpu.memory_space<vmem>>, vector<1x1x16xf32>,
        %get3A_650 = vector.shape_cast %get3A_649 : vector<1x1x16xf32> to vector<16xf32>
        %swap3A_651 = arith.constant 0 : i32
        %swap3A_652 = arith.index_cast %swap3A_651 : i32 to index
        %swap3A_653 = arith.index_cast %scan3A_464 : i32 to index
        %swap3A_654 = arith.constant 608 : index
        %swap3A_655 = tpu.vector_load %arg8[%swap3A_652, %swap3A_653, %swap3A_654] {strides = array<i32>} : memref<2x50x768xf32, #tpu.memory_space<vmem>>, vector<1x1x16xf32>,
        %swap3A_656 = vector.shape_cast %swap3A_655 : vector<1x1x16xf32> to vector<16xf32>
        %swap3A_657 = vector.shape_cast %get3A_650 : vector<16xf32> to vector<1x1x16xf32>
        tpu.vector_store %arg8[%swap3A_652, %swap3A_653, %swap3A_654], %swap3A_657 {add = true, strides = array<i32>} : memref<2x50x768xf32, #tpu.memory_space<vmem>>, vector<1x1x16xf32>,
        %get3A_658 = arith.constant 1 : i32
        %get3A_659 = arith.index_cast %get3A_658 : i32 to index
        %get3A_660 = arith.index_cast %scan3A_464 : i32 to index
        %get3A_661 = arith.constant 240 : index
        %get3A_662 = tpu.vector_load %arg9[%get3A_659, %get3A_660, %get3A_661] {strides = array<i32>} : memref<2x56x384xf32, #tpu.memory_space<vmem>>, vector<1x1x16xf32>,
        %get3A_663 = vector.shape_cast %get3A_662 : vector<1x1x16xf32> to vector<16xf32>
        %swap3A_664 = arith.constant 0 : i32
        %swap3A_665 = arith.index_cast %swap3A_664 : i32 to index
        %swap3A_666 = arith.index_cast %scan3A_464 : i32 to index
        %swap3A_667 = arith.constant 624 : index
        %swap3A_668 = tpu.vector_load %arg8[%swap3A_665, %swap3A_666, %swap3A_667] {strides = array<i32>} : memref<2x50x768xf32, #tpu.memory_space<vmem>>, vector<1x1x16xf32>,
        %swap3A_669 = vector.shape_cast %swap3A_668 : vector<1x1x16xf32> to vector<16xf32>
        %swap3A_670 = vector.shape_cast %get3A_663 : vector<16xf32> to vector<1x1x16xf32>
        tpu.vector_store %arg8[%swap3A_665, %swap3A_666, %swap3A_667], %swap3A_670 {add = true, strides = array<i32>} : memref<2x50x768xf32, #tpu.memory_space<vmem>>, vector<1x1x16xf32>,
        %get3A_671 = arith.constant 1 : i32
        %get3A_672 = arith.index_cast %get3A_671 : i32 to index
        %get3A_673 = arith.index_cast %scan3A_464 : i32 to index
        %get3A_674 = arith.constant 256 : index
        %get3A_675 = tpu.vector_load %arg9[%get3A_672, %get3A_673, %get3A_674] {strides = array<i32>} : memref<2x56x384xf32, #tpu.memory_space<vmem>>, vector<1x1x16xf32>,
        %get3A_676 = vector.shape_cast %get3A_675 : vector<1x1x16xf32> to vector<16xf32>
        %swap3A_677 = arith.constant 0 : i32
        %swap3A_678 = arith.index_cast %swap3A_677 : i32 to index
        %swap3A_679 = arith.index_cast %scan3A_464 : i32 to index
        %swap3A_680 = arith.constant 640 : index
        %swap3A_681 = tpu.vector_load %arg8[%swap3A_678, %swap3A_679, %swap3A_680] {strides = array<i32>} : memref<2x50x768xf32, #tpu.memory_space<vmem>>, vector<1x1x16xf32>,
        %swap3A_682 = vector.shape_cast %swap3A_681 : vector<1x1x16xf32> to vector<16xf32>
        %swap3A_683 = vector.shape_cast %get3A_676 : vector<16xf32> to vector<1x1x16xf32>
        tpu.vector_store %arg8[%swap3A_678, %swap3A_679, %swap3A_680], %swap3A_683 {add = true, strides = array<i32>} : memref<2x50x768xf32, #tpu.memory_space<vmem>>, vector<1x1x16xf32>,
        %get3A_684 = arith.constant 1 : i32
        %get3A_685 = arith.index_cast %get3A_684 : i32 to index
        %get3A_686 = arith.index_cast %scan3A_464 : i32 to index
        %get3A_687 = arith.constant 272 : index
        %get3A_688 = tpu.vector_load %arg9[%get3A_685, %get3A_686, %get3A_687] {strides = array<i32>} : memref<2x56x384xf32, #tpu.memory_space<vmem>>, vector<1x1x16xf32>,
        %get3A_689 = vector.shape_cast %get3A_688 : vector<1x1x16xf32> to vector<16xf32>
        %swap3A_690 = arith.constant 0 : i32
        %swap3A_691 = arith.index_cast %swap3A_690 : i32 to index
        %swap3A_692 = arith.index_cast %scan3A_464 : i32 to index
        %swap3A_693 = arith.constant 656 : index
        %swap3A_694 = tpu.vector_load %arg8[%swap3A_691, %swap3A_692, %swap3A_693] {strides = array<i32>} : memref<2x50x768xf32, #tpu.memory_space<vmem>>, vector<1x1x16xf32>,
        %swap3A_695 = vector.shape_cast %swap3A_694 : vector<1x1x16xf32> to vector<16xf32>
        %swap3A_696 = vector.shape_cast %get3A_689 : vector<16xf32> to vector<1x1x16xf32>
        tpu.vector_store %arg8[%swap3A_691, %swap3A_692, %swap3A_693], %swap3A_696 {add = true, strides = array<i32>} : memref<2x50x768xf32, #tpu.memory_space<vmem>>, vector<1x1x16xf32>,
        %get3A_697 = arith.constant 1 : i32
        %get3A_698 = arith.index_cast %get3A_697 : i32 to index
        %get3A_699 = arith.index_cast %scan3A_464 : i32 to index
        %get3A_700 = arith.constant 288 : index
        %get3A_701 = tpu.vector_load %arg9[%get3A_698, %get3A_699, %get3A_700] {strides = array<i32>} : memref<2x56x384xf32, #tpu.memory_space<vmem>>, vector<1x1x16xf32>,
        %get3A_702 = vector.shape_cast %get3A_701 : vector<1x1x16xf32> to vector<16xf32>
        %swap3A_703 = arith.constant 0 : i32
        %swap3A_704 = arith.index_cast %swap3A_703 : i32 to index
        %swap3A_705 = arith.index_cast %scan3A_464 : i32 to index
        %swap3A_706 = arith.constant 672 : index
        %swap3A_707 = tpu.vector_load %arg8[%swap3A_704, %swap3A_705, %swap3A_706] {strides = array<i32>} : memref<2x50x768xf32, #tpu.memory_space<vmem>>, vector<1x1x16xf32>,
        %swap3A_708 = vector.shape_cast %swap3A_707 : vector<1x1x16xf32> to vector<16xf32>
        %swap3A_709 = vector.shape_cast %get3A_702 : vector<16xf32> to vector<1x1x16xf32>
        tpu.vector_store %arg8[%swap3A_704, %swap3A_705, %swap3A_706], %swap3A_709 {add = true, strides = array<i32>} : memref<2x50x768xf32, #tpu.memory_space<vmem>>, vector<1x1x16xf32>,
        %get3A_710 = arith.constant 1 : i32
        %get3A_711 = arith.index_cast %get3A_710 : i32 to index
        %get3A_712 = arith.index_cast %scan3A_464 : i32 to index
        %get3A_713 = arith.constant 304 : index
        %get3A_714 = tpu.vector_load %arg9[%get3A_711, %get3A_712, %get3A_713] {strides = array<i32>} : memref<2x56x384xf32, #tpu.memory_space<vmem>>, vector<1x1x16xf32>,
        %get3A_715 = vector.shape_cast %get3A_714 : vector<1x1x16xf32> to vector<16xf32>
        %swap3A_716 = arith.constant 0 : i32
        %swap3A_717 = arith.index_cast %swap3A_716 : i32 to index
        %swap3A_718 = arith.index_cast %scan3A_464 : i32 to index
        %swap3A_719 = arith.constant 688 : index
        %swap3A_720 = tpu.vector_load %arg8[%swap3A_717, %swap3A_718, %swap3A_719] {strides = array<i32>} : memref<2x50x768xf32, #tpu.memory_space<vmem>>, vector<1x1x16xf32>,
        %swap3A_721 = vector.shape_cast %swap3A_720 : vector<1x1x16xf32> to vector<16xf32>
        %swap3A_722 = vector.shape_cast %get3A_715 : vector<16xf32> to vector<1x1x16xf32>
        tpu.vector_store %arg8[%swap3A_717, %swap3A_718, %swap3A_719], %swap3A_722 {add = true, strides = array<i32>} : memref<2x50x768xf32, #tpu.memory_space<vmem>>, vector<1x1x16xf32>,
        %get3A_723 = arith.constant 1 : i32
        %get3A_724 = arith.index_cast %get3A_723 : i32 to index
        %get3A_725 = arith.index_cast %scan3A_464 : i32 to index
        %get3A_726 = arith.constant 320 : index
        %get3A_727 = tpu.vector_load %arg9[%get3A_724, %get3A_725, %get3A_726] {strides = array<i32>} : memref<2x56x384xf32, #tpu.memory_space<vmem>>, vector<1x1x16xf32>,
        %get3A_728 = vector.shape_cast %get3A_727 : vector<1x1x16xf32> to vector<16xf32>
        %swap3A_729 = arith.constant 0 : i32
        %swap3A_730 = arith.index_cast %swap3A_729 : i32 to index
        %swap3A_731 = arith.index_cast %scan3A_464 : i32 to index
        %swap3A_732 = arith.constant 704 : index
        %swap3A_733 = tpu.vector_load %arg8[%swap3A_730, %swap3A_731, %swap3A_732] {strides = array<i32>} : memref<2x50x768xf32, #tpu.memory_space<vmem>>, vector<1x1x16xf32>,
        %swap3A_734 = vector.shape_cast %swap3A_733 : vector<1x1x16xf32> to vector<16xf32>
        %swap3A_735 = vector.shape_cast %get3A_728 : vector<16xf32> to vector<1x1x16xf32>
        tpu.vector_store %arg8[%swap3A_730, %swap3A_731, %swap3A_732], %swap3A_735 {add = true, strides = array<i32>} : memref<2x50x768xf32, #tpu.memory_space<vmem>>, vector<1x1x16xf32>,
        %get3A_736 = arith.constant 1 : i32
        %get3A_737 = arith.index_cast %get3A_736 : i32 to index
        %get3A_738 = arith.index_cast %scan3A_464 : i32 to index
        %get3A_739 = arith.constant 336 : index
        %get3A_740 = tpu.vector_load %arg9[%get3A_737, %get3A_738, %get3A_739] {strides = array<i32>} : memref<2x56x384xf32, #tpu.memory_space<vmem>>, vector<1x1x16xf32>,
        %get3A_741 = vector.shape_cast %get3A_740 : vector<1x1x16xf32> to vector<16xf32>
        %swap3A_742 = arith.constant 0 : i32
        %swap3A_743 = arith.index_cast %swap3A_742 : i32 to index
        %swap3A_744 = arith.index_cast %scan3A_464 : i32 to index
        %swap3A_745 = arith.constant 720 : index
        %swap3A_746 = tpu.vector_load %arg8[%swap3A_743, %swap3A_744, %swap3A_745] {strides = array<i32>} : memref<2x50x768xf32, #tpu.memory_space<vmem>>, vector<1x1x16xf32>,
        %swap3A_747 = vector.shape_cast %swap3A_746 : vector<1x1x16xf32> to vector<16xf32>
        %swap3A_748 = vector.shape_cast %get3A_741 : vector<16xf32> to vector<1x1x16xf32>
        tpu.vector_store %arg8[%swap3A_743, %swap3A_744, %swap3A_745], %swap3A_748 {add = true, strides = array<i32>} : memref<2x50x768xf32, #tpu.memory_space<vmem>>, vector<1x1x16xf32>,
        %get3A_749 = arith.constant 1 : i32
        %get3A_750 = arith.index_cast %get3A_749 : i32 to index
        %get3A_751 = arith.index_cast %scan3A_464 : i32 to index
        %get3A_752 = arith.constant 352 : index
        %get3A_753 = tpu.vector_load %arg9[%get3A_750, %get3A_751, %get3A_752] {strides = array<i32>} : memref<2x56x384xf32, #tpu.memory_space<vmem>>, vector<1x1x16xf32>,
        %get3A_754 = vector.shape_cast %get3A_753 : vector<1x1x16xf32> to vector<16xf32>
        %swap3A_755 = arith.constant 0 : i32
        %swap3A_756 = arith.index_cast %swap3A_755 : i32 to index
        %swap3A_757 = arith.index_cast %scan3A_464 : i32 to index
        %swap3A_758 = arith.constant 736 : index
        %swap3A_759 = tpu.vector_load %arg8[%swap3A_756, %swap3A_757, %swap3A_758] {strides = array<i32>} : memref<2x50x768xf32, #tpu.memory_space<vmem>>, vector<1x1x16xf32>,
        %swap3A_760 = vector.shape_cast %swap3A_759 : vector<1x1x16xf32> to vector<16xf32>
        %swap3A_761 = vector.shape_cast %get3A_754 : vector<16xf32> to vector<1x1x16xf32>
        tpu.vector_store %arg8[%swap3A_756, %swap3A_757, %swap3A_758], %swap3A_761 {add = true, strides = array<i32>} : memref<2x50x768xf32, #tpu.memory_space<vmem>>, vector<1x1x16xf32>,
        %get3A_762 = arith.constant 1 : i32
        %get3A_763 = arith.index_cast %get3A_762 : i32 to index
        %get3A_764 = arith.index_cast %scan3A_464 : i32 to index
        %get3A_765 = arith.constant 368 : index
        %get3A_766 = tpu.vector_load %arg9[%get3A_763, %get3A_764, %get3A_765] {strides = array<i32>} : memref<2x56x384xf32, #tpu.memory_space<vmem>>, vector<1x1x16xf32>,
        %get3A_767 = vector.shape_cast %get3A_766 : vector<1x1x16xf32> to vector<16xf32>
        %swap3A_768 = arith.constant 0 : i32
        %swap3A_769 = arith.index_cast %swap3A_768 : i32 to index
        %swap3A_770 = arith.index_cast %scan3A_464 : i32 to index
        %swap3A_771 = arith.constant 752 : index
        %swap3A_772 = tpu.vector_load %arg8[%swap3A_769, %swap3A_770, %swap3A_771] {strides = array<i32>} : memref<2x50x768xf32, #tpu.memory_space<vmem>>, vector<1x1x16xf32>,
        %swap3A_773 = vector.shape_cast %swap3A_772 : vector<1x1x16xf32> to vector<16xf32>
        %swap3A_774 = vector.shape_cast %get3A_767 : vector<16xf32> to vector<1x1x16xf32>
        tpu.vector_store %arg8[%swap3A_769, %swap3A_770, %swap3A_771], %swap3A_774 {add = true, strides = array<i32>} : memref<2x50x768xf32, #tpu.memory_space<vmem>>, vector<1x1x16xf32>,
      }
      %scan3A_275 = arith.constant 50 : i32
      %add3A_276 = arith.constant 1 : i32
      %add3A_277 = arith.addi %add3A_170, %add3A_276 : i32
      %lt3A_278 = arith.constant 128 : i32
      %lt3A_279 = arith.cmpi slt, %add3A_277, %lt3A_278 : i32
      %convert_element_type3A_280 = arith.extui %lt3A_279 : i1 to i32
      %cond3A_281 = arith.constant 0 : i32
      %cond3A_282 = arith.cmpi ne, %convert_element_type3A_280, %cond3A_281 : i32
      scf.if %cond3A_282 {
        %add3A_464 = arith.constant 1 : i32
        %add3A_465 = arith.addi %add3A_170, %add3A_464 : i32
        %jit3A_466 = arith.constant 4 : i32
        %eq3A_467 = arith.constant 0 : i32
        %eq3A_468 = arith.cmpi eq, %jit3A_466, %eq3A_467 : i32
        %jit3A_469 = arith.constant 1 : i32
        %select_n3A_470 = arith.select %eq3A_468, %jit3A_469, %jit3A_466 : i32
        %rem3A_471 = arith.remsi %add3A_465, %select_n3A_470 : i32
        %ne3A_472 = arith.constant 0 : i32
        %ne3A_473 = arith.cmpi ne, %rem3A_471, %ne3A_472 : i32
        %lt3A_474 = arith.constant 0 : i32
        %lt3A_475 = arith.cmpi slt, %rem3A_471, %lt3A_474 : i32
        %lt3A_476 = arith.constant 0 : i32
        %lt3A_477 = arith.cmpi slt, %select_n3A_470, %lt3A_476 : i32
        %ne3A_478 = arith.xori %lt3A_475, %lt3A_477 : i1
        %and3A_479 = arith.andi %ne3A_478, %ne3A_473 : i1
        %add3A_480 = arith.addi %rem3A_471, %select_n3A_470 : i32
        %select_n3A_481 = arith.select %and3A_479, %add3A_480, %rem3A_471 : i32
        %dma_start3A_482 = arith.constant 1 : i32
        %dma_start3A_483 = arith.constant 1 : i32
        %dma_start3A_484 = arith.constant 0 : i32
        %dma_start3A_485 = arith.constant 0 : i32
        %dma_start3A_486 = tpu.memref_slice %arg9[%dma_start3A_482, %dma_start3A_484, %dma_start3A_485] : memref<2x56x384xf32, #tpu.memory_space<vmem>> -> memref<1x56x384xf32, #tpu.memory_space<vmem>>
        %dma_start3A_487 = tpu.memref_squeeze %dma_start3A_486 : memref<1x56x384xf32, #tpu.memory_space<vmem>> -> memref<56x384xf32, #tpu.memory_space<vmem>>
        %dma_start3A_488 = arith.constant 0 : i32
        %dma_start3A_489 = tpu.memref_slice %arg7[%select_n3A_481, %dma_start3A_488] : memref<4x56xi32, #tpu.memory_space<vmem>> -> memref<1x56xi32, #tpu.memory_space<vmem>>
        %dma_start3A_490 = tpu.memref_squeeze %dma_start3A_489 : memref<1x56xi32, #tpu.memory_space<vmem>> -> memref<56xi32, #tpu.memory_space<vmem>>
        %dma_start3A_491 = arith.constant 0 : i32
        %dma_start3A_492 = arith.constant 0 : i32
        %dma_start3A_493 = tpu.memref_slice %arg5[%dma_start3A_491, %dma_start3A_492] : memref<8008x384xf32, #tpu.memory_space<hbm>> -> memref<8008x384xf32, #tpu.memory_space<hbm>>
        %dma_start3A_494 = tpu.memref_slice %arg12[%dma_start3A_483] : memref<2x!tpu.dma_semaphore, #tpu.memory_space<semaphore_mem>> -> memref<1x!tpu.dma_semaphore, #tpu.memory_space<semaphore_mem>>
        %dma_start3A_495 = tpu.memref_squeeze %dma_start3A_494 : memref<1x!tpu.dma_semaphore, #tpu.memory_space<semaphore_mem>> -> memref<!tpu.dma_semaphore, #tpu.memory_space<semaphore_mem>>
        tpu.enqueue_indirect_dma source(%dma_start3A_493 : memref<8008x384xf32, #tpu.memory_space<hbm>>) target(%dma_start3A_487 : memref<56x384xf32, #tpu.memory_space<vmem>>) offsets(%dma_start3A_490 : memref<56xi32, #tpu.memory_space<vmem>>) semaphore(%dma_start3A_495 : memref<!tpu.dma_semaphore, #tpu.memory_space<semaphore_mem>>)
      } else {
      }
      %add3A_283 = arith.addi %mul3A_2, %add3A_170 : i32
      %dma_start3A_284 = arith.constant 0 : i32
      %dma_start3A_285 = arith.constant 0 : i32
      %dma_start3A_286 = arith.constant 0 : i32
      %dma_start3A_287 = arith.constant 0 : i32
      %dma_start3A_288 = tpu.memref_slice %arg8[%dma_start3A_284, %dma_start3A_286, %dma_start3A_287] : memref<2x50x768xf32, #tpu.memory_space<vmem>> -> memref<1x50x768xf32, #tpu.memory_space<vmem>>
      %dma_start3A_289 = tpu.memref_squeeze %dma_start3A_288 : memref<1x50x768xf32, #tpu.memory_space<vmem>> -> memref<50x768xf32, #tpu.memory_space<vmem>>
      %dma_start3A_290 = arith.constant 0 : i32
      %dma_start3A_291 = arith.constant 0 : i32
      %dma_start3A_292 = tpu.memref_slice %arg6[%add3A_283, %dma_start3A_290, %dma_start3A_291] : memref<4096x50x768xf32, #tpu.memory_space<hbm>> -> memref<1x50x768xf32, #tpu.memory_space<hbm>>
      %dma_start3A_293 = tpu.memref_squeeze %dma_start3A_292 : memref<1x50x768xf32, #tpu.memory_space<hbm>> -> memref<50x768xf32, #tpu.memory_space<hbm>>
      %dma_start3A_294 = tpu.memref_slice %arg13[%dma_start3A_285] : memref<2x!tpu.dma_semaphore, #tpu.memory_space<semaphore_mem>> -> memref<1x!tpu.dma_semaphore, #tpu.memory_space<semaphore_mem>>
      %dma_start3A_295 = tpu.memref_squeeze %dma_start3A_294 : memref<1x!tpu.dma_semaphore, #tpu.memory_space<semaphore_mem>> -> memref<!tpu.dma_semaphore, #tpu.memory_space<semaphore_mem>>
      %dma_start3A_296 = arith.constant 0 : i32
      %dma_start3A_297 = arith.constant 0 : i32
      %dma_start3A_298 = tpu.memref_slice %arg6[%add3A_283, %dma_start3A_296, %dma_start3A_297] : memref<4096x50x768xf32, #tpu.memory_space<hbm>> -> memref<1x50x768xf32, #tpu.memory_space<hbm>>
      %dma_start3A_299 = tpu.memref_squeeze %dma_start3A_298 : memref<1x50x768xf32, #tpu.memory_space<hbm>> -> memref<50x768xf32, #tpu.memory_space<hbm>>
      %dma_start3A_300 = arith.constant 0 : i32
      %dma_start3A_301 = arith.constant 0 : i32
      %dma_start3A_302 = tpu.memref_slice %arg8[%dma_start3A_284, %dma_start3A_300, %dma_start3A_301] : memref<2x50x768xf32, #tpu.memory_space<vmem>> -> memref<1x50x768xf32, #tpu.memory_space<vmem>>
      %dma_start3A_303 = tpu.memref_squeeze %dma_start3A_302 : memref<1x50x768xf32, #tpu.memory_space<vmem>> -> memref<50x768xf32, #tpu.memory_space<vmem>>
      tpu.enqueue_dma source(%dma_start3A_303 : memref<50x768xf32, #tpu.memory_space<vmem>>) target(%dma_start3A_299 : memref<50x768xf32, #tpu.memory_space<hbm>>) target_semaphore(%dma_start3A_295 : memref<!tpu.dma_semaphore, #tpu.memory_space<semaphore_mem>>)
      %add3A_304 = arith.constant 2 : i32
      %add3A_305 = arith.addi %add3A_170, %add3A_304 : i32
      %lt3A_306 = arith.constant 128 : i32
      %lt3A_307 = arith.cmpi slt, %add3A_305, %lt3A_306 : i32
      %convert_element_type3A_308 = arith.extui %lt3A_307 : i1 to i32
      %cond3A_309 = arith.constant 0 : i32
      %cond3A_310 = arith.cmpi ne, %convert_element_type3A_308, %cond3A_309 : i32
      scf.if %cond3A_310 {
        %add3A_464 = arith.constant 2 : i32
        %add3A_465 = arith.addi %add3A_170, %add3A_464 : i32
        %add3A_466 = arith.addi %mul3A_2, %add3A_465 : i32
        %mul3A_467 = arith.constant 56 : i32
        %mul3A_468 = arith.muli %add3A_466, %mul3A_467 : i32
        %jit3A_469 = arith.constant 4 : i32
        %eq3A_470 = arith.constant 0 : i32
        %eq3A_471 = arith.cmpi eq, %jit3A_469, %eq3A_470 : i32
        %jit3A_472 = arith.constant 1 : i32
        %select_n3A_473 = arith.select %eq3A_471, %jit3A_472, %jit3A_469 : i32
        %rem3A_474 = arith.remsi %add3A_465, %select_n3A_473 : i32
        %ne3A_475 = arith.constant 0 : i32
        %ne3A_476 = arith.cmpi ne, %rem3A_474, %ne3A_475 : i32
        %lt3A_477 = arith.constant 0 : i32
        %lt3A_478 = arith.cmpi slt, %rem3A_474, %lt3A_477 : i32
        %lt3A_479 = arith.constant 0 : i32
        %lt3A_480 = arith.cmpi slt, %select_n3A_473, %lt3A_479 : i32
        %ne3A_481 = arith.xori %lt3A_478, %lt3A_480 : i1
        %and3A_482 = arith.andi %ne3A_481, %ne3A_476 : i1
        %add3A_483 = arith.addi %rem3A_474, %select_n3A_473 : i32
        %select_n3A_484 = arith.select %and3A_482, %add3A_483, %rem3A_474 : i32
        %jit3A_485 = arith.constant 4 : i32
        %eq3A_486 = arith.constant 0 : i32
        %eq3A_487 = arith.cmpi eq, %jit3A_485, %eq3A_486 : i32
        %jit3A_488 = arith.constant 1 : i32
        %select_n3A_489 = arith.select %eq3A_487, %jit3A_488, %jit3A_485 : i32
        %rem3A_490 = arith.remsi %add3A_465, %select_n3A_489 : i32
        %ne3A_491 = arith.constant 0 : i32
        %ne3A_492 = arith.cmpi ne, %rem3A_490, %ne3A_491 : i32
        %lt3A_493 = arith.constant 0 : i32
        %lt3A_494 = arith.cmpi slt, %rem3A_490, %lt3A_493 : i32
        %lt3A_495 = arith.constant 0 : i32
        %lt3A_496 = arith.cmpi slt, %select_n3A_489, %lt3A_495 : i32
        %ne3A_497 = arith.xori %lt3A_494, %lt3A_496 : i1
        %and3A_498 = arith.andi %ne3A_497, %ne3A_492 : i1
        %add3A_499 = arith.addi %rem3A_490, %select_n3A_489 : i32
        %select_n3A_500 = arith.select %and3A_498, %add3A_499, %rem3A_490 : i32
        %dma_wait3A_501 = arith.constant 0 : i32
        %dma_wait3A_502 = tpu.memref_slice %arg7[%select_n3A_484, %dma_wait3A_501] : memref<4x56xi32, #tpu.memory_space<vmem>> -> memref<1x56xi32, #tpu.memory_space<vmem>>
        %dma_wait3A_503 = tpu.memref_squeeze %dma_wait3A_502 : memref<1x56xi32, #tpu.memory_space<vmem>> -> memref<56xi32, #tpu.memory_space<vmem>>
        %dma_wait3A_504 = tpu.memref_slice %arg3[%mul3A_468] : memref<229376xi32, #tpu.memory_space<hbm>> -> memref<56xi32, #tpu.memory_space<hbm>>
        %dma_wait3A_505 = tpu.memref_slice %arg10[%select_n3A_500] : memref<4x!tpu.dma_semaphore, #tpu.memory_space<semaphore_mem>> -> memref<1x!tpu.dma_semaphore, #tpu.memory_space<semaphore_mem>>
        %dma_wait3A_506 = tpu.memref_squeeze %dma_wait3A_505 : memref<1x!tpu.dma_semaphore, #tpu.memory_space<semaphore_mem>> -> memref<!tpu.dma_semaphore, #tpu.memory_space<semaphore_mem>>
        %dma_wait3A_507 = arith.constant 0 : i32
        %dma_wait3A_508 = tpu.memref_slice %arg7[%select_n3A_484, %dma_wait3A_507] : memref<4x56xi32, #tpu.memory_space<vmem>> -> memref<1x56xi32, #tpu.memory_space<vmem>>
        %dma_wait3A_509 = tpu.memref_squeeze %dma_wait3A_508 : memref<1x56xi32, #tpu.memory_space<vmem>> -> memref<56xi32, #tpu.memory_space<vmem>>
        %dma_wait3A_510 = tpu.memref_slice %arg3[%mul3A_468] : memref<229376xi32, #tpu.memory_space<hbm>> -> memref<56xi32, #tpu.memory_space<hbm>>
        tpu.wait_dma2 semaphore(%dma_wait3A_506 : memref<!tpu.dma_semaphore, #tpu.memory_space<semaphore_mem>>) src(%dma_wait3A_510 : memref<56xi32, #tpu.memory_space<hbm>>) dst(%dma_wait3A_509 : memref<56xi32, #tpu.memory_space<vmem>>)
      } else {
      }
      %mul3A_311 = arith.constant 2 : i32
      %mul3A_312 = arith.muli %scan3A_166, %mul3A_311 : i32
      %add3A_313 = arith.constant 1 : i32
      %add3A_314 = arith.addi %mul3A_312, %add3A_313 : i32
      %add3A_315 = arith.constant 2 : i32
      %add3A_316 = arith.addi %add3A_314, %add3A_315 : i32
      %lt3A_317 = arith.constant 128 : i32
      %lt3A_318 = arith.cmpi slt, %add3A_316, %lt3A_317 : i32
      %convert_element_type3A_319 = arith.extui %lt3A_318 : i1 to i32
      %cond3A_320 = arith.constant 0 : i32
      %cond3A_321 = arith.cmpi ne, %convert_element_type3A_319, %cond3A_320 : i32
      scf.if %cond3A_321 {
        %add3A_464 = arith.constant 2 : i32
        %add3A_465 = arith.addi %add3A_314, %add3A_464 : i32
        %add3A_466 = arith.addi %mul3A_2, %add3A_465 : i32
        %mul3A_467 = arith.constant 56 : i32
        %mul3A_468 = arith.muli %add3A_466, %mul3A_467 : i32
        %jit3A_469 = arith.constant 4 : i32
        %eq3A_470 = arith.constant 0 : i32
        %eq3A_471 = arith.cmpi eq, %jit3A_469, %eq3A_470 : i32
        %jit3A_472 = arith.constant 1 : i32
        %select_n3A_473 = arith.select %eq3A_471, %jit3A_472, %jit3A_469 : i32
        %rem3A_474 = arith.remsi %add3A_465, %select_n3A_473 : i32
        %ne3A_475 = arith.constant 0 : i32
        %ne3A_476 = arith.cmpi ne, %rem3A_474, %ne3A_475 : i32
        %lt3A_477 = arith.constant 0 : i32
        %lt3A_478 = arith.cmpi slt, %rem3A_474, %lt3A_477 : i32
        %lt3A_479 = arith.constant 0 : i32
        %lt3A_480 = arith.cmpi slt, %select_n3A_473, %lt3A_479 : i32
        %ne3A_481 = arith.xori %lt3A_478, %lt3A_480 : i1
        %and3A_482 = arith.andi %ne3A_481, %ne3A_476 : i1
        %add3A_483 = arith.addi %rem3A_474, %select_n3A_473 : i32
        %select_n3A_484 = arith.select %and3A_482, %add3A_483, %rem3A_474 : i32
        %jit3A_485 = arith.constant 4 : i32
        %eq3A_486 = arith.constant 0 : i32
        %eq3A_487 = arith.cmpi eq, %jit3A_485, %eq3A_486 : i32
        %jit3A_488 = arith.constant 1 : i32
        %select_n3A_489 = arith.select %eq3A_487, %jit3A_488, %jit3A_485 : i32
        %rem3A_490 = arith.remsi %add3A_465, %select_n3A_489 : i32
        %ne3A_491 = arith.constant 0 : i32
        %ne3A_492 = arith.cmpi ne, %rem3A_490, %ne3A_491 : i32
        %lt3A_493 = arith.constant 0 : i32
        %lt3A_494 = arith.cmpi slt, %rem3A_490, %lt3A_493 : i32
        %lt3A_495 = arith.constant 0 : i32
        %lt3A_496 = arith.cmpi slt, %select_n3A_489, %lt3A_495 : i32
        %ne3A_497 = arith.xori %lt3A_494, %lt3A_496 : i1
        %and3A_498 = arith.andi %ne3A_497, %ne3A_492 : i1
        %add3A_499 = arith.addi %rem3A_490, %select_n3A_489 : i32
        %select_n3A_500 = arith.select %and3A_498, %add3A_499, %rem3A_490 : i32
        %dma_start3A_501 = arith.constant 0 : i32
        %dma_start3A_502 = tpu.memref_slice %arg7[%select_n3A_484, %dma_start3A_501] : memref<4x56xi32, #tpu.memory_space<vmem>> -> memref<1x56xi32, #tpu.memory_space<vmem>>
        %dma_start3A_503 = tpu.memref_squeeze %dma_start3A_502 : memref<1x56xi32, #tpu.memory_space<vmem>> -> memref<56xi32, #tpu.memory_space<vmem>>
        %dma_start3A_504 = tpu.memref_slice %arg3[%mul3A_468] : memref<229376xi32, #tpu.memory_space<hbm>> -> memref<56xi32, #tpu.memory_space<hbm>>
        %dma_start3A_505 = tpu.memref_slice %arg10[%select_n3A_500] : memref<4x!tpu.dma_semaphore, #tpu.memory_space<semaphore_mem>> -> memref<1x!tpu.dma_semaphore, #tpu.memory_space<semaphore_mem>>
        %dma_start3A_506 = tpu.memref_squeeze %dma_start3A_505 : memref<1x!tpu.dma_semaphore, #tpu.memory_space<semaphore_mem>> -> memref<!tpu.dma_semaphore, #tpu.memory_space<semaphore_mem>>
        %dma_start3A_507 = arith.constant 0 : i32
        %dma_start3A_508 = tpu.memref_slice %arg7[%select_n3A_484, %dma_start3A_507] : memref<4x56xi32, #tpu.memory_space<vmem>> -> memref<1x56xi32, #tpu.memory_space<vmem>>
        %dma_start3A_509 = tpu.memref_squeeze %dma_start3A_508 : memref<1x56xi32, #tpu.memory_space<vmem>> -> memref<56xi32, #tpu.memory_space<vmem>>
        %dma_start3A_510 = tpu.memref_slice %arg3[%mul3A_468] : memref<229376xi32, #tpu.memory_space<hbm>> -> memref<56xi32, #tpu.memory_space<hbm>>
        tpu.enqueue_dma source(%dma_start3A_510 : memref<56xi32, #tpu.memory_space<hbm>>) target(%dma_start3A_509 : memref<56xi32, #tpu.memory_space<vmem>>) target_semaphore(%dma_start3A_506 : memref<!tpu.dma_semaphore, #tpu.memory_space<semaphore_mem>>)
      } else {
      }
      %add3A_322 = arith.constant 1 : i32
      %add3A_323 = arith.addi %add3A_314, %add3A_322 : i32
      %lt3A_324 = arith.constant 128 : i32
      %lt3A_325 = arith.cmpi slt, %add3A_323, %lt3A_324 : i32
      %convert_element_type3A_326 = arith.extui %lt3A_325 : i1 to i32
      %cond3A_327 = arith.constant 0 : i32
      %cond3A_328 = arith.cmpi ne, %convert_element_type3A_326, %cond3A_327 : i32
      scf.if %cond3A_328 {
        %ge3A = arith.constant 1 : i32
        %ge3A_464 = arith.cmpi sge, %add3A_314, %ge3A : i32
        %convert_element_type3A_465 = arith.extui %ge3A_464 : i1 to i32
        %cond3A_466 = arith.constant 0 : i32
        %cond3A_467 = arith.cmpi ne, %convert_element_type3A_465, %cond3A_466 : i32
        scf.if %cond3A_467 {
          %sub3A = arith.constant 1 : i32
          %sub3A_491 = arith.subi %add3A_314, %sub3A : i32
          %add3A_492 = arith.addi %mul3A_2, %sub3A_491 : i32
          %dma_wait3A_493 = arith.constant 0 : i32
          %dma_wait3A_494 = arith.constant 0 : i32
          %dma_wait3A_495 = arith.constant 0 : i32
          %dma_wait3A_496 = arith.constant 0 : i32
          %dma_wait3A_497 = tpu.memref_slice %arg8[%dma_wait3A_493, %dma_wait3A_495, %dma_wait3A_496] : memref<2x50x768xf32, #tpu.memory_space<vmem>> -> memref<1x50x768xf32, #tpu.memory_space<vmem>>
          %dma_wait3A_498 = tpu.memref_squeeze %dma_wait3A_497 : memref<1x50x768xf32, #tpu.memory_space<vmem>> -> memref<50x768xf32, #tpu.memory_space<vmem>>
          %dma_wait3A_499 = arith.constant 0 : i32
          %dma_wait3A_500 = arith.constant 0 : i32
          %dma_wait3A_501 = tpu.memref_slice %arg6[%add3A_492, %dma_wait3A_499, %dma_wait3A_500] : memref<4096x50x768xf32, #tpu.memory_space<hbm>> -> memref<1x50x768xf32, #tpu.memory_space<hbm>>
          %dma_wait3A_502 = tpu.memref_squeeze %dma_wait3A_501 : memref<1x50x768xf32, #tpu.memory_space<hbm>> -> memref<50x768xf32, #tpu.memory_space<hbm>>
          %dma_wait3A_503 = tpu.memref_slice %arg13[%dma_wait3A_494] : memref<2x!tpu.dma_semaphore, #tpu.memory_space<semaphore_mem>> -> memref<1x!tpu.dma_semaphore, #tpu.memory_space<semaphore_mem>>
          %dma_wait3A_504 = tpu.memref_squeeze %dma_wait3A_503 : memref<1x!tpu.dma_semaphore, #tpu.memory_space<semaphore_mem>> -> memref<!tpu.dma_semaphore, #tpu.memory_space<semaphore_mem>>
          %dma_wait3A_505 = arith.constant 0 : i32
          %dma_wait3A_506 = arith.constant 0 : i32
          %dma_wait3A_507 = tpu.memref_slice %arg6[%add3A_492, %dma_wait3A_505, %dma_wait3A_506] : memref<4096x50x768xf32, #tpu.memory_space<hbm>> -> memref<1x50x768xf32, #tpu.memory_space<hbm>>
          %dma_wait3A_508 = tpu.memref_squeeze %dma_wait3A_507 : memref<1x50x768xf32, #tpu.memory_space<hbm>> -> memref<50x768xf32, #tpu.memory_space<hbm>>
          %dma_wait3A_509 = arith.constant 0 : i32
          %dma_wait3A_510 = arith.constant 0 : i32
          %dma_wait3A_511 = tpu.memref_slice %arg8[%dma_wait3A_493, %dma_wait3A_509, %dma_wait3A_510] : memref<2x50x768xf32, #tpu.memory_space<vmem>> -> memref<1x50x768xf32, #tpu.memory_space<vmem>>
          %dma_wait3A_512 = tpu.memref_squeeze %dma_wait3A_511 : memref<1x50x768xf32, #tpu.memory_space<vmem>> -> memref<50x768xf32, #tpu.memory_space<vmem>>
          tpu.wait_dma2 semaphore(%dma_wait3A_504 : memref<!tpu.dma_semaphore, #tpu.memory_space<semaphore_mem>>) src(%dma_wait3A_512 : memref<50x768xf32, #tpu.memory_space<vmem>>) dst(%dma_wait3A_508 : memref<50x768xf32, #tpu.memory_space<hbm>>)
        } else {
        }
        %add3A_468 = arith.constant 1 : i32
        %add3A_469 = arith.addi %add3A_314, %add3A_468 : i32
        %add3A_470 = arith.addi %mul3A_2, %add3A_469 : i32
        %dma_start3A_471 = arith.constant 0 : i32
        %dma_start3A_472 = arith.constant 0 : i32
        %dma_start3A_473 = arith.constant 0 : i32
        %dma_start3A_474 = arith.constant 0 : i32
        %dma_start3A_475 = tpu.memref_slice %arg8[%dma_start3A_471, %dma_start3A_473, %dma_start3A_474] : memref<2x50x768xf32, #tpu.memory_space<vmem>> -> memref<1x50x768xf32, #tpu.memory_space<vmem>>
        %dma_start3A_476 = tpu.memref_squeeze %dma_start3A_475 : memref<1x50x768xf32, #tpu.memory_space<vmem>> -> memref<50x768xf32, #tpu.memory_space<vmem>>
        %dma_start3A_477 = arith.constant 0 : i32
        %dma_start3A_478 = arith.constant 0 : i32
        %dma_start3A_479 = tpu.memref_slice %arg2[%add3A_470, %dma_start3A_477, %dma_start3A_478] : memref<4096x50x768xf32, #tpu.memory_space<hbm>> -> memref<1x50x768xf32, #tpu.memory_space<hbm>>
        %dma_start3A_480 = tpu.memref_squeeze %dma_start3A_479 : memref<1x50x768xf32, #tpu.memory_space<hbm>> -> memref<50x768xf32, #tpu.memory_space<hbm>>
        %dma_start3A_481 = tpu.memref_slice %arg11[%dma_start3A_472] : memref<2x!tpu.dma_semaphore, #tpu.memory_space<semaphore_mem>> -> memref<1x!tpu.dma_semaphore, #tpu.memory_space<semaphore_mem>>
        %dma_start3A_482 = tpu.memref_squeeze %dma_start3A_481 : memref<1x!tpu.dma_semaphore, #tpu.memory_space<semaphore_mem>> -> memref<!tpu.dma_semaphore, #tpu.memory_space<semaphore_mem>>
        %dma_start3A_483 = arith.constant 0 : i32
        %dma_start3A_484 = arith.constant 0 : i32
        %dma_start3A_485 = tpu.memref_slice %arg8[%dma_start3A_471, %dma_start3A_483, %dma_start3A_484] : memref<2x50x768xf32, #tpu.memory_space<vmem>> -> memref<1x50x768xf32, #tpu.memory_space<vmem>>
        %dma_start3A_486 = tpu.memref_squeeze %dma_start3A_485 : memref<1x50x768xf32, #tpu.memory_space<vmem>> -> memref<50x768xf32, #tpu.memory_space<vmem>>
        %dma_start3A_487 = arith.constant 0 : i32
        %dma_start3A_488 = arith.constant 0 : i32
        %dma_start3A_489 = tpu.memref_slice %arg2[%add3A_470, %dma_start3A_487, %dma_start3A_488] : memref<4096x50x768xf32, #tpu.memory_space<hbm>> -> memref<1x50x768xf32, #tpu.memory_space<hbm>>
        %dma_start3A_490 = tpu.memref_squeeze %dma_start3A_489 : memref<1x50x768xf32, #tpu.memory_space<hbm>> -> memref<50x768xf32, #tpu.memory_space<hbm>>
        tpu.enqueue_dma source(%dma_start3A_490 : memref<50x768xf32, #tpu.memory_space<hbm>>) target(%dma_start3A_486 : memref<50x768xf32, #tpu.memory_space<vmem>>) target_semaphore(%dma_start3A_482 : memref<!tpu.dma_semaphore, #tpu.memory_space<semaphore_mem>>)
      } else {
      }
      %add3A_329 = arith.addi %mul3A_2, %add3A_314 : i32
      %dma_wait3A_330 = arith.constant 1 : i32
      %dma_wait3A_331 = arith.constant 1 : i32
      %dma_wait3A_332 = arith.constant 0 : i32
      %dma_wait3A_333 = arith.constant 0 : i32
      %dma_wait3A_334 = tpu.memref_slice %arg8[%dma_wait3A_330, %dma_wait3A_332, %dma_wait3A_333] : memref<2x50x768xf32, #tpu.memory_space<vmem>> -> memref<1x50x768xf32, #tpu.memory_space<vmem>>
      %dma_wait3A_335 = tpu.memref_squeeze %dma_wait3A_334 : memref<1x50x768xf32, #tpu.memory_space<vmem>> -> memref<50x768xf32, #tpu.memory_space<vmem>>
      %dma_wait3A_336 = arith.constant 0 : i32
      %dma_wait3A_337 = arith.constant 0 : i32
      %dma_wait3A_338 = tpu.memref_slice %arg2[%add3A_329, %dma_wait3A_336, %dma_wait3A_337] : memref<4096x50x768xf32, #tpu.memory_space<hbm>> -> memref<1x50x768xf32, #tpu.memory_space<hbm>>
      %dma_wait3A_339 = tpu.memref_squeeze %dma_wait3A_338 : memref<1x50x768xf32, #tpu.memory_space<hbm>> -> memref<50x768xf32, #tpu.memory_space<hbm>>
      %dma_wait3A_340 = tpu.memref_slice %arg11[%dma_wait3A_331] : memref<2x!tpu.dma_semaphore, #tpu.memory_space<semaphore_mem>> -> memref<1x!tpu.dma_semaphore, #tpu.memory_space<semaphore_mem>>
      %dma_wait3A_341 = tpu.memref_squeeze %dma_wait3A_340 : memref<1x!tpu.dma_semaphore, #tpu.memory_space<semaphore_mem>> -> memref<!tpu.dma_semaphore, #tpu.memory_space<semaphore_mem>>
      %dma_wait3A_342 = arith.constant 0 : i32
      %dma_wait3A_343 = arith.constant 0 : i32
      %dma_wait3A_344 = tpu.memref_slice %arg8[%dma_wait3A_330, %dma_wait3A_342, %dma_wait3A_343] : memref<2x50x768xf32, #tpu.memory_space<vmem>> -> memref<1x50x768xf32, #tpu.memory_space<vmem>>
      %dma_wait3A_345 = tpu.memref_squeeze %dma_wait3A_344 : memref<1x50x768xf32, #tpu.memory_space<vmem>> -> memref<50x768xf32, #tpu.memory_space<vmem>>
      %dma_wait3A_346 = arith.constant 0 : i32
      %dma_wait3A_347 = arith.constant 0 : i32
      %dma_wait3A_348 = tpu.memref_slice %arg2[%add3A_329, %dma_wait3A_346, %dma_wait3A_347] : memref<4096x50x768xf32, #tpu.memory_space<hbm>> -> memref<1x50x768xf32, #tpu.memory_space<hbm>>
      %dma_wait3A_349 = tpu.memref_squeeze %dma_wait3A_348 : memref<1x50x768xf32, #tpu.memory_space<hbm>> -> memref<50x768xf32, #tpu.memory_space<hbm>>
      tpu.wait_dma2 semaphore(%dma_wait3A_341 : memref<!tpu.dma_semaphore, #tpu.memory_space<semaphore_mem>>) src(%dma_wait3A_349 : memref<50x768xf32, #tpu.memory_space<hbm>>) dst(%dma_wait3A_345 : memref<50x768xf32, #tpu.memory_space<vmem>>)
      %jit3A_350 = arith.constant 4 : i32
      %eq3A_351 = arith.constant 0 : i32
      %eq3A_352 = arith.cmpi eq, %jit3A_350, %eq3A_351 : i32
      %jit3A_353 = arith.constant 1 : i32
      %select_n3A_354 = arith.select %eq3A_352, %jit3A_353, %jit3A_350 : i32
      %rem3A_355 = arith.remsi %add3A_314, %select_n3A_354 : i32
      %ne3A_356 = arith.constant 0 : i32
      %ne3A_357 = arith.cmpi ne, %rem3A_355, %ne3A_356 : i32
      %lt3A_358 = arith.constant 0 : i32
      %lt3A_359 = arith.cmpi slt, %rem3A_355, %lt3A_358 : i32
      %lt3A_360 = arith.constant 0 : i32
      %lt3A_361 = arith.cmpi slt, %select_n3A_354, %lt3A_360 : i32
      %ne3A_362 = arith.xori %lt3A_359, %lt3A_361 : i1
      %and3A_363 = arith.andi %ne3A_362, %ne3A_357 : i1
      %add3A_364 = arith.addi %rem3A_355, %select_n3A_354 : i32
      %select_n3A_365 = arith.select %and3A_363, %add3A_364, %rem3A_355 : i32
      %dma_wait3A_366 = arith.constant 0 : i32
      %dma_wait3A_367 = arith.constant 0 : i32
      %dma_wait3A_368 = arith.constant 0 : i32
      %dma_wait3A_369 = arith.constant 0 : i32
      %dma_wait3A_370 = tpu.memref_slice %arg9[%dma_wait3A_366, %dma_wait3A_368, %dma_wait3A_369] : memref<2x56x384xf32, #tpu.memory_space<vmem>> -> memref<1x56x384xf32, #tpu.memory_space<vmem>>
      %dma_wait3A_371 = tpu.memref_squeeze %dma_wait3A_370 : memref<1x56x384xf32, #tpu.memory_space<vmem>> -> memref<56x384xf32, #tpu.memory_space<vmem>>
      %dma_wait3A_372 = arith.constant 0 : i32
      %dma_wait3A_373 = tpu.memref_slice %arg7[%select_n3A_365, %dma_wait3A_372] : memref<4x56xi32, #tpu.memory_space<vmem>> -> memref<1x56xi32, #tpu.memory_space<vmem>>
      %dma_wait3A_374 = tpu.memref_squeeze %dma_wait3A_373 : memref<1x56xi32, #tpu.memory_space<vmem>> -> memref<56xi32, #tpu.memory_space<vmem>>
      %dma_wait3A_375 = arith.constant 0 : i32
      %dma_wait3A_376 = arith.constant 0 : i32
      %dma_wait3A_377 = tpu.memref_slice %arg4[%dma_wait3A_375, %dma_wait3A_376] : memref<8008x384xf32, #tpu.memory_space<hbm>> -> memref<8008x384xf32, #tpu.memory_space<hbm>>
      %dma_wait3A_378 = tpu.memref_slice %arg12[%dma_wait3A_367] : memref<2x!tpu.dma_semaphore, #tpu.memory_space<semaphore_mem>> -> memref<1x!tpu.dma_semaphore, #tpu.memory_space<semaphore_mem>>
      %dma_wait3A_379 = tpu.memref_squeeze %dma_wait3A_378 : memref<1x!tpu.dma_semaphore, #tpu.memory_space<semaphore_mem>> -> memref<!tpu.dma_semaphore, #tpu.memory_space<semaphore_mem>>
      tpu.wait_indirect_dma semaphore(%dma_wait3A_379 : memref<!tpu.dma_semaphore, #tpu.memory_space<semaphore_mem>>) src(%dma_wait3A_377 : memref<8008x384xf32, #tpu.memory_space<hbm>>) dst(%dma_wait3A_371 : memref<56x384xf32, #tpu.memory_space<vmem>>)
      %scan3A_380 = arith.constant 0 : i32
      %scan3A_381 = arith.constant 0 : i32
      %scan3A_382 = arith.constant 50 : i32
      %scan3A_383 = arith.addi %scan3A_381, %scan3A_382 : i32
      %scan3A_384 = arith.constant 1 : i32
      scf.for %scan3A_464 = %scan3A_381 to %scan3A_383 step %scan3A_384  : i32 {
        %get3A = arith.constant 0 : i32
        %get3A_465 = arith.index_cast %get3A : i32 to index
        %get3A_466 = arith.index_cast %scan3A_464 : i32 to index
        %get3A_467 = arith.constant 0 : index
        %get3A_468 = tpu.vector_load %arg9[%get3A_465, %get3A_466, %get3A_467] {strides = array<i32>} : memref<2x56x384xf32, #tpu.memory_space<vmem>>, vector<1x1x16xf32>,
        %get3A_469 = vector.shape_cast %get3A_468 : vector<1x1x16xf32> to vector<16xf32>
        %swap3A = arith.constant 1 : i32
        %swap3A_470 = arith.index_cast %swap3A : i32 to index
        %swap3A_471 = arith.index_cast %scan3A_464 : i32 to index
        %swap3A_472 = arith.constant 0 : index
        %swap3A_473 = tpu.vector_load %arg8[%swap3A_470, %swap3A_471, %swap3A_472] {strides = array<i32>} : memref<2x50x768xf32, #tpu.memory_space<vmem>>, vector<1x1x16xf32>,
        %swap3A_474 = vector.shape_cast %swap3A_473 : vector<1x1x16xf32> to vector<16xf32>
        %swap3A_475 = vector.shape_cast %get3A_469 : vector<16xf32> to vector<1x1x16xf32>
        tpu.vector_store %arg8[%swap3A_470, %swap3A_471, %swap3A_472], %swap3A_475 {add = true, strides = array<i32>} : memref<2x50x768xf32, #tpu.memory_space<vmem>>, vector<1x1x16xf32>,
        %get3A_476 = arith.constant 0 : i32
        %get3A_477 = arith.index_cast %get3A_476 : i32 to index
        %get3A_478 = arith.index_cast %scan3A_464 : i32 to index
        %get3A_479 = arith.constant 16 : index
        %get3A_480 = tpu.vector_load %arg9[%get3A_477, %get3A_478, %get3A_479] {strides = array<i32>} : memref<2x56x384xf32, #tpu.memory_space<vmem>>, vector<1x1x16xf32>,
        %get3A_481 = vector.shape_cast %get3A_480 : vector<1x1x16xf32> to vector<16xf32>
        %swap3A_482 = arith.constant 1 : i32
        %swap3A_483 = arith.index_cast %swap3A_482 : i32 to index
        %swap3A_484 = arith.index_cast %scan3A_464 : i32 to index
        %swap3A_485 = arith.constant 16 : index
        %swap3A_486 = tpu.vector_load %arg8[%swap3A_483, %swap3A_484, %swap3A_485] {strides = array<i32>} : memref<2x50x768xf32, #tpu.memory_space<vmem>>, vector<1x1x16xf32>,
        %swap3A_487 = vector.shape_cast %swap3A_486 : vector<1x1x16xf32> to vector<16xf32>
        %swap3A_488 = vector.shape_cast %get3A_481 : vector<16xf32> to vector<1x1x16xf32>
        tpu.vector_store %arg8[%swap3A_483, %swap3A_484, %swap3A_485], %swap3A_488 {add = true, strides = array<i32>} : memref<2x50x768xf32, #tpu.memory_space<vmem>>, vector<1x1x16xf32>,
        %get3A_489 = arith.constant 0 : i32
        %get3A_490 = arith.index_cast %get3A_489 : i32 to index
        %get3A_491 = arith.index_cast %scan3A_464 : i32 to index
        %get3A_492 = arith.constant 32 : index
        %get3A_493 = tpu.vector_load %arg9[%get3A_490, %get3A_491, %get3A_492] {strides = array<i32>} : memref<2x56x384xf32, #tpu.memory_space<vmem>>, vector<1x1x16xf32>,
        %get3A_494 = vector.shape_cast %get3A_493 : vector<1x1x16xf32> to vector<16xf32>
        %swap3A_495 = arith.constant 1 : i32
        %swap3A_496 = arith.index_cast %swap3A_495 : i32 to index
        %swap3A_497 = arith.index_cast %scan3A_464 : i32 to index
        %swap3A_498 = arith.constant 32 : index
        %swap3A_499 = tpu.vector_load %arg8[%swap3A_496, %swap3A_497, %swap3A_498] {strides = array<i32>} : memref<2x50x768xf32, #tpu.memory_space<vmem>>, vector<1x1x16xf32>,
        %swap3A_500 = vector.shape_cast %swap3A_499 : vector<1x1x16xf32> to vector<16xf32>
        %swap3A_501 = vector.shape_cast %get3A_494 : vector<16xf32> to vector<1x1x16xf32>
        tpu.vector_store %arg8[%swap3A_496, %swap3A_497, %swap3A_498], %swap3A_501 {add = true, strides = array<i32>} : memref<2x50x768xf32, #tpu.memory_space<vmem>>, vector<1x1x16xf32>,
        %get3A_502 = arith.constant 0 : i32
        %get3A_503 = arith.index_cast %get3A_502 : i32 to index
        %get3A_504 = arith.index_cast %scan3A_464 : i32 to index
        %get3A_505 = arith.constant 48 : index
        %get3A_506 = tpu.vector_load %arg9[%get3A_503, %get3A_504, %get3A_505] {strides = array<i32>} : memref<2x56x384xf32, #tpu.memory_space<vmem>>, vector<1x1x16xf32>,
        %get3A_507 = vector.shape_cast %get3A_506 : vector<1x1x16xf32> to vector<16xf32>
        %swap3A_508 = arith.constant 1 : i32
        %swap3A_509 = arith.index_cast %swap3A_508 : i32 to index
        %swap3A_510 = arith.index_cast %scan3A_464 : i32 to index
        %swap3A_511 = arith.constant 48 : index
        %swap3A_512 = tpu.vector_load %arg8[%swap3A_509, %swap3A_510, %swap3A_511] {strides = array<i32>} : memref<2x50x768xf32, #tpu.memory_space<vmem>>, vector<1x1x16xf32>,
        %swap3A_513 = vector.shape_cast %swap3A_512 : vector<1x1x16xf32> to vector<16xf32>
        %swap3A_514 = vector.shape_cast %get3A_507 : vector<16xf32> to vector<1x1x16xf32>
        tpu.vector_store %arg8[%swap3A_509, %swap3A_510, %swap3A_511], %swap3A_514 {add = true, strides = array<i32>} : memref<2x50x768xf32, #tpu.memory_space<vmem>>, vector<1x1x16xf32>,
        %get3A_515 = arith.constant 0 : i32
        %get3A_516 = arith.index_cast %get3A_515 : i32 to index
        %get3A_517 = arith.index_cast %scan3A_464 : i32 to index
        %get3A_518 = arith.constant 64 : index
        %get3A_519 = tpu.vector_load %arg9[%get3A_516, %get3A_517, %get3A_518] {strides = array<i32>} : memref<2x56x384xf32, #tpu.memory_space<vmem>>, vector<1x1x16xf32>,
        %get3A_520 = vector.shape_cast %get3A_519 : vector<1x1x16xf32> to vector<16xf32>
        %swap3A_521 = arith.constant 1 : i32
        %swap3A_522 = arith.index_cast %swap3A_521 : i32 to index
        %swap3A_523 = arith.index_cast %scan3A_464 : i32 to index
        %swap3A_524 = arith.constant 64 : index
        %swap3A_525 = tpu.vector_load %arg8[%swap3A_522, %swap3A_523, %swap3A_524] {strides = array<i32>} : memref<2x50x768xf32, #tpu.memory_space<vmem>>, vector<1x1x16xf32>,
        %swap3A_526 = vector.shape_cast %swap3A_525 : vector<1x1x16xf32> to vector<16xf32>
        %swap3A_527 = vector.shape_cast %get3A_520 : vector<16xf32> to vector<1x1x16xf32>
        tpu.vector_store %arg8[%swap3A_522, %swap3A_523, %swap3A_524], %swap3A_527 {add = true, strides = array<i32>} : memref<2x50x768xf32, #tpu.memory_space<vmem>>, vector<1x1x16xf32>,
        %get3A_528 = arith.constant 0 : i32
        %get3A_529 = arith.index_cast %get3A_528 : i32 to index
        %get3A_530 = arith.index_cast %scan3A_464 : i32 to index
        %get3A_531 = arith.constant 80 : index
        %get3A_532 = tpu.vector_load %arg9[%get3A_529, %get3A_530, %get3A_531] {strides = array<i32>} : memref<2x56x384xf32, #tpu.memory_space<vmem>>, vector<1x1x16xf32>,
        %get3A_533 = vector.shape_cast %get3A_532 : vector<1x1x16xf32> to vector<16xf32>
        %swap3A_534 = arith.constant 1 : i32
        %swap3A_535 = arith.index_cast %swap3A_534 : i32 to index
        %swap3A_536 = arith.index_cast %scan3A_464 : i32 to index
        %swap3A_537 = arith.constant 80 : index
        %swap3A_538 = tpu.vector_load %arg8[%swap3A_535, %swap3A_536, %swap3A_537] {strides = array<i32>} : memref<2x50x768xf32, #tpu.memory_space<vmem>>, vector<1x1x16xf32>,
        %swap3A_539 = vector.shape_cast %swap3A_538 : vector<1x1x16xf32> to vector<16xf32>
        %swap3A_540 = vector.shape_cast %get3A_533 : vector<16xf32> to vector<1x1x16xf32>
        tpu.vector_store %arg8[%swap3A_535, %swap3A_536, %swap3A_537], %swap3A_540 {add = true, strides = array<i32>} : memref<2x50x768xf32, #tpu.memory_space<vmem>>, vector<1x1x16xf32>,
        %get3A_541 = arith.constant 0 : i32
        %get3A_542 = arith.index_cast %get3A_541 : i32 to index
        %get3A_543 = arith.index_cast %scan3A_464 : i32 to index
        %get3A_544 = arith.constant 96 : index
        %get3A_545 = tpu.vector_load %arg9[%get3A_542, %get3A_543, %get3A_544] {strides = array<i32>} : memref<2x56x384xf32, #tpu.memory_space<vmem>>, vector<1x1x16xf32>,
        %get3A_546 = vector.shape_cast %get3A_545 : vector<1x1x16xf32> to vector<16xf32>
        %swap3A_547 = arith.constant 1 : i32
        %swap3A_548 = arith.index_cast %swap3A_547 : i32 to index
        %swap3A_549 = arith.index_cast %scan3A_464 : i32 to index
        %swap3A_550 = arith.constant 96 : index
        %swap3A_551 = tpu.vector_load %arg8[%swap3A_548, %swap3A_549, %swap3A_550] {strides = array<i32>} : memref<2x50x768xf32, #tpu.memory_space<vmem>>, vector<1x1x16xf32>,
        %swap3A_552 = vector.shape_cast %swap3A_551 : vector<1x1x16xf32> to vector<16xf32>
        %swap3A_553 = vector.shape_cast %get3A_546 : vector<16xf32> to vector<1x1x16xf32>
        tpu.vector_store %arg8[%swap3A_548, %swap3A_549, %swap3A_550], %swap3A_553 {add = true, strides = array<i32>} : memref<2x50x768xf32, #tpu.memory_space<vmem>>, vector<1x1x16xf32>,
        %get3A_554 = arith.constant 0 : i32
        %get3A_555 = arith.index_cast %get3A_554 : i32 to index
        %get3A_556 = arith.index_cast %scan3A_464 : i32 to index
        %get3A_557 = arith.constant 112 : index
        %get3A_558 = tpu.vector_load %arg9[%get3A_555, %get3A_556, %get3A_557] {strides = array<i32>} : memref<2x56x384xf32, #tpu.memory_space<vmem>>, vector<1x1x16xf32>,
        %get3A_559 = vector.shape_cast %get3A_558 : vector<1x1x16xf32> to vector<16xf32>
        %swap3A_560 = arith.constant 1 : i32
        %swap3A_561 = arith.index_cast %swap3A_560 : i32 to index
        %swap3A_562 = arith.index_cast %scan3A_464 : i32 to index
        %swap3A_563 = arith.constant 112 : index
        %swap3A_564 = tpu.vector_load %arg8[%swap3A_561, %swap3A_562, %swap3A_563] {strides = array<i32>} : memref<2x50x768xf32, #tpu.memory_space<vmem>>, vector<1x1x16xf32>,
        %swap3A_565 = vector.shape_cast %swap3A_564 : vector<1x1x16xf32> to vector<16xf32>
        %swap3A_566 = vector.shape_cast %get3A_559 : vector<16xf32> to vector<1x1x16xf32>
        tpu.vector_store %arg8[%swap3A_561, %swap3A_562, %swap3A_563], %swap3A_566 {add = true, strides = array<i32>} : memref<2x50x768xf32, #tpu.memory_space<vmem>>, vector<1x1x16xf32>,
        %get3A_567 = arith.constant 0 : i32
        %get3A_568 = arith.index_cast %get3A_567 : i32 to index
        %get3A_569 = arith.index_cast %scan3A_464 : i32 to index
        %get3A_570 = arith.constant 128 : index
        %get3A_571 = tpu.vector_load %arg9[%get3A_568, %get3A_569, %get3A_570] {strides = array<i32>} : memref<2x56x384xf32, #tpu.memory_space<vmem>>, vector<1x1x16xf32>,
        %get3A_572 = vector.shape_cast %get3A_571 : vector<1x1x16xf32> to vector<16xf32>
        %swap3A_573 = arith.constant 1 : i32
        %swap3A_574 = arith.index_cast %swap3A_573 : i32 to index
        %swap3A_575 = arith.index_cast %scan3A_464 : i32 to index
        %swap3A_576 = arith.constant 128 : index
        %swap3A_577 = tpu.vector_load %arg8[%swap3A_574, %swap3A_575, %swap3A_576] {strides = array<i32>} : memref<2x50x768xf32, #tpu.memory_space<vmem>>, vector<1x1x16xf32>,
        %swap3A_578 = vector.shape_cast %swap3A_577 : vector<1x1x16xf32> to vector<16xf32>
        %swap3A_579 = vector.shape_cast %get3A_572 : vector<16xf32> to vector<1x1x16xf32>
        tpu.vector_store %arg8[%swap3A_574, %swap3A_575, %swap3A_576], %swap3A_579 {add = true, strides = array<i32>} : memref<2x50x768xf32, #tpu.memory_space<vmem>>, vector<1x1x16xf32>,
        %get3A_580 = arith.constant 0 : i32
        %get3A_581 = arith.index_cast %get3A_580 : i32 to index
        %get3A_582 = arith.index_cast %scan3A_464 : i32 to index
        %get3A_583 = arith.constant 144 : index
        %get3A_584 = tpu.vector_load %arg9[%get3A_581, %get3A_582, %get3A_583] {strides = array<i32>} : memref<2x56x384xf32, #tpu.memory_space<vmem>>, vector<1x1x16xf32>,
        %get3A_585 = vector.shape_cast %get3A_584 : vector<1x1x16xf32> to vector<16xf32>
        %swap3A_586 = arith.constant 1 : i32
        %swap3A_587 = arith.index_cast %swap3A_586 : i32 to index
        %swap3A_588 = arith.index_cast %scan3A_464 : i32 to index
        %swap3A_589 = arith.constant 144 : index
        %swap3A_590 = tpu.vector_load %arg8[%swap3A_587, %swap3A_588, %swap3A_589] {strides = array<i32>} : memref<2x50x768xf32, #tpu.memory_space<vmem>>, vector<1x1x16xf32>,
        %swap3A_591 = vector.shape_cast %swap3A_590 : vector<1x1x16xf32> to vector<16xf32>
        %swap3A_592 = vector.shape_cast %get3A_585 : vector<16xf32> to vector<1x1x16xf32>
        tpu.vector_store %arg8[%swap3A_587, %swap3A_588, %swap3A_589], %swap3A_592 {add = true, strides = array<i32>} : memref<2x50x768xf32, #tpu.memory_space<vmem>>, vector<1x1x16xf32>,
        %get3A_593 = arith.constant 0 : i32
        %get3A_594 = arith.index_cast %get3A_593 : i32 to index
        %get3A_595 = arith.index_cast %scan3A_464 : i32 to index
        %get3A_596 = arith.constant 160 : index
        %get3A_597 = tpu.vector_load %arg9[%get3A_594, %get3A_595, %get3A_596] {strides = array<i32>} : memref<2x56x384xf32, #tpu.memory_space<vmem>>, vector<1x1x16xf32>,
        %get3A_598 = vector.shape_cast %get3A_597 : vector<1x1x16xf32> to vector<16xf32>
        %swap3A_599 = arith.constant 1 : i32
        %swap3A_600 = arith.index_cast %swap3A_599 : i32 to index
        %swap3A_601 = arith.index_cast %scan3A_464 : i32 to index
        %swap3A_602 = arith.constant 160 : index
        %swap3A_603 = tpu.vector_load %arg8[%swap3A_600, %swap3A_601, %swap3A_602] {strides = array<i32>} : memref<2x50x768xf32, #tpu.memory_space<vmem>>, vector<1x1x16xf32>,
        %swap3A_604 = vector.shape_cast %swap3A_603 : vector<1x1x16xf32> to vector<16xf32>
        %swap3A_605 = vector.shape_cast %get3A_598 : vector<16xf32> to vector<1x1x16xf32>
        tpu.vector_store %arg8[%swap3A_600, %swap3A_601, %swap3A_602], %swap3A_605 {add = true, strides = array<i32>} : memref<2x50x768xf32, #tpu.memory_space<vmem>>, vector<1x1x16xf32>,
        %get3A_606 = arith.constant 0 : i32
        %get3A_607 = arith.index_cast %get3A_606 : i32 to index
        %get3A_608 = arith.index_cast %scan3A_464 : i32 to index
        %get3A_609 = arith.constant 176 : index
        %get3A_610 = tpu.vector_load %arg9[%get3A_607, %get3A_608, %get3A_609] {strides = array<i32>} : memref<2x56x384xf32, #tpu.memory_space<vmem>>, vector<1x1x16xf32>,
        %get3A_611 = vector.shape_cast %get3A_610 : vector<1x1x16xf32> to vector<16xf32>
        %swap3A_612 = arith.constant 1 : i32
        %swap3A_613 = arith.index_cast %swap3A_612 : i32 to index
        %swap3A_614 = arith.index_cast %scan3A_464 : i32 to index
        %swap3A_615 = arith.constant 176 : index
        %swap3A_616 = tpu.vector_load %arg8[%swap3A_613, %swap3A_614, %swap3A_615] {strides = array<i32>} : memref<2x50x768xf32, #tpu.memory_space<vmem>>, vector<1x1x16xf32>,
        %swap3A_617 = vector.shape_cast %swap3A_616 : vector<1x1x16xf32> to vector<16xf32>
        %swap3A_618 = vector.shape_cast %get3A_611 : vector<16xf32> to vector<1x1x16xf32>
        tpu.vector_store %arg8[%swap3A_613, %swap3A_614, %swap3A_615], %swap3A_618 {add = true, strides = array<i32>} : memref<2x50x768xf32, #tpu.memory_space<vmem>>, vector<1x1x16xf32>,
        %get3A_619 = arith.constant 0 : i32
        %get3A_620 = arith.index_cast %get3A_619 : i32 to index
        %get3A_621 = arith.index_cast %scan3A_464 : i32 to index
        %get3A_622 = arith.constant 192 : index
        %get3A_623 = tpu.vector_load %arg9[%get3A_620, %get3A_621, %get3A_622] {strides = array<i32>} : memref<2x56x384xf32, #tpu.memory_space<vmem>>, vector<1x1x16xf32>,
        %get3A_624 = vector.shape_cast %get3A_623 : vector<1x1x16xf32> to vector<16xf32>
        %swap3A_625 = arith.constant 1 : i32
        %swap3A_626 = arith.index_cast %swap3A_625 : i32 to index
        %swap3A_627 = arith.index_cast %scan3A_464 : i32 to index
        %swap3A_628 = arith.constant 192 : index
        %swap3A_629 = tpu.vector_load %arg8[%swap3A_626, %swap3A_627, %swap3A_628] {strides = array<i32>} : memref<2x50x768xf32, #tpu.memory_space<vmem>>, vector<1x1x16xf32>,
        %swap3A_630 = vector.shape_cast %swap3A_629 : vector<1x1x16xf32> to vector<16xf32>
        %swap3A_631 = vector.shape_cast %get3A_624 : vector<16xf32> to vector<1x1x16xf32>
        tpu.vector_store %arg8[%swap3A_626, %swap3A_627, %swap3A_628], %swap3A_631 {add = true, strides = array<i32>} : memref<2x50x768xf32, #tpu.memory_space<vmem>>, vector<1x1x16xf32>,
        %get3A_632 = arith.constant 0 : i32
        %get3A_633 = arith.index_cast %get3A_632 : i32 to index
        %get3A_634 = arith.index_cast %scan3A_464 : i32 to index
        %get3A_635 = arith.constant 208 : index
        %get3A_636 = tpu.vector_load %arg9[%get3A_633, %get3A_634, %get3A_635] {strides = array<i32>} : memref<2x56x384xf32, #tpu.memory_space<vmem>>, vector<1x1x16xf32>,
        %get3A_637 = vector.shape_cast %get3A_636 : vector<1x1x16xf32> to vector<16xf32>
        %swap3A_638 = arith.constant 1 : i32
        %swap3A_639 = arith.index_cast %swap3A_638 : i32 to index
        %swap3A_640 = arith.index_cast %scan3A_464 : i32 to index
        %swap3A_641 = arith.constant 208 : index
        %swap3A_642 = tpu.vector_load %arg8[%swap3A_639, %swap3A_640, %swap3A_641] {strides = array<i32>} : memref<2x50x768xf32, #tpu.memory_space<vmem>>, vector<1x1x16xf32>,
        %swap3A_643 = vector.shape_cast %swap3A_642 : vector<1x1x16xf32> to vector<16xf32>
        %swap3A_644 = vector.shape_cast %get3A_637 : vector<16xf32> to vector<1x1x16xf32>
        tpu.vector_store %arg8[%swap3A_639, %swap3A_640, %swap3A_641], %swap3A_644 {add = true, strides = array<i32>} : memref<2x50x768xf32, #tpu.memory_space<vmem>>, vector<1x1x16xf32>,
        %get3A_645 = arith.constant 0 : i32
        %get3A_646 = arith.index_cast %get3A_645 : i32 to index
        %get3A_647 = arith.index_cast %scan3A_464 : i32 to index
        %get3A_648 = arith.constant 224 : index
        %get3A_649 = tpu.vector_load %arg9[%get3A_646, %get3A_647, %get3A_648] {strides = array<i32>} : memref<2x56x384xf32, #tpu.memory_space<vmem>>, vector<1x1x16xf32>,
        %get3A_650 = vector.shape_cast %get3A_649 : vector<1x1x16xf32> to vector<16xf32>
        %swap3A_651 = arith.constant 1 : i32
        %swap3A_652 = arith.index_cast %swap3A_651 : i32 to index
        %swap3A_653 = arith.index_cast %scan3A_464 : i32 to index
        %swap3A_654 = arith.constant 224 : index
        %swap3A_655 = tpu.vector_load %arg8[%swap3A_652, %swap3A_653, %swap3A_654] {strides = array<i32>} : memref<2x50x768xf32, #tpu.memory_space<vmem>>, vector<1x1x16xf32>,
        %swap3A_656 = vector.shape_cast %swap3A_655 : vector<1x1x16xf32> to vector<16xf32>
        %swap3A_657 = vector.shape_cast %get3A_650 : vector<16xf32> to vector<1x1x16xf32>
        tpu.vector_store %arg8[%swap3A_652, %swap3A_653, %swap3A_654], %swap3A_657 {add = true, strides = array<i32>} : memref<2x50x768xf32, #tpu.memory_space<vmem>>, vector<1x1x16xf32>,
        %get3A_658 = arith.constant 0 : i32
        %get3A_659 = arith.index_cast %get3A_658 : i32 to index
        %get3A_660 = arith.index_cast %scan3A_464 : i32 to index
        %get3A_661 = arith.constant 240 : index
        %get3A_662 = tpu.vector_load %arg9[%get3A_659, %get3A_660, %get3A_661] {strides = array<i32>} : memref<2x56x384xf32, #tpu.memory_space<vmem>>, vector<1x1x16xf32>,
        %get3A_663 = vector.shape_cast %get3A_662 : vector<1x1x16xf32> to vector<16xf32>
        %swap3A_664 = arith.constant 1 : i32
        %swap3A_665 = arith.index_cast %swap3A_664 : i32 to index
        %swap3A_666 = arith.index_cast %scan3A_464 : i32 to index
        %swap3A_667 = arith.constant 240 : index
        %swap3A_668 = tpu.vector_load %arg8[%swap3A_665, %swap3A_666, %swap3A_667] {strides = array<i32>} : memref<2x50x768xf32, #tpu.memory_space<vmem>>, vector<1x1x16xf32>,
        %swap3A_669 = vector.shape_cast %swap3A_668 : vector<1x1x16xf32> to vector<16xf32>
        %swap3A_670 = vector.shape_cast %get3A_663 : vector<16xf32> to vector<1x1x16xf32>
        tpu.vector_store %arg8[%swap3A_665, %swap3A_666, %swap3A_667], %swap3A_670 {add = true, strides = array<i32>} : memref<2x50x768xf32, #tpu.memory_space<vmem>>, vector<1x1x16xf32>,
        %get3A_671 = arith.constant 0 : i32
        %get3A_672 = arith.index_cast %get3A_671 : i32 to index
        %get3A_673 = arith.index_cast %scan3A_464 : i32 to index
        %get3A_674 = arith.constant 256 : index
        %get3A_675 = tpu.vector_load %arg9[%get3A_672, %get3A_673, %get3A_674] {strides = array<i32>} : memref<2x56x384xf32, #tpu.memory_space<vmem>>, vector<1x1x16xf32>,
        %get3A_676 = vector.shape_cast %get3A_675 : vector<1x1x16xf32> to vector<16xf32>
        %swap3A_677 = arith.constant 1 : i32
        %swap3A_678 = arith.index_cast %swap3A_677 : i32 to index
        %swap3A_679 = arith.index_cast %scan3A_464 : i32 to index
        %swap3A_680 = arith.constant 256 : index
        %swap3A_681 = tpu.vector_load %arg8[%swap3A_678, %swap3A_679, %swap3A_680] {strides = array<i32>} : memref<2x50x768xf32, #tpu.memory_space<vmem>>, vector<1x1x16xf32>,
        %swap3A_682 = vector.shape_cast %swap3A_681 : vector<1x1x16xf32> to vector<16xf32>
        %swap3A_683 = vector.shape_cast %get3A_676 : vector<16xf32> to vector<1x1x16xf32>
        tpu.vector_store %arg8[%swap3A_678, %swap3A_679, %swap3A_680], %swap3A_683 {add = true, strides = array<i32>} : memref<2x50x768xf32, #tpu.memory_space<vmem>>, vector<1x1x16xf32>,
        %get3A_684 = arith.constant 0 : i32
        %get3A_685 = arith.index_cast %get3A_684 : i32 to index
        %get3A_686 = arith.index_cast %scan3A_464 : i32 to index
        %get3A_687 = arith.constant 272 : index
        %get3A_688 = tpu.vector_load %arg9[%get3A_685, %get3A_686, %get3A_687] {strides = array<i32>} : memref<2x56x384xf32, #tpu.memory_space<vmem>>, vector<1x1x16xf32>,
        %get3A_689 = vector.shape_cast %get3A_688 : vector<1x1x16xf32> to vector<16xf32>
        %swap3A_690 = arith.constant 1 : i32
        %swap3A_691 = arith.index_cast %swap3A_690 : i32 to index
        %swap3A_692 = arith.index_cast %scan3A_464 : i32 to index
        %swap3A_693 = arith.constant 272 : index
        %swap3A_694 = tpu.vector_load %arg8[%swap3A_691, %swap3A_692, %swap3A_693] {strides = array<i32>} : memref<2x50x768xf32, #tpu.memory_space<vmem>>, vector<1x1x16xf32>,
        %swap3A_695 = vector.shape_cast %swap3A_694 : vector<1x1x16xf32> to vector<16xf32>
        %swap3A_696 = vector.shape_cast %get3A_689 : vector<16xf32> to vector<1x1x16xf32>
        tpu.vector_store %arg8[%swap3A_691, %swap3A_692, %swap3A_693], %swap3A_696 {add = true, strides = array<i32>} : memref<2x50x768xf32, #tpu.memory_space<vmem>>, vector<1x1x16xf32>,
        %get3A_697 = arith.constant 0 : i32
        %get3A_698 = arith.index_cast %get3A_697 : i32 to index
        %get3A_699 = arith.index_cast %scan3A_464 : i32 to index
        %get3A_700 = arith.constant 288 : index
        %get3A_701 = tpu.vector_load %arg9[%get3A_698, %get3A_699, %get3A_700] {strides = array<i32>} : memref<2x56x384xf32, #tpu.memory_space<vmem>>, vector<1x1x16xf32>,
        %get3A_702 = vector.shape_cast %get3A_701 : vector<1x1x16xf32> to vector<16xf32>
        %swap3A_703 = arith.constant 1 : i32
        %swap3A_704 = arith.index_cast %swap3A_703 : i32 to index
        %swap3A_705 = arith.index_cast %scan3A_464 : i32 to index
        %swap3A_706 = arith.constant 288 : index
        %swap3A_707 = tpu.vector_load %arg8[%swap3A_704, %swap3A_705, %swap3A_706] {strides = array<i32>} : memref<2x50x768xf32, #tpu.memory_space<vmem>>, vector<1x1x16xf32>,
        %swap3A_708 = vector.shape_cast %swap3A_707 : vector<1x1x16xf32> to vector<16xf32>
        %swap3A_709 = vector.shape_cast %get3A_702 : vector<16xf32> to vector<1x1x16xf32>
        tpu.vector_store %arg8[%swap3A_704, %swap3A_705, %swap3A_706], %swap3A_709 {add = true, strides = array<i32>} : memref<2x50x768xf32, #tpu.memory_space<vmem>>, vector<1x1x16xf32>,
        %get3A_710 = arith.constant 0 : i32
        %get3A_711 = arith.index_cast %get3A_710 : i32 to index
        %get3A_712 = arith.index_cast %scan3A_464 : i32 to index
        %get3A_713 = arith.constant 304 : index
        %get3A_714 = tpu.vector_load %arg9[%get3A_711, %get3A_712, %get3A_713] {strides = array<i32>} : memref<2x56x384xf32, #tpu.memory_space<vmem>>, vector<1x1x16xf32>,
        %get3A_715 = vector.shape_cast %get3A_714 : vector<1x1x16xf32> to vector<16xf32>
        %swap3A_716 = arith.constant 1 : i32
        %swap3A_717 = arith.index_cast %swap3A_716 : i32 to index
        %swap3A_718 = arith.index_cast %scan3A_464 : i32 to index
        %swap3A_719 = arith.constant 304 : index
        %swap3A_720 = tpu.vector_load %arg8[%swap3A_717, %swap3A_718, %swap3A_719] {strides = array<i32>} : memref<2x50x768xf32, #tpu.memory_space<vmem>>, vector<1x1x16xf32>,
        %swap3A_721 = vector.shape_cast %swap3A_720 : vector<1x1x16xf32> to vector<16xf32>
        %swap3A_722 = vector.shape_cast %get3A_715 : vector<16xf32> to vector<1x1x16xf32>
        tpu.vector_store %arg8[%swap3A_717, %swap3A_718, %swap3A_719], %swap3A_722 {add = true, strides = array<i32>} : memref<2x50x768xf32, #tpu.memory_space<vmem>>, vector<1x1x16xf32>,
        %get3A_723 = arith.constant 0 : i32
        %get3A_724 = arith.index_cast %get3A_723 : i32 to index
        %get3A_725 = arith.index_cast %scan3A_464 : i32 to index
        %get3A_726 = arith.constant 320 : index
        %get3A_727 = tpu.vector_load %arg9[%get3A_724, %get3A_725, %get3A_726] {strides = array<i32>} : memref<2x56x384xf32, #tpu.memory_space<vmem>>, vector<1x1x16xf32>,
        %get3A_728 = vector.shape_cast %get3A_727 : vector<1x1x16xf32> to vector<16xf32>
        %swap3A_729 = arith.constant 1 : i32
        %swap3A_730 = arith.index_cast %swap3A_729 : i32 to index
        %swap3A_731 = arith.index_cast %scan3A_464 : i32 to index
        %swap3A_732 = arith.constant 320 : index
        %swap3A_733 = tpu.vector_load %arg8[%swap3A_730, %swap3A_731, %swap3A_732] {strides = array<i32>} : memref<2x50x768xf32, #tpu.memory_space<vmem>>, vector<1x1x16xf32>,
        %swap3A_734 = vector.shape_cast %swap3A_733 : vector<1x1x16xf32> to vector<16xf32>
        %swap3A_735 = vector.shape_cast %get3A_728 : vector<16xf32> to vector<1x1x16xf32>
        tpu.vector_store %arg8[%swap3A_730, %swap3A_731, %swap3A_732], %swap3A_735 {add = true, strides = array<i32>} : memref<2x50x768xf32, #tpu.memory_space<vmem>>, vector<1x1x16xf32>,
        %get3A_736 = arith.constant 0 : i32
        %get3A_737 = arith.index_cast %get3A_736 : i32 to index
        %get3A_738 = arith.index_cast %scan3A_464 : i32 to index
        %get3A_739 = arith.constant 336 : index
        %get3A_740 = tpu.vector_load %arg9[%get3A_737, %get3A_738, %get3A_739] {strides = array<i32>} : memref<2x56x384xf32, #tpu.memory_space<vmem>>, vector<1x1x16xf32>,
        %get3A_741 = vector.shape_cast %get3A_740 : vector<1x1x16xf32> to vector<16xf32>
        %swap3A_742 = arith.constant 1 : i32
        %swap3A_743 = arith.index_cast %swap3A_742 : i32 to index
        %swap3A_744 = arith.index_cast %scan3A_464 : i32 to index
        %swap3A_745 = arith.constant 336 : index
        %swap3A_746 = tpu.vector_load %arg8[%swap3A_743, %swap3A_744, %swap3A_745] {strides = array<i32>} : memref<2x50x768xf32, #tpu.memory_space<vmem>>, vector<1x1x16xf32>,
        %swap3A_747 = vector.shape_cast %swap3A_746 : vector<1x1x16xf32> to vector<16xf32>
        %swap3A_748 = vector.shape_cast %get3A_741 : vector<16xf32> to vector<1x1x16xf32>
        tpu.vector_store %arg8[%swap3A_743, %swap3A_744, %swap3A_745], %swap3A_748 {add = true, strides = array<i32>} : memref<2x50x768xf32, #tpu.memory_space<vmem>>, vector<1x1x16xf32>,
        %get3A_749 = arith.constant 0 : i32
        %get3A_750 = arith.index_cast %get3A_749 : i32 to index
        %get3A_751 = arith.index_cast %scan3A_464 : i32 to index
        %get3A_752 = arith.constant 352 : index
        %get3A_753 = tpu.vector_load %arg9[%get3A_750, %get3A_751, %get3A_752] {strides = array<i32>} : memref<2x56x384xf32, #tpu.memory_space<vmem>>, vector<1x1x16xf32>,
        %get3A_754 = vector.shape_cast %get3A_753 : vector<1x1x16xf32> to vector<16xf32>
        %swap3A_755 = arith.constant 1 : i32
        %swap3A_756 = arith.index_cast %swap3A_755 : i32 to index
        %swap3A_757 = arith.index_cast %scan3A_464 : i32 to index
        %swap3A_758 = arith.constant 352 : index
        %swap3A_759 = tpu.vector_load %arg8[%swap3A_756, %swap3A_757, %swap3A_758] {strides = array<i32>} : memref<2x50x768xf32, #tpu.memory_space<vmem>>, vector<1x1x16xf32>,
        %swap3A_760 = vector.shape_cast %swap3A_759 : vector<1x1x16xf32> to vector<16xf32>
        %swap3A_761 = vector.shape_cast %get3A_754 : vector<16xf32> to vector<1x1x16xf32>
        tpu.vector_store %arg8[%swap3A_756, %swap3A_757, %swap3A_758], %swap3A_761 {add = true, strides = array<i32>} : memref<2x50x768xf32, #tpu.memory_space<vmem>>, vector<1x1x16xf32>,
        %get3A_762 = arith.constant 0 : i32
        %get3A_763 = arith.index_cast %get3A_762 : i32 to index
        %get3A_764 = arith.index_cast %scan3A_464 : i32 to index
        %get3A_765 = arith.constant 368 : index
        %get3A_766 = tpu.vector_load %arg9[%get3A_763, %get3A_764, %get3A_765] {strides = array<i32>} : memref<2x56x384xf32, #tpu.memory_space<vmem>>, vector<1x1x16xf32>,
        %get3A_767 = vector.shape_cast %get3A_766 : vector<1x1x16xf32> to vector<16xf32>
        %swap3A_768 = arith.constant 1 : i32
        %swap3A_769 = arith.index_cast %swap3A_768 : i32 to index
        %swap3A_770 = arith.index_cast %scan3A_464 : i32 to index
        %swap3A_771 = arith.constant 368 : index
        %swap3A_772 = tpu.vector_load %arg8[%swap3A_769, %swap3A_770, %swap3A_771] {strides = array<i32>} : memref<2x50x768xf32, #tpu.memory_space<vmem>>, vector<1x1x16xf32>,
        %swap3A_773 = vector.shape_cast %swap3A_772 : vector<1x1x16xf32> to vector<16xf32>
        %swap3A_774 = vector.shape_cast %get3A_767 : vector<16xf32> to vector<1x1x16xf32>
        tpu.vector_store %arg8[%swap3A_769, %swap3A_770, %swap3A_771], %swap3A_774 {add = true, strides = array<i32>} : memref<2x50x768xf32, #tpu.memory_space<vmem>>, vector<1x1x16xf32>,
      }
      %scan3A_385 = arith.constant 50 : i32
      %add3A_386 = arith.constant 1 : i32
      %add3A_387 = arith.addi %add3A_314, %add3A_386 : i32
      %lt3A_388 = arith.constant 128 : i32
      %lt3A_389 = arith.cmpi slt, %add3A_387, %lt3A_388 : i32
      %convert_element_type3A_390 = arith.extui %lt3A_389 : i1 to i32
      %cond3A_391 = arith.constant 0 : i32
      %cond3A_392 = arith.cmpi ne, %convert_element_type3A_390, %cond3A_391 : i32
      scf.if %cond3A_392 {
        %add3A_464 = arith.constant 1 : i32
        %add3A_465 = arith.addi %add3A_314, %add3A_464 : i32
        %jit3A_466 = arith.constant 4 : i32
        %eq3A_467 = arith.constant 0 : i32
        %eq3A_468 = arith.cmpi eq, %jit3A_466, %eq3A_467 : i32
        %jit3A_469 = arith.constant 1 : i32
        %select_n3A_470 = arith.select %eq3A_468, %jit3A_469, %jit3A_466 : i32
        %rem3A_471 = arith.remsi %add3A_465, %select_n3A_470 : i32
        %ne3A_472 = arith.constant 0 : i32
        %ne3A_473 = arith.cmpi ne, %rem3A_471, %ne3A_472 : i32
        %lt3A_474 = arith.constant 0 : i32
        %lt3A_475 = arith.cmpi slt, %rem3A_471, %lt3A_474 : i32
        %lt3A_476 = arith.constant 0 : i32
        %lt3A_477 = arith.cmpi slt, %select_n3A_470, %lt3A_476 : i32
        %ne3A_478 = arith.xori %lt3A_475, %lt3A_477 : i1
        %and3A_479 = arith.andi %ne3A_478, %ne3A_473 : i1
        %add3A_480 = arith.addi %rem3A_471, %select_n3A_470 : i32
        %select_n3A_481 = arith.select %and3A_479, %add3A_480, %rem3A_471 : i32
        %dma_start3A_482 = arith.constant 0 : i32
        %dma_start3A_483 = arith.constant 0 : i32
        %dma_start3A_484 = arith.constant 0 : i32
        %dma_start3A_485 = arith.constant 0 : i32
        %dma_start3A_486 = tpu.memref_slice %arg9[%dma_start3A_482, %dma_start3A_484, %dma_start3A_485] : memref<2x56x384xf32, #tpu.memory_space<vmem>> -> memref<1x56x384xf32, #tpu.memory_space<vmem>>
        %dma_start3A_487 = tpu.memref_squeeze %dma_start3A_486 : memref<1x56x384xf32, #tpu.memory_space<vmem>> -> memref<56x384xf32, #tpu.memory_space<vmem>>
        %dma_start3A_488 = arith.constant 0 : i32
        %dma_start3A_489 = tpu.memref_slice %arg7[%select_n3A_481, %dma_start3A_488] : memref<4x56xi32, #tpu.memory_space<vmem>> -> memref<1x56xi32, #tpu.memory_space<vmem>>
        %dma_start3A_490 = tpu.memref_squeeze %dma_start3A_489 : memref<1x56xi32, #tpu.memory_space<vmem>> -> memref<56xi32, #tpu.memory_space<vmem>>
        %dma_start3A_491 = arith.constant 0 : i32
        %dma_start3A_492 = arith.constant 0 : i32
        %dma_start3A_493 = tpu.memref_slice %arg4[%dma_start3A_491, %dma_start3A_492] : memref<8008x384xf32, #tpu.memory_space<hbm>> -> memref<8008x384xf32, #tpu.memory_space<hbm>>
        %dma_start3A_494 = tpu.memref_slice %arg12[%dma_start3A_483] : memref<2x!tpu.dma_semaphore, #tpu.memory_space<semaphore_mem>> -> memref<1x!tpu.dma_semaphore, #tpu.memory_space<semaphore_mem>>
        %dma_start3A_495 = tpu.memref_squeeze %dma_start3A_494 : memref<1x!tpu.dma_semaphore, #tpu.memory_space<semaphore_mem>> -> memref<!tpu.dma_semaphore, #tpu.memory_space<semaphore_mem>>
        tpu.enqueue_indirect_dma source(%dma_start3A_493 : memref<8008x384xf32, #tpu.memory_space<hbm>>) target(%dma_start3A_487 : memref<56x384xf32, #tpu.memory_space<vmem>>) offsets(%dma_start3A_490 : memref<56xi32, #tpu.memory_space<vmem>>) semaphore(%dma_start3A_495 : memref<!tpu.dma_semaphore, #tpu.memory_space<semaphore_mem>>)
      } else {
      }
      %jit3A_393 = arith.constant 4 : i32
      %eq3A_394 = arith.constant 0 : i32
      %eq3A_395 = arith.cmpi eq, %jit3A_393, %eq3A_394 : i32
      %jit3A_396 = arith.constant 1 : i32
      %select_n3A_397 = arith.select %eq3A_395, %jit3A_396, %jit3A_393 : i32
      %rem3A_398 = arith.remsi %add3A_314, %select_n3A_397 : i32
      %ne3A_399 = arith.constant 0 : i32
      %ne3A_400 = arith.cmpi ne, %rem3A_398, %ne3A_399 : i32
      %lt3A_401 = arith.constant 0 : i32
      %lt3A_402 = arith.cmpi slt, %rem3A_398, %lt3A_401 : i32
      %lt3A_403 = arith.constant 0 : i32
      %lt3A_404 = arith.cmpi slt, %select_n3A_397, %lt3A_403 : i32
      %ne3A_405 = arith.xori %lt3A_402, %lt3A_404 : i1
      %and3A_406 = arith.andi %ne3A_405, %ne3A_400 : i1
      %add3A_407 = arith.addi %rem3A_398, %select_n3A_397 : i32
      %select_n3A_408 = arith.select %and3A_406, %add3A_407, %rem3A_398 : i32
      %dma_wait3A_409 = arith.constant 1 : i32
      %dma_wait3A_410 = arith.constant 1 : i32
      %dma_wait3A_411 = arith.constant 0 : i32
      %dma_wait3A_412 = arith.constant 0 : i32
      %dma_wait3A_413 = tpu.memref_slice %arg9[%dma_wait3A_409, %dma_wait3A_411, %dma_wait3A_412] : memref<2x56x384xf32, #tpu.memory_space<vmem>> -> memref<1x56x384xf32, #tpu.memory_space<vmem>>
      %dma_wait3A_414 = tpu.memref_squeeze %dma_wait3A_413 : memref<1x56x384xf32, #tpu.memory_space<vmem>> -> memref<56x384xf32, #tpu.memory_space<vmem>>
      %dma_wait3A_415 = arith.constant 0 : i32
      %dma_wait3A_416 = tpu.memref_slice %arg7[%select_n3A_408, %dma_wait3A_415] : memref<4x56xi32, #tpu.memory_space<vmem>> -> memref<1x56xi32, #tpu.memory_space<vmem>>
      %dma_wait3A_417 = tpu.memref_squeeze %dma_wait3A_416 : memref<1x56xi32, #tpu.memory_space<vmem>> -> memref<56xi32, #tpu.memory_space<vmem>>
      %dma_wait3A_418 = arith.constant 0 : i32
      %dma_wait3A_419 = arith.constant 0 : i32
      %dma_wait3A_420 = tpu.memref_slice %arg5[%dma_wait3A_418, %dma_wait3A_419] : memref<8008x384xf32, #tpu.memory_space<hbm>> -> memref<8008x384xf32, #tpu.memory_space<hbm>>
      %dma_wait3A_421 = tpu.memref_slice %arg12[%dma_wait3A_410] : memref<2x!tpu.dma_semaphore, #tpu.memory_space<semaphore_mem>> -> memref<1x!tpu.dma_semaphore, #tpu.memory_space<semaphore_mem>>
      %dma_wait3A_422 = tpu.memref_squeeze %dma_wait3A_421 : memref<1x!tpu.dma_semaphore, #tpu.memory_space<semaphore_mem>> -> memref<!tpu.dma_semaphore, #tpu.memory_space<semaphore_mem>>
      tpu.wait_indirect_dma semaphore(%dma_wait3A_422 : memref<!tpu.dma_semaphore, #tpu.memory_space<semaphore_mem>>) src(%dma_wait3A_420 : memref<8008x384xf32, #tpu.memory_space<hbm>>) dst(%dma_wait3A_414 : memref<56x384xf32, #tpu.memory_space<vmem>>)
      %scan3A_423 = arith.constant 0 : i32
      %scan3A_424 = arith.constant 0 : i32
      %scan3A_425 = arith.constant 50 : i32
      %scan3A_426 = arith.addi %scan3A_424, %scan3A_425 : i32
      %scan3A_427 = arith.constant 1 : i32
      scf.for %scan3A_464 = %scan3A_424 to %scan3A_426 step %scan3A_427  : i32 {
        %get3A = arith.constant 1 : i32
        %get3A_465 = arith.index_cast %get3A : i32 to index
        %get3A_466 = arith.index_cast %scan3A_464 : i32 to index
        %get3A_467 = arith.constant 0 : index
        %get3A_468 = tpu.vector_load %arg9[%get3A_465, %get3A_466, %get3A_467] {strides = array<i32>} : memref<2x56x384xf32, #tpu.memory_space<vmem>>, vector<1x1x16xf32>,
        %get3A_469 = vector.shape_cast %get3A_468 : vector<1x1x16xf32> to vector<16xf32>
        %swap3A = arith.constant 1 : i32
        %swap3A_470 = arith.index_cast %swap3A : i32 to index
        %swap3A_471 = arith.index_cast %scan3A_464 : i32 to index
        %swap3A_472 = arith.constant 384 : index
        %swap3A_473 = tpu.vector_load %arg8[%swap3A_470, %swap3A_471, %swap3A_472] {strides = array<i32>} : memref<2x50x768xf32, #tpu.memory_space<vmem>>, vector<1x1x16xf32>,
        %swap3A_474 = vector.shape_cast %swap3A_473 : vector<1x1x16xf32> to vector<16xf32>
        %swap3A_475 = vector.shape_cast %get3A_469 : vector<16xf32> to vector<1x1x16xf32>
        tpu.vector_store %arg8[%swap3A_470, %swap3A_471, %swap3A_472], %swap3A_475 {add = true, strides = array<i32>} : memref<2x50x768xf32, #tpu.memory_space<vmem>>, vector<1x1x16xf32>,
        %get3A_476 = arith.constant 1 : i32
        %get3A_477 = arith.index_cast %get3A_476 : i32 to index
        %get3A_478 = arith.index_cast %scan3A_464 : i32 to index
        %get3A_479 = arith.constant 16 : index
        %get3A_480 = tpu.vector_load %arg9[%get3A_477, %get3A_478, %get3A_479] {strides = array<i32>} : memref<2x56x384xf32, #tpu.memory_space<vmem>>, vector<1x1x16xf32>,
        %get3A_481 = vector.shape_cast %get3A_480 : vector<1x1x16xf32> to vector<16xf32>
        %swap3A_482 = arith.constant 1 : i32
        %swap3A_483 = arith.index_cast %swap3A_482 : i32 to index
        %swap3A_484 = arith.index_cast %scan3A_464 : i32 to index
        %swap3A_485 = arith.constant 400 : index
        %swap3A_486 = tpu.vector_load %arg8[%swap3A_483, %swap3A_484, %swap3A_485] {strides = array<i32>} : memref<2x50x768xf32, #tpu.memory_space<vmem>>, vector<1x1x16xf32>,
        %swap3A_487 = vector.shape_cast %swap3A_486 : vector<1x1x16xf32> to vector<16xf32>
        %swap3A_488 = vector.shape_cast %get3A_481 : vector<16xf32> to vector<1x1x16xf32>
        tpu.vector_store %arg8[%swap3A_483, %swap3A_484, %swap3A_485], %swap3A_488 {add = true, strides = array<i32>} : memref<2x50x768xf32, #tpu.memory_space<vmem>>, vector<1x1x16xf32>,
        %get3A_489 = arith.constant 1 : i32
        %get3A_490 = arith.index_cast %get3A_489 : i32 to index
        %get3A_491 = arith.index_cast %scan3A_464 : i32 to index
        %get3A_492 = arith.constant 32 : index
        %get3A_493 = tpu.vector_load %arg9[%get3A_490, %get3A_491, %get3A_492] {strides = array<i32>} : memref<2x56x384xf32, #tpu.memory_space<vmem>>, vector<1x1x16xf32>,
        %get3A_494 = vector.shape_cast %get3A_493 : vector<1x1x16xf32> to vector<16xf32>
        %swap3A_495 = arith.constant 1 : i32
        %swap3A_496 = arith.index_cast %swap3A_495 : i32 to index
        %swap3A_497 = arith.index_cast %scan3A_464 : i32 to index
        %swap3A_498 = arith.constant 416 : index
        %swap3A_499 = tpu.vector_load %arg8[%swap3A_496, %swap3A_497, %swap3A_498] {strides = array<i32>} : memref<2x50x768xf32, #tpu.memory_space<vmem>>, vector<1x1x16xf32>,
        %swap3A_500 = vector.shape_cast %swap3A_499 : vector<1x1x16xf32> to vector<16xf32>
        %swap3A_501 = vector.shape_cast %get3A_494 : vector<16xf32> to vector<1x1x16xf32>
        tpu.vector_store %arg8[%swap3A_496, %swap3A_497, %swap3A_498], %swap3A_501 {add = true, strides = array<i32>} : memref<2x50x768xf32, #tpu.memory_space<vmem>>, vector<1x1x16xf32>,
        %get3A_502 = arith.constant 1 : i32
        %get3A_503 = arith.index_cast %get3A_502 : i32 to index
        %get3A_504 = arith.index_cast %scan3A_464 : i32 to index
        %get3A_505 = arith.constant 48 : index
        %get3A_506 = tpu.vector_load %arg9[%get3A_503, %get3A_504, %get3A_505] {strides = array<i32>} : memref<2x56x384xf32, #tpu.memory_space<vmem>>, vector<1x1x16xf32>,
        %get3A_507 = vector.shape_cast %get3A_506 : vector<1x1x16xf32> to vector<16xf32>
        %swap3A_508 = arith.constant 1 : i32
        %swap3A_509 = arith.index_cast %swap3A_508 : i32 to index
        %swap3A_510 = arith.index_cast %scan3A_464 : i32 to index
        %swap3A_511 = arith.constant 432 : index
        %swap3A_512 = tpu.vector_load %arg8[%swap3A_509, %swap3A_510, %swap3A_511] {strides = array<i32>} : memref<2x50x768xf32, #tpu.memory_space<vmem>>, vector<1x1x16xf32>,
        %swap3A_513 = vector.shape_cast %swap3A_512 : vector<1x1x16xf32> to vector<16xf32>
        %swap3A_514 = vector.shape_cast %get3A_507 : vector<16xf32> to vector<1x1x16xf32>
        tpu.vector_store %arg8[%swap3A_509, %swap3A_510, %swap3A_511], %swap3A_514 {add = true, strides = array<i32>} : memref<2x50x768xf32, #tpu.memory_space<vmem>>, vector<1x1x16xf32>,
        %get3A_515 = arith.constant 1 : i32
        %get3A_516 = arith.index_cast %get3A_515 : i32 to index
        %get3A_517 = arith.index_cast %scan3A_464 : i32 to index
        %get3A_518 = arith.constant 64 : index
        %get3A_519 = tpu.vector_load %arg9[%get3A_516, %get3A_517, %get3A_518] {strides = array<i32>} : memref<2x56x384xf32, #tpu.memory_space<vmem>>, vector<1x1x16xf32>,
        %get3A_520 = vector.shape_cast %get3A_519 : vector<1x1x16xf32> to vector<16xf32>
        %swap3A_521 = arith.constant 1 : i32
        %swap3A_522 = arith.index_cast %swap3A_521 : i32 to index
        %swap3A_523 = arith.index_cast %scan3A_464 : i32 to index
        %swap3A_524 = arith.constant 448 : index
        %swap3A_525 = tpu.vector_load %arg8[%swap3A_522, %swap3A_523, %swap3A_524] {strides = array<i32>} : memref<2x50x768xf32, #tpu.memory_space<vmem>>, vector<1x1x16xf32>,
        %swap3A_526 = vector.shape_cast %swap3A_525 : vector<1x1x16xf32> to vector<16xf32>
        %swap3A_527 = vector.shape_cast %get3A_520 : vector<16xf32> to vector<1x1x16xf32>
        tpu.vector_store %arg8[%swap3A_522, %swap3A_523, %swap3A_524], %swap3A_527 {add = true, strides = array<i32>} : memref<2x50x768xf32, #tpu.memory_space<vmem>>, vector<1x1x16xf32>,
        %get3A_528 = arith.constant 1 : i32
        %get3A_529 = arith.index_cast %get3A_528 : i32 to index
        %get3A_530 = arith.index_cast %scan3A_464 : i32 to index
        %get3A_531 = arith.constant 80 : index
        %get3A_532 = tpu.vector_load %arg9[%get3A_529, %get3A_530, %get3A_531] {strides = array<i32>} : memref<2x56x384xf32, #tpu.memory_space<vmem>>, vector<1x1x16xf32>,
        %get3A_533 = vector.shape_cast %get3A_532 : vector<1x1x16xf32> to vector<16xf32>
        %swap3A_534 = arith.constant 1 : i32
        %swap3A_535 = arith.index_cast %swap3A_534 : i32 to index
        %swap3A_536 = arith.index_cast %scan3A_464 : i32 to index
        %swap3A_537 = arith.constant 464 : index
        %swap3A_538 = tpu.vector_load %arg8[%swap3A_535, %swap3A_536, %swap3A_537] {strides = array<i32>} : memref<2x50x768xf32, #tpu.memory_space<vmem>>, vector<1x1x16xf32>,
        %swap3A_539 = vector.shape_cast %swap3A_538 : vector<1x1x16xf32> to vector<16xf32>
        %swap3A_540 = vector.shape_cast %get3A_533 : vector<16xf32> to vector<1x1x16xf32>
        tpu.vector_store %arg8[%swap3A_535, %swap3A_536, %swap3A_537], %swap3A_540 {add = true, strides = array<i32>} : memref<2x50x768xf32, #tpu.memory_space<vmem>>, vector<1x1x16xf32>,
        %get3A_541 = arith.constant 1 : i32
        %get3A_542 = arith.index_cast %get3A_541 : i32 to index
        %get3A_543 = arith.index_cast %scan3A_464 : i32 to index
        %get3A_544 = arith.constant 96 : index
        %get3A_545 = tpu.vector_load %arg9[%get3A_542, %get3A_543, %get3A_544] {strides = array<i32>} : memref<2x56x384xf32, #tpu.memory_space<vmem>>, vector<1x1x16xf32>,
        %get3A_546 = vector.shape_cast %get3A_545 : vector<1x1x16xf32> to vector<16xf32>
        %swap3A_547 = arith.constant 1 : i32
        %swap3A_548 = arith.index_cast %swap3A_547 : i32 to index
        %swap3A_549 = arith.index_cast %scan3A_464 : i32 to index
        %swap3A_550 = arith.constant 480 : index
        %swap3A_551 = tpu.vector_load %arg8[%swap3A_548, %swap3A_549, %swap3A_550] {strides = array<i32>} : memref<2x50x768xf32, #tpu.memory_space<vmem>>, vector<1x1x16xf32>,
        %swap3A_552 = vector.shape_cast %swap3A_551 : vector<1x1x16xf32> to vector<16xf32>
        %swap3A_553 = vector.shape_cast %get3A_546 : vector<16xf32> to vector<1x1x16xf32>
        tpu.vector_store %arg8[%swap3A_548, %swap3A_549, %swap3A_550], %swap3A_553 {add = true, strides = array<i32>} : memref<2x50x768xf32, #tpu.memory_space<vmem>>, vector<1x1x16xf32>,
        %get3A_554 = arith.constant 1 : i32
        %get3A_555 = arith.index_cast %get3A_554 : i32 to index
        %get3A_556 = arith.index_cast %scan3A_464 : i32 to index
        %get3A_557 = arith.constant 112 : index
        %get3A_558 = tpu.vector_load %arg9[%get3A_555, %get3A_556, %get3A_557] {strides = array<i32>} : memref<2x56x384xf32, #tpu.memory_space<vmem>>, vector<1x1x16xf32>,
        %get3A_559 = vector.shape_cast %get3A_558 : vector<1x1x16xf32> to vector<16xf32>
        %swap3A_560 = arith.constant 1 : i32
        %swap3A_561 = arith.index_cast %swap3A_560 : i32 to index
        %swap3A_562 = arith.index_cast %scan3A_464 : i32 to index
        %swap3A_563 = arith.constant 496 : index
        %swap3A_564 = tpu.vector_load %arg8[%swap3A_561, %swap3A_562, %swap3A_563] {strides = array<i32>} : memref<2x50x768xf32, #tpu.memory_space<vmem>>, vector<1x1x16xf32>,
        %swap3A_565 = vector.shape_cast %swap3A_564 : vector<1x1x16xf32> to vector<16xf32>
        %swap3A_566 = vector.shape_cast %get3A_559 : vector<16xf32> to vector<1x1x16xf32>
        tpu.vector_store %arg8[%swap3A_561, %swap3A_562, %swap3A_563], %swap3A_566 {add = true, strides = array<i32>} : memref<2x50x768xf32, #tpu.memory_space<vmem>>, vector<1x1x16xf32>,
        %get3A_567 = arith.constant 1 : i32
        %get3A_568 = arith.index_cast %get3A_567 : i32 to index
        %get3A_569 = arith.index_cast %scan3A_464 : i32 to index
        %get3A_570 = arith.constant 128 : index
        %get3A_571 = tpu.vector_load %arg9[%get3A_568, %get3A_569, %get3A_570] {strides = array<i32>} : memref<2x56x384xf32, #tpu.memory_space<vmem>>, vector<1x1x16xf32>,
        %get3A_572 = vector.shape_cast %get3A_571 : vector<1x1x16xf32> to vector<16xf32>
        %swap3A_573 = arith.constant 1 : i32
        %swap3A_574 = arith.index_cast %swap3A_573 : i32 to index
        %swap3A_575 = arith.index_cast %scan3A_464 : i32 to index
        %swap3A_576 = arith.constant 512 : index
        %swap3A_577 = tpu.vector_load %arg8[%swap3A_574, %swap3A_575, %swap3A_576] {strides = array<i32>} : memref<2x50x768xf32, #tpu.memory_space<vmem>>, vector<1x1x16xf32>,
        %swap3A_578 = vector.shape_cast %swap3A_577 : vector<1x1x16xf32> to vector<16xf32>
        %swap3A_579 = vector.shape_cast %get3A_572 : vector<16xf32> to vector<1x1x16xf32>
        tpu.vector_store %arg8[%swap3A_574, %swap3A_575, %swap3A_576], %swap3A_579 {add = true, strides = array<i32>} : memref<2x50x768xf32, #tpu.memory_space<vmem>>, vector<1x1x16xf32>,
        %get3A_580 = arith.constant 1 : i32
        %get3A_581 = arith.index_cast %get3A_580 : i32 to index
        %get3A_582 = arith.index_cast %scan3A_464 : i32 to index
        %get3A_583 = arith.constant 144 : index
        %get3A_584 = tpu.vector_load %arg9[%get3A_581, %get3A_582, %get3A_583] {strides = array<i32>} : memref<2x56x384xf32, #tpu.memory_space<vmem>>, vector<1x1x16xf32>,
        %get3A_585 = vector.shape_cast %get3A_584 : vector<1x1x16xf32> to vector<16xf32>
        %swap3A_586 = arith.constant 1 : i32
        %swap3A_587 = arith.index_cast %swap3A_586 : i32 to index
        %swap3A_588 = arith.index_cast %scan3A_464 : i32 to index
        %swap3A_589 = arith.constant 528 : index
        %swap3A_590 = tpu.vector_load %arg8[%swap3A_587, %swap3A_588, %swap3A_589] {strides = array<i32>} : memref<2x50x768xf32, #tpu.memory_space<vmem>>, vector<1x1x16xf32>,
        %swap3A_591 = vector.shape_cast %swap3A_590 : vector<1x1x16xf32> to vector<16xf32>
        %swap3A_592 = vector.shape_cast %get3A_585 : vector<16xf32> to vector<1x1x16xf32>
        tpu.vector_store %arg8[%swap3A_587, %swap3A_588, %swap3A_589], %swap3A_592 {add = true, strides = array<i32>} : memref<2x50x768xf32, #tpu.memory_space<vmem>>, vector<1x1x16xf32>,
        %get3A_593 = arith.constant 1 : i32
        %get3A_594 = arith.index_cast %get3A_593 : i32 to index
        %get3A_595 = arith.index_cast %scan3A_464 : i32 to index
        %get3A_596 = arith.constant 160 : index
        %get3A_597 = tpu.vector_load %arg9[%get3A_594, %get3A_595, %get3A_596] {strides = array<i32>} : memref<2x56x384xf32, #tpu.memory_space<vmem>>, vector<1x1x16xf32>,
        %get3A_598 = vector.shape_cast %get3A_597 : vector<1x1x16xf32> to vector<16xf32>
        %swap3A_599 = arith.constant 1 : i32
        %swap3A_600 = arith.index_cast %swap3A_599 : i32 to index
        %swap3A_601 = arith.index_cast %scan3A_464 : i32 to index
        %swap3A_602 = arith.constant 544 : index
        %swap3A_603 = tpu.vector_load %arg8[%swap3A_600, %swap3A_601, %swap3A_602] {strides = array<i32>} : memref<2x50x768xf32, #tpu.memory_space<vmem>>, vector<1x1x16xf32>,
        %swap3A_604 = vector.shape_cast %swap3A_603 : vector<1x1x16xf32> to vector<16xf32>
        %swap3A_605 = vector.shape_cast %get3A_598 : vector<16xf32> to vector<1x1x16xf32>
        tpu.vector_store %arg8[%swap3A_600, %swap3A_601, %swap3A_602], %swap3A_605 {add = true, strides = array<i32>} : memref<2x50x768xf32, #tpu.memory_space<vmem>>, vector<1x1x16xf32>,
        %get3A_606 = arith.constant 1 : i32
        %get3A_607 = arith.index_cast %get3A_606 : i32 to index
        %get3A_608 = arith.index_cast %scan3A_464 : i32 to index
        %get3A_609 = arith.constant 176 : index
        %get3A_610 = tpu.vector_load %arg9[%get3A_607, %get3A_608, %get3A_609] {strides = array<i32>} : memref<2x56x384xf32, #tpu.memory_space<vmem>>, vector<1x1x16xf32>,
        %get3A_611 = vector.shape_cast %get3A_610 : vector<1x1x16xf32> to vector<16xf32>
        %swap3A_612 = arith.constant 1 : i32
        %swap3A_613 = arith.index_cast %swap3A_612 : i32 to index
        %swap3A_614 = arith.index_cast %scan3A_464 : i32 to index
        %swap3A_615 = arith.constant 560 : index
        %swap3A_616 = tpu.vector_load %arg8[%swap3A_613, %swap3A_614, %swap3A_615] {strides = array<i32>} : memref<2x50x768xf32, #tpu.memory_space<vmem>>, vector<1x1x16xf32>,
        %swap3A_617 = vector.shape_cast %swap3A_616 : vector<1x1x16xf32> to vector<16xf32>
        %swap3A_618 = vector.shape_cast %get3A_611 : vector<16xf32> to vector<1x1x16xf32>
        tpu.vector_store %arg8[%swap3A_613, %swap3A_614, %swap3A_615], %swap3A_618 {add = true, strides = array<i32>} : memref<2x50x768xf32, #tpu.memory_space<vmem>>, vector<1x1x16xf32>,
        %get3A_619 = arith.constant 1 : i32
        %get3A_620 = arith.index_cast %get3A_619 : i32 to index
        %get3A_621 = arith.index_cast %scan3A_464 : i32 to index
        %get3A_622 = arith.constant 192 : index
        %get3A_623 = tpu.vector_load %arg9[%get3A_620, %get3A_621, %get3A_622] {strides = array<i32>} : memref<2x56x384xf32, #tpu.memory_space<vmem>>, vector<1x1x16xf32>,
        %get3A_624 = vector.shape_cast %get3A_623 : vector<1x1x16xf32> to vector<16xf32>
        %swap3A_625 = arith.constant 1 : i32
        %swap3A_626 = arith.index_cast %swap3A_625 : i32 to index
        %swap3A_627 = arith.index_cast %scan3A_464 : i32 to index
        %swap3A_628 = arith.constant 576 : index
        %swap3A_629 = tpu.vector_load %arg8[%swap3A_626, %swap3A_627, %swap3A_628] {strides = array<i32>} : memref<2x50x768xf32, #tpu.memory_space<vmem>>, vector<1x1x16xf32>,
        %swap3A_630 = vector.shape_cast %swap3A_629 : vector<1x1x16xf32> to vector<16xf32>
        %swap3A_631 = vector.shape_cast %get3A_624 : vector<16xf32> to vector<1x1x16xf32>
        tpu.vector_store %arg8[%swap3A_626, %swap3A_627, %swap3A_628], %swap3A_631 {add = true, strides = array<i32>} : memref<2x50x768xf32, #tpu.memory_space<vmem>>, vector<1x1x16xf32>,
        %get3A_632 = arith.constant 1 : i32
        %get3A_633 = arith.index_cast %get3A_632 : i32 to index
        %get3A_634 = arith.index_cast %scan3A_464 : i32 to index
        %get3A_635 = arith.constant 208 : index
        %get3A_636 = tpu.vector_load %arg9[%get3A_633, %get3A_634, %get3A_635] {strides = array<i32>} : memref<2x56x384xf32, #tpu.memory_space<vmem>>, vector<1x1x16xf32>,
        %get3A_637 = vector.shape_cast %get3A_636 : vector<1x1x16xf32> to vector<16xf32>
        %swap3A_638 = arith.constant 1 : i32
        %swap3A_639 = arith.index_cast %swap3A_638 : i32 to index
        %swap3A_640 = arith.index_cast %scan3A_464 : i32 to index
        %swap3A_641 = arith.constant 592 : index
        %swap3A_642 = tpu.vector_load %arg8[%swap3A_639, %swap3A_640, %swap3A_641] {strides = array<i32>} : memref<2x50x768xf32, #tpu.memory_space<vmem>>, vector<1x1x16xf32>,
        %swap3A_643 = vector.shape_cast %swap3A_642 : vector<1x1x16xf32> to vector<16xf32>
        %swap3A_644 = vector.shape_cast %get3A_637 : vector<16xf32> to vector<1x1x16xf32>
        tpu.vector_store %arg8[%swap3A_639, %swap3A_640, %swap3A_641], %swap3A_644 {add = true, strides = array<i32>} : memref<2x50x768xf32, #tpu.memory_space<vmem>>, vector<1x1x16xf32>,
        %get3A_645 = arith.constant 1 : i32
        %get3A_646 = arith.index_cast %get3A_645 : i32 to index
        %get3A_647 = arith.index_cast %scan3A_464 : i32 to index
        %get3A_648 = arith.constant 224 : index
        %get3A_649 = tpu.vector_load %arg9[%get3A_646, %get3A_647, %get3A_648] {strides = array<i32>} : memref<2x56x384xf32, #tpu.memory_space<vmem>>, vector<1x1x16xf32>,
        %get3A_650 = vector.shape_cast %get3A_649 : vector<1x1x16xf32> to vector<16xf32>
        %swap3A_651 = arith.constant 1 : i32
        %swap3A_652 = arith.index_cast %swap3A_651 : i32 to index
        %swap3A_653 = arith.index_cast %scan3A_464 : i32 to index
        %swap3A_654 = arith.constant 608 : index
        %swap3A_655 = tpu.vector_load %arg8[%swap3A_652, %swap3A_653, %swap3A_654] {strides = array<i32>} : memref<2x50x768xf32, #tpu.memory_space<vmem>>, vector<1x1x16xf32>,
        %swap3A_656 = vector.shape_cast %swap3A_655 : vector<1x1x16xf32> to vector<16xf32>
        %swap3A_657 = vector.shape_cast %get3A_650 : vector<16xf32> to vector<1x1x16xf32>
        tpu.vector_store %arg8[%swap3A_652, %swap3A_653, %swap3A_654], %swap3A_657 {add = true, strides = array<i32>} : memref<2x50x768xf32, #tpu.memory_space<vmem>>, vector<1x1x16xf32>,
        %get3A_658 = arith.constant 1 : i32
        %get3A_659 = arith.index_cast %get3A_658 : i32 to index
        %get3A_660 = arith.index_cast %scan3A_464 : i32 to index
        %get3A_661 = arith.constant 240 : index
        %get3A_662 = tpu.vector_load %arg9[%get3A_659, %get3A_660, %get3A_661] {strides = array<i32>} : memref<2x56x384xf32, #tpu.memory_space<vmem>>, vector<1x1x16xf32>,
        %get3A_663 = vector.shape_cast %get3A_662 : vector<1x1x16xf32> to vector<16xf32>
        %swap3A_664 = arith.constant 1 : i32
        %swap3A_665 = arith.index_cast %swap3A_664 : i32 to index
        %swap3A_666 = arith.index_cast %scan3A_464 : i32 to index
        %swap3A_667 = arith.constant 624 : index
        %swap3A_668 = tpu.vector_load %arg8[%swap3A_665, %swap3A_666, %swap3A_667] {strides = array<i32>} : memref<2x50x768xf32, #tpu.memory_space<vmem>>, vector<1x1x16xf32>,
        %swap3A_669 = vector.shape_cast %swap3A_668 : vector<1x1x16xf32> to vector<16xf32>
        %swap3A_670 = vector.shape_cast %get3A_663 : vector<16xf32> to vector<1x1x16xf32>
        tpu.vector_store %arg8[%swap3A_665, %swap3A_666, %swap3A_667], %swap3A_670 {add = true, strides = array<i32>} : memref<2x50x768xf32, #tpu.memory_space<vmem>>, vector<1x1x16xf32>,
        %get3A_671 = arith.constant 1 : i32
        %get3A_672 = arith.index_cast %get3A_671 : i32 to index
        %get3A_673 = arith.index_cast %scan3A_464 : i32 to index
        %get3A_674 = arith.constant 256 : index
        %get3A_675 = tpu.vector_load %arg9[%get3A_672, %get3A_673, %get3A_674] {strides = array<i32>} : memref<2x56x384xf32, #tpu.memory_space<vmem>>, vector<1x1x16xf32>,
        %get3A_676 = vector.shape_cast %get3A_675 : vector<1x1x16xf32> to vector<16xf32>
        %swap3A_677 = arith.constant 1 : i32
        %swap3A_678 = arith.index_cast %swap3A_677 : i32 to index
        %swap3A_679 = arith.index_cast %scan3A_464 : i32 to index
        %swap3A_680 = arith.constant 640 : index
        %swap3A_681 = tpu.vector_load %arg8[%swap3A_678, %swap3A_679, %swap3A_680] {strides = array<i32>} : memref<2x50x768xf32, #tpu.memory_space<vmem>>, vector<1x1x16xf32>,
        %swap3A_682 = vector.shape_cast %swap3A_681 : vector<1x1x16xf32> to vector<16xf32>
        %swap3A_683 = vector.shape_cast %get3A_676 : vector<16xf32> to vector<1x1x16xf32>
        tpu.vector_store %arg8[%swap3A_678, %swap3A_679, %swap3A_680], %swap3A_683 {add = true, strides = array<i32>} : memref<2x50x768xf32, #tpu.memory_space<vmem>>, vector<1x1x16xf32>,
        %get3A_684 = arith.constant 1 : i32
        %get3A_685 = arith.index_cast %get3A_684 : i32 to index
        %get3A_686 = arith.index_cast %scan3A_464 : i32 to index
        %get3A_687 = arith.constant 272 : index
        %get3A_688 = tpu.vector_load %arg9[%get3A_685, %get3A_686, %get3A_687] {strides = array<i32>} : memref<2x56x384xf32, #tpu.memory_space<vmem>>, vector<1x1x16xf32>,
        %get3A_689 = vector.shape_cast %get3A_688 : vector<1x1x16xf32> to vector<16xf32>
        %swap3A_690 = arith.constant 1 : i32
        %swap3A_691 = arith.index_cast %swap3A_690 : i32 to index
        %swap3A_692 = arith.index_cast %scan3A_464 : i32 to index
        %swap3A_693 = arith.constant 656 : index
        %swap3A_694 = tpu.vector_load %arg8[%swap3A_691, %swap3A_692, %swap3A_693] {strides = array<i32>} : memref<2x50x768xf32, #tpu.memory_space<vmem>>, vector<1x1x16xf32>,
        %swap3A_695 = vector.shape_cast %swap3A_694 : vector<1x1x16xf32> to vector<16xf32>
        %swap3A_696 = vector.shape_cast %get3A_689 : vector<16xf32> to vector<1x1x16xf32>
        tpu.vector_store %arg8[%swap3A_691, %swap3A_692, %swap3A_693], %swap3A_696 {add = true, strides = array<i32>} : memref<2x50x768xf32, #tpu.memory_space<vmem>>, vector<1x1x16xf32>,
        %get3A_697 = arith.constant 1 : i32
        %get3A_698 = arith.index_cast %get3A_697 : i32 to index
        %get3A_699 = arith.index_cast %scan3A_464 : i32 to index
        %get3A_700 = arith.constant 288 : index
        %get3A_701 = tpu.vector_load %arg9[%get3A_698, %get3A_699, %get3A_700] {strides = array<i32>} : memref<2x56x384xf32, #tpu.memory_space<vmem>>, vector<1x1x16xf32>,
        %get3A_702 = vector.shape_cast %get3A_701 : vector<1x1x16xf32> to vector<16xf32>
        %swap3A_703 = arith.constant 1 : i32
        %swap3A_704 = arith.index_cast %swap3A_703 : i32 to index
        %swap3A_705 = arith.index_cast %scan3A_464 : i32 to index
        %swap3A_706 = arith.constant 672 : index
        %swap3A_707 = tpu.vector_load %arg8[%swap3A_704, %swap3A_705, %swap3A_706] {strides = array<i32>} : memref<2x50x768xf32, #tpu.memory_space<vmem>>, vector<1x1x16xf32>,
        %swap3A_708 = vector.shape_cast %swap3A_707 : vector<1x1x16xf32> to vector<16xf32>
        %swap3A_709 = vector.shape_cast %get3A_702 : vector<16xf32> to vector<1x1x16xf32>
        tpu.vector_store %arg8[%swap3A_704, %swap3A_705, %swap3A_706], %swap3A_709 {add = true, strides = array<i32>} : memref<2x50x768xf32, #tpu.memory_space<vmem>>, vector<1x1x16xf32>,
        %get3A_710 = arith.constant 1 : i32
        %get3A_711 = arith.index_cast %get3A_710 : i32 to index
        %get3A_712 = arith.index_cast %scan3A_464 : i32 to index
        %get3A_713 = arith.constant 304 : index
        %get3A_714 = tpu.vector_load %arg9[%get3A_711, %get3A_712, %get3A_713] {strides = array<i32>} : memref<2x56x384xf32, #tpu.memory_space<vmem>>, vector<1x1x16xf32>,
        %get3A_715 = vector.shape_cast %get3A_714 : vector<1x1x16xf32> to vector<16xf32>
        %swap3A_716 = arith.constant 1 : i32
        %swap3A_717 = arith.index_cast %swap3A_716 : i32 to index
        %swap3A_718 = arith.index_cast %scan3A_464 : i32 to index
        %swap3A_719 = arith.constant 688 : index
        %swap3A_720 = tpu.vector_load %arg8[%swap3A_717, %swap3A_718, %swap3A_719] {strides = array<i32>} : memref<2x50x768xf32, #tpu.memory_space<vmem>>, vector<1x1x16xf32>,
        %swap3A_721 = vector.shape_cast %swap3A_720 : vector<1x1x16xf32> to vector<16xf32>
        %swap3A_722 = vector.shape_cast %get3A_715 : vector<16xf32> to vector<1x1x16xf32>
        tpu.vector_store %arg8[%swap3A_717, %swap3A_718, %swap3A_719], %swap3A_722 {add = true, strides = array<i32>} : memref<2x50x768xf32, #tpu.memory_space<vmem>>, vector<1x1x16xf32>,
        %get3A_723 = arith.constant 1 : i32
        %get3A_724 = arith.index_cast %get3A_723 : i32 to index
        %get3A_725 = arith.index_cast %scan3A_464 : i32 to index
        %get3A_726 = arith.constant 320 : index
        %get3A_727 = tpu.vector_load %arg9[%get3A_724, %get3A_725, %get3A_726] {strides = array<i32>} : memref<2x56x384xf32, #tpu.memory_space<vmem>>, vector<1x1x16xf32>,
        %get3A_728 = vector.shape_cast %get3A_727 : vector<1x1x16xf32> to vector<16xf32>
        %swap3A_729 = arith.constant 1 : i32
        %swap3A_730 = arith.index_cast %swap3A_729 : i32 to index
        %swap3A_731 = arith.index_cast %scan3A_464 : i32 to index
        %swap3A_732 = arith.constant 704 : index
        %swap3A_733 = tpu.vector_load %arg8[%swap3A_730, %swap3A_731, %swap3A_732] {strides = array<i32>} : memref<2x50x768xf32, #tpu.memory_space<vmem>>, vector<1x1x16xf32>,
        %swap3A_734 = vector.shape_cast %swap3A_733 : vector<1x1x16xf32> to vector<16xf32>
        %swap3A_735 = vector.shape_cast %get3A_728 : vector<16xf32> to vector<1x1x16xf32>
        tpu.vector_store %arg8[%swap3A_730, %swap3A_731, %swap3A_732], %swap3A_735 {add = true, strides = array<i32>} : memref<2x50x768xf32, #tpu.memory_space<vmem>>, vector<1x1x16xf32>,
        %get3A_736 = arith.constant 1 : i32
        %get3A_737 = arith.index_cast %get3A_736 : i32 to index
        %get3A_738 = arith.index_cast %scan3A_464 : i32 to index
        %get3A_739 = arith.constant 336 : index
        %get3A_740 = tpu.vector_load %arg9[%get3A_737, %get3A_738, %get3A_739] {strides = array<i32>} : memref<2x56x384xf32, #tpu.memory_space<vmem>>, vector<1x1x16xf32>,
        %get3A_741 = vector.shape_cast %get3A_740 : vector<1x1x16xf32> to vector<16xf32>
        %swap3A_742 = arith.constant 1 : i32
        %swap3A_743 = arith.index_cast %swap3A_742 : i32 to index
        %swap3A_744 = arith.index_cast %scan3A_464 : i32 to index
        %swap3A_745 = arith.constant 720 : index
        %swap3A_746 = tpu.vector_load %arg8[%swap3A_743, %swap3A_744, %swap3A_745] {strides = array<i32>} : memref<2x50x768xf32, #tpu.memory_space<vmem>>, vector<1x1x16xf32>,
        %swap3A_747 = vector.shape_cast %swap3A_746 : vector<1x1x16xf32> to vector<16xf32>
        %swap3A_748 = vector.shape_cast %get3A_741 : vector<16xf32> to vector<1x1x16xf32>
        tpu.vector_store %arg8[%swap3A_743, %swap3A_744, %swap3A_745], %swap3A_748 {add = true, strides = array<i32>} : memref<2x50x768xf32, #tpu.memory_space<vmem>>, vector<1x1x16xf32>,
        %get3A_749 = arith.constant 1 : i32
        %get3A_750 = arith.index_cast %get3A_749 : i32 to index
        %get3A_751 = arith.index_cast %scan3A_464 : i32 to index
        %get3A_752 = arith.constant 352 : index
        %get3A_753 = tpu.vector_load %arg9[%get3A_750, %get3A_751, %get3A_752] {strides = array<i32>} : memref<2x56x384xf32, #tpu.memory_space<vmem>>, vector<1x1x16xf32>,
        %get3A_754 = vector.shape_cast %get3A_753 : vector<1x1x16xf32> to vector<16xf32>
        %swap3A_755 = arith.constant 1 : i32
        %swap3A_756 = arith.index_cast %swap3A_755 : i32 to index
        %swap3A_757 = arith.index_cast %scan3A_464 : i32 to index
        %swap3A_758 = arith.constant 736 : index
        %swap3A_759 = tpu.vector_load %arg8[%swap3A_756, %swap3A_757, %swap3A_758] {strides = array<i32>} : memref<2x50x768xf32, #tpu.memory_space<vmem>>, vector<1x1x16xf32>,
        %swap3A_760 = vector.shape_cast %swap3A_759 : vector<1x1x16xf32> to vector<16xf32>
        %swap3A_761 = vector.shape_cast %get3A_754 : vector<16xf32> to vector<1x1x16xf32>
        tpu.vector_store %arg8[%swap3A_756, %swap3A_757, %swap3A_758], %swap3A_761 {add = true, strides = array<i32>} : memref<2x50x768xf32, #tpu.memory_space<vmem>>, vector<1x1x16xf32>,
        %get3A_762 = arith.constant 1 : i32
        %get3A_763 = arith.index_cast %get3A_762 : i32 to index
        %get3A_764 = arith.index_cast %scan3A_464 : i32 to index
        %get3A_765 = arith.constant 368 : index
        %get3A_766 = tpu.vector_load %arg9[%get3A_763, %get3A_764, %get3A_765] {strides = array<i32>} : memref<2x56x384xf32, #tpu.memory_space<vmem>>, vector<1x1x16xf32>,
        %get3A_767 = vector.shape_cast %get3A_766 : vector<1x1x16xf32> to vector<16xf32>
        %swap3A_768 = arith.constant 1 : i32
        %swap3A_769 = arith.index_cast %swap3A_768 : i32 to index
        %swap3A_770 = arith.index_cast %scan3A_464 : i32 to index
        %swap3A_771 = arith.constant 752 : index
        %swap3A_772 = tpu.vector_load %arg8[%swap3A_769, %swap3A_770, %swap3A_771] {strides = array<i32>} : memref<2x50x768xf32, #tpu.memory_space<vmem>>, vector<1x1x16xf32>,
        %swap3A_773 = vector.shape_cast %swap3A_772 : vector<1x1x16xf32> to vector<16xf32>
        %swap3A_774 = vector.shape_cast %get3A_767 : vector<16xf32> to vector<1x1x16xf32>
        tpu.vector_store %arg8[%swap3A_769, %swap3A_770, %swap3A_771], %swap3A_774 {add = true, strides = array<i32>} : memref<2x50x768xf32, #tpu.memory_space<vmem>>, vector<1x1x16xf32>,
      }
      %scan3A_428 = arith.constant 50 : i32
      %add3A_429 = arith.constant 1 : i32
      %add3A_430 = arith.addi %add3A_314, %add3A_429 : i32
      %lt3A_431 = arith.constant 128 : i32
      %lt3A_432 = arith.cmpi slt, %add3A_430, %lt3A_431 : i32
      %convert_element_type3A_433 = arith.extui %lt3A_432 : i1 to i32
      %cond3A_434 = arith.constant 0 : i32
      %cond3A_435 = arith.cmpi ne, %convert_element_type3A_433, %cond3A_434 : i32
      scf.if %cond3A_435 {
        %add3A_464 = arith.constant 1 : i32
        %add3A_465 = arith.addi %add3A_314, %add3A_464 : i32
        %jit3A_466 = arith.constant 4 : i32
        %eq3A_467 = arith.constant 0 : i32
        %eq3A_468 = arith.cmpi eq, %jit3A_466, %eq3A_467 : i32
        %jit3A_469 = arith.constant 1 : i32
        %select_n3A_470 = arith.select %eq3A_468, %jit3A_469, %jit3A_466 : i32
        %rem3A_471 = arith.remsi %add3A_465, %select_n3A_470 : i32
        %ne3A_472 = arith.constant 0 : i32
        %ne3A_473 = arith.cmpi ne, %rem3A_471, %ne3A_472 : i32
        %lt3A_474 = arith.constant 0 : i32
        %lt3A_475 = arith.cmpi slt, %rem3A_471, %lt3A_474 : i32
        %lt3A_476 = arith.constant 0 : i32
        %lt3A_477 = arith.cmpi slt, %select_n3A_470, %lt3A_476 : i32
        %ne3A_478 = arith.xori %lt3A_475, %lt3A_477 : i1
        %and3A_479 = arith.andi %ne3A_478, %ne3A_473 : i1
        %add3A_480 = arith.addi %rem3A_471, %select_n3A_470 : i32
        %select_n3A_481 = arith.select %and3A_479, %add3A_480, %rem3A_471 : i32
        %dma_start3A_482 = arith.constant 1 : i32
        %dma_start3A_483 = arith.constant 1 : i32
        %dma_start3A_484 = arith.constant 0 : i32
        %dma_start3A_485 = arith.constant 0 : i32
        %dma_start3A_486 = tpu.memref_slice %arg9[%dma_start3A_482, %dma_start3A_484, %dma_start3A_485] : memref<2x56x384xf32, #tpu.memory_space<vmem>> -> memref<1x56x384xf32, #tpu.memory_space<vmem>>
        %dma_start3A_487 = tpu.memref_squeeze %dma_start3A_486 : memref<1x56x384xf32, #tpu.memory_space<vmem>> -> memref<56x384xf32, #tpu.memory_space<vmem>>
        %dma_start3A_488 = arith.constant 0 : i32
        %dma_start3A_489 = tpu.memref_slice %arg7[%select_n3A_481, %dma_start3A_488] : memref<4x56xi32, #tpu.memory_space<vmem>> -> memref<1x56xi32, #tpu.memory_space<vmem>>
        %dma_start3A_490 = tpu.memref_squeeze %dma_start3A_489 : memref<1x56xi32, #tpu.memory_space<vmem>> -> memref<56xi32, #tpu.memory_space<vmem>>
        %dma_start3A_491 = arith.constant 0 : i32
        %dma_start3A_492 = arith.constant 0 : i32
        %dma_start3A_493 = tpu.memref_slice %arg5[%dma_start3A_491, %dma_start3A_492] : memref<8008x384xf32, #tpu.memory_space<hbm>> -> memref<8008x384xf32, #tpu.memory_space<hbm>>
        %dma_start3A_494 = tpu.memref_slice %arg12[%dma_start3A_483] : memref<2x!tpu.dma_semaphore, #tpu.memory_space<semaphore_mem>> -> memref<1x!tpu.dma_semaphore, #tpu.memory_space<semaphore_mem>>
        %dma_start3A_495 = tpu.memref_squeeze %dma_start3A_494 : memref<1x!tpu.dma_semaphore, #tpu.memory_space<semaphore_mem>> -> memref<!tpu.dma_semaphore, #tpu.memory_space<semaphore_mem>>
        tpu.enqueue_indirect_dma source(%dma_start3A_493 : memref<8008x384xf32, #tpu.memory_space<hbm>>) target(%dma_start3A_487 : memref<56x384xf32, #tpu.memory_space<vmem>>) offsets(%dma_start3A_490 : memref<56xi32, #tpu.memory_space<vmem>>) semaphore(%dma_start3A_495 : memref<!tpu.dma_semaphore, #tpu.memory_space<semaphore_mem>>)
      } else {
      }
      %add3A_436 = arith.addi %mul3A_2, %add3A_314 : i32
      %dma_start3A_437 = arith.constant 1 : i32
      %dma_start3A_438 = arith.constant 1 : i32
      %dma_start3A_439 = arith.constant 0 : i32
      %dma_start3A_440 = arith.constant 0 : i32
      %dma_start3A_441 = tpu.memref_slice %arg8[%dma_start3A_437, %dma_start3A_439, %dma_start3A_440] : memref<2x50x768xf32, #tpu.memory_space<vmem>> -> memref<1x50x768xf32, #tpu.memory_space<vmem>>
      %dma_start3A_442 = tpu.memref_squeeze %dma_start3A_441 : memref<1x50x768xf32, #tpu.memory_space<vmem>> -> memref<50x768xf32, #tpu.memory_space<vmem>>
      %dma_start3A_443 = arith.constant 0 : i32
      %dma_start3A_444 = arith.constant 0 : i32
      %dma_start3A_445 = tpu.memref_slice %arg6[%add3A_436, %dma_start3A_443, %dma_start3A_444] : memref<4096x50x768xf32, #tpu.memory_space<hbm>> -> memref<1x50x768xf32, #tpu.memory_space<hbm>>
      %dma_start3A_446 = tpu.memref_squeeze %dma_start3A_445 : memref<1x50x768xf32, #tpu.memory_space<hbm>> -> memref<50x768xf32, #tpu.memory_space<hbm>>
      %dma_start3A_447 = tpu.memref_slice %arg13[%dma_start3A_438] : memref<2x!tpu.dma_semaphore, #tpu.memory_space<semaphore_mem>> -> memref<1x!tpu.dma_semaphore, #tpu.memory_space<semaphore_mem>>
      %dma_start3A_448 = tpu.memref_squeeze %dma_start3A_447 : memref<1x!tpu.dma_semaphore, #tpu.memory_space<semaphore_mem>> -> memref<!tpu.dma_semaphore, #tpu.memory_space<semaphore_mem>>
      %dma_start3A_449 = arith.constant 0 : i32
      %dma_start3A_450 = arith.constant 0 : i32
      %dma_start3A_451 = tpu.memref_slice %arg6[%add3A_436, %dma_start3A_449, %dma_start3A_450] : memref<4096x50x768xf32, #tpu.memory_space<hbm>> -> memref<1x50x768xf32, #tpu.memory_space<hbm>>
      %dma_start3A_452 = tpu.memref_squeeze %dma_start3A_451 : memref<1x50x768xf32, #tpu.memory_space<hbm>> -> memref<50x768xf32, #tpu.memory_space<hbm>>
      %dma_start3A_453 = arith.constant 0 : i32
      %dma_start3A_454 = arith.constant 0 : i32
      %dma_start3A_455 = tpu.memref_slice %arg8[%dma_start3A_437, %dma_start3A_453, %dma_start3A_454] : memref<2x50x768xf32, #tpu.memory_space<vmem>> -> memref<1x50x768xf32, #tpu.memory_space<vmem>>
      %dma_start3A_456 = tpu.memref_squeeze %dma_start3A_455 : memref<1x50x768xf32, #tpu.memory_space<vmem>> -> memref<50x768xf32, #tpu.memory_space<vmem>>
      tpu.enqueue_dma source(%dma_start3A_456 : memref<50x768xf32, #tpu.memory_space<vmem>>) target(%dma_start3A_452 : memref<50x768xf32, #tpu.memory_space<hbm>>) target_semaphore(%dma_start3A_448 : memref<!tpu.dma_semaphore, #tpu.memory_space<semaphore_mem>>)
      %add3A_457 = arith.constant 2 : i32
      %add3A_458 = arith.addi %add3A_314, %add3A_457 : i32
      %lt3A_459 = arith.constant 128 : i32
      %lt3A_460 = arith.cmpi slt, %add3A_458, %lt3A_459 : i32
      %convert_element_type3A_461 = arith.extui %lt3A_460 : i1 to i32
      %cond3A_462 = arith.constant 0 : i32
      %cond3A_463 = arith.cmpi ne, %convert_element_type3A_461, %cond3A_462 : i32
      scf.if %cond3A_463 {
        %add3A_464 = arith.constant 2 : i32
        %add3A_465 = arith.addi %add3A_314, %add3A_464 : i32
        %add3A_466 = arith.addi %mul3A_2, %add3A_465 : i32
        %mul3A_467 = arith.constant 56 : i32
        %mul3A_468 = arith.muli %add3A_466, %mul3A_467 : i32
        %jit3A_469 = arith.constant 4 : i32
        %eq3A_470 = arith.constant 0 : i32
        %eq3A_471 = arith.cmpi eq, %jit3A_469, %eq3A_470 : i32
        %jit3A_472 = arith.constant 1 : i32
        %select_n3A_473 = arith.select %eq3A_471, %jit3A_472, %jit3A_469 : i32
        %rem3A_474 = arith.remsi %add3A_465, %select_n3A_473 : i32
        %ne3A_475 = arith.constant 0 : i32
        %ne3A_476 = arith.cmpi ne, %rem3A_474, %ne3A_475 : i32
        %lt3A_477 = arith.constant 0 : i32
        %lt3A_478 = arith.cmpi slt, %rem3A_474, %lt3A_477 : i32
        %lt3A_479 = arith.constant 0 : i32
        %lt3A_480 = arith.cmpi slt, %select_n3A_473, %lt3A_479 : i32
        %ne3A_481 = arith.xori %lt3A_478, %lt3A_480 : i1
        %and3A_482 = arith.andi %ne3A_481, %ne3A_476 : i1
        %add3A_483 = arith.addi %rem3A_474, %select_n3A_473 : i32
        %select_n3A_484 = arith.select %and3A_482, %add3A_483, %rem3A_474 : i32
        %jit3A_485 = arith.constant 4 : i32
        %eq3A_486 = arith.constant 0 : i32
        %eq3A_487 = arith.cmpi eq, %jit3A_485, %eq3A_486 : i32
        %jit3A_488 = arith.constant 1 : i32
        %select_n3A_489 = arith.select %eq3A_487, %jit3A_488, %jit3A_485 : i32
        %rem3A_490 = arith.remsi %add3A_465, %select_n3A_489 : i32
        %ne3A_491 = arith.constant 0 : i32
        %ne3A_492 = arith.cmpi ne, %rem3A_490, %ne3A_491 : i32
        %lt3A_493 = arith.constant 0 : i32
        %lt3A_494 = arith.cmpi slt, %rem3A_490, %lt3A_493 : i32
        %lt3A_495 = arith.constant 0 : i32
        %lt3A_496 = arith.cmpi slt, %select_n3A_489, %lt3A_495 : i32
        %ne3A_497 = arith.xori %lt3A_494, %lt3A_496 : i1
        %and3A_498 = arith.andi %ne3A_497, %ne3A_492 : i1
        %add3A_499 = arith.addi %rem3A_490, %select_n3A_489 : i32
        %select_n3A_500 = arith.select %and3A_498, %add3A_499, %rem3A_490 : i32
        %dma_wait3A_501 = arith.constant 0 : i32
        %dma_wait3A_502 = tpu.memref_slice %arg7[%select_n3A_484, %dma_wait3A_501] : memref<4x56xi32, #tpu.memory_space<vmem>> -> memref<1x56xi32, #tpu.memory_space<vmem>>
        %dma_wait3A_503 = tpu.memref_squeeze %dma_wait3A_502 : memref<1x56xi32, #tpu.memory_space<vmem>> -> memref<56xi32, #tpu.memory_space<vmem>>
        %dma_wait3A_504 = tpu.memref_slice %arg3[%mul3A_468] : memref<229376xi32, #tpu.memory_space<hbm>> -> memref<56xi32, #tpu.memory_space<hbm>>
        %dma_wait3A_505 = tpu.memref_slice %arg10[%select_n3A_500] : memref<4x!tpu.dma_semaphore, #tpu.memory_space<semaphore_mem>> -> memref<1x!tpu.dma_semaphore, #tpu.memory_space<semaphore_mem>>
        %dma_wait3A_506 = tpu.memref_squeeze %dma_wait3A_505 : memref<1x!tpu.dma_semaphore, #tpu.memory_space<semaphore_mem>> -> memref<!tpu.dma_semaphore, #tpu.memory_space<semaphore_mem>>
        %dma_wait3A_507 = arith.constant 0 : i32
        %dma_wait3A_508 = tpu.memref_slice %arg7[%select_n3A_484, %dma_wait3A_507] : memref<4x56xi32, #tpu.memory_space<vmem>> -> memref<1x56xi32, #tpu.memory_space<vmem>>
        %dma_wait3A_509 = tpu.memref_squeeze %dma_wait3A_508 : memref<1x56xi32, #tpu.memory_space<vmem>> -> memref<56xi32, #tpu.memory_space<vmem>>
        %dma_wait3A_510 = tpu.memref_slice %arg3[%mul3A_468] : memref<229376xi32, #tpu.memory_space<hbm>> -> memref<56xi32, #tpu.memory_space<hbm>>
        tpu.wait_dma2 semaphore(%dma_wait3A_506 : memref<!tpu.dma_semaphore, #tpu.memory_space<semaphore_mem>>) src(%dma_wait3A_510 : memref<56xi32, #tpu.memory_space<hbm>>) dst(%dma_wait3A_509 : memref<56xi32, #tpu.memory_space<vmem>>)
      } else {
      }
    }
    %scan3A_121 = arith.constant 64 : i32
    %add3A_122 = arith.constant 126 : i32
    %add3A_123 = arith.addi %mul3A_2, %add3A_122 : i32
    %dma_wait3A_124 = arith.constant 0 : i32
    %dma_wait3A_125 = arith.constant 0 : i32
    %dma_wait3A_126 = arith.constant 0 : i32
    %dma_wait3A_127 = arith.constant 0 : i32
    %dma_wait3A_128 = tpu.memref_slice %arg8[%dma_wait3A_124, %dma_wait3A_126, %dma_wait3A_127] : memref<2x50x768xf32, #tpu.memory_space<vmem>> -> memref<1x50x768xf32, #tpu.memory_space<vmem>>
    %dma_wait3A_129 = tpu.memref_squeeze %dma_wait3A_128 : memref<1x50x768xf32, #tpu.memory_space<vmem>> -> memref<50x768xf32, #tpu.memory_space<vmem>>
    %dma_wait3A_130 = arith.constant 0 : i32
    %dma_wait3A_131 = arith.constant 0 : i32
    %dma_wait3A_132 = tpu.memref_slice %arg6[%add3A_123, %dma_wait3A_130, %dma_wait3A_131] : memref<4096x50x768xf32, #tpu.memory_space<hbm>> -> memref<1x50x768xf32, #tpu.memory_space<hbm>>
    %dma_wait3A_133 = tpu.memref_squeeze %dma_wait3A_132 : memref<1x50x768xf32, #tpu.memory_space<hbm>> -> memref<50x768xf32, #tpu.memory_space<hbm>>
    %dma_wait3A_134 = tpu.memref_slice %arg13[%dma_wait3A_125] : memref<2x!tpu.dma_semaphore, #tpu.memory_space<semaphore_mem>> -> memref<1x!tpu.dma_semaphore, #tpu.memory_space<semaphore_mem>>
    %dma_wait3A_135 = tpu.memref_squeeze %dma_wait3A_134 : memref<1x!tpu.dma_semaphore, #tpu.memory_space<semaphore_mem>> -> memref<!tpu.dma_semaphore, #tpu.memory_space<semaphore_mem>>
    %dma_wait3A_136 = arith.constant 0 : i32
    %dma_wait3A_137 = arith.constant 0 : i32
    %dma_wait3A_138 = tpu.memref_slice %arg6[%add3A_123, %dma_wait3A_136, %dma_wait3A_137] : memref<4096x50x768xf32, #tpu.memory_space<hbm>> -> memref<1x50x768xf32, #tpu.memory_space<hbm>>
    %dma_wait3A_139 = tpu.memref_squeeze %dma_wait3A_138 : memref<1x50x768xf32, #tpu.memory_space<hbm>> -> memref<50x768xf32, #tpu.memory_space<hbm>>
    %dma_wait3A_140 = arith.constant 0 : i32
    %dma_wait3A_141 = arith.constant 0 : i32
    %dma_wait3A_142 = tpu.memref_slice %arg8[%dma_wait3A_124, %dma_wait3A_140, %dma_wait3A_141] : memref<2x50x768xf32, #tpu.memory_space<vmem>> -> memref<1x50x768xf32, #tpu.memory_space<vmem>>
    %dma_wait3A_143 = tpu.memref_squeeze %dma_wait3A_142 : memref<1x50x768xf32, #tpu.memory_space<vmem>> -> memref<50x768xf32, #tpu.memory_space<vmem>>
    tpu.wait_dma2 semaphore(%dma_wait3A_135 : memref<!tpu.dma_semaphore, #tpu.memory_space<semaphore_mem>>) src(%dma_wait3A_143 : memref<50x768xf32, #tpu.memory_space<vmem>>) dst(%dma_wait3A_139 : memref<50x768xf32, #tpu.memory_space<hbm>>)
    %add3A_144 = arith.constant 127 : i32
    %add3A_145 = arith.addi %mul3A_2, %add3A_144 : i32
    %dma_wait3A_146 = arith.constant 1 : i32
    %dma_wait3A_147 = arith.constant 1 : i32
    %dma_wait3A_148 = arith.constant 0 : i32
    %dma_wait3A_149 = arith.constant 0 : i32
    %dma_wait3A_150 = tpu.memref_slice %arg8[%dma_wait3A_146, %dma_wait3A_148, %dma_wait3A_149] : memref<2x50x768xf32, #tpu.memory_space<vmem>> -> memref<1x50x768xf32, #tpu.memory_space<vmem>>
    %dma_wait3A_151 = tpu.memref_squeeze %dma_wait3A_150 : memref<1x50x768xf32, #tpu.memory_space<vmem>> -> memref<50x768xf32, #tpu.memory_space<vmem>>
    %dma_wait3A_152 = arith.constant 0 : i32
    %dma_wait3A_153 = arith.constant 0 : i32
    %dma_wait3A_154 = tpu.memref_slice %arg6[%add3A_145, %dma_wait3A_152, %dma_wait3A_153] : memref<4096x50x768xf32, #tpu.memory_space<hbm>> -> memref<1x50x768xf32, #tpu.memory_space<hbm>>
    %dma_wait3A_155 = tpu.memref_squeeze %dma_wait3A_154 : memref<1x50x768xf32, #tpu.memory_space<hbm>> -> memref<50x768xf32, #tpu.memory_space<hbm>>
    %dma_wait3A_156 = tpu.memref_slice %arg13[%dma_wait3A_147] : memref<2x!tpu.dma_semaphore, #tpu.memory_space<semaphore_mem>> -> memref<1x!tpu.dma_semaphore, #tpu.memory_space<semaphore_mem>>
    %dma_wait3A_157 = tpu.memref_squeeze %dma_wait3A_156 : memref<1x!tpu.dma_semaphore, #tpu.memory_space<semaphore_mem>> -> memref<!tpu.dma_semaphore, #tpu.memory_space<semaphore_mem>>
    %dma_wait3A_158 = arith.constant 0 : i32
    %dma_wait3A_159 = arith.constant 0 : i32
    %dma_wait3A_160 = tpu.memref_slice %arg6[%add3A_145, %dma_wait3A_158, %dma_wait3A_159] : memref<4096x50x768xf32, #tpu.memory_space<hbm>> -> memref<1x50x768xf32, #tpu.memory_space<hbm>>
    %dma_wait3A_161 = tpu.memref_squeeze %dma_wait3A_160 : memref<1x50x768xf32, #tpu.memory_space<hbm>> -> memref<50x768xf32, #tpu.memory_space<hbm>>
    %dma_wait3A_162 = arith.constant 0 : i32
    %dma_wait3A_163 = arith.constant 0 : i32
    %dma_wait3A_164 = tpu.memref_slice %arg8[%dma_wait3A_146, %dma_wait3A_162, %dma_wait3A_163] : memref<2x50x768xf32, #tpu.memory_space<vmem>> -> memref<1x50x768xf32, #tpu.memory_space<vmem>>
    %dma_wait3A_165 = tpu.memref_squeeze %dma_wait3A_164 : memref<1x50x768xf32, #tpu.memory_space<vmem>> -> memref<50x768xf32, #tpu.memory_space<vmem>>
    tpu.wait_dma2 semaphore(%dma_wait3A_157 : memref<!tpu.dma_semaphore, #tpu.memory_space<semaphore_mem>>) src(%dma_wait3A_165 : memref<50x768xf32, #tpu.memory_space<vmem>>) dst(%dma_wait3A_161 : memref<50x768xf32, #tpu.memory_space<hbm>>)
    return
  }
}

</mosaic_0001>

<sc_bundles>
// kernel: kernel.3.cloned.1.call-start
scs
__scs_entry_jumppad:
0x0: {  	(pc) =	sbr.rel $0x88, $3  }
0x1: {  	(tag) =	ssettag $0x0;
	lr =	simm.s32 $0x1  }
0x2: {  	[smem:$0x3F9E] =	sst lr;
	_ =	strace $0xD0000000  }
0x3: {  	_ = 	snop  }
0x4: {  	_ = 	snop  }
0x5: {  	_ = 	snop  }
0x6: {  	_ = 	snop  }
0x7: {  	_ = 	snop  }
__scs_overlays_trampoline_lowered:
0x8: {  	[smem:$0x3FAD] =	sst s0  }
0x9: {  	[smem:$0x3FAE] =	sst s1  }
0xa: {  	[smem:$0x3FAF] =	sst s2  }
0xb: {  	[smem:$0x3FB0] =	sst s3  }
0xc: {  	[smem:$0x3FB1] =	sst s4  }
0xd: {  	[smem:$0x3FB2] =	sst s5  }
0xe: {  	[smem:$0x3FB3] =	sst s6  }
0xf: {  	[smem:$0x3FB4] =	sst s7  }
0x10: {  	[smem:$0x3FB5] =	sst s8  }
0x11: {  	[smem:$0x3FB6] =	sst s9;
	s0 =	simm.s32 @!p0 $0x0  }
0x12: {  	s1 =	sld [smem:$0x3F9C];
	s0 =	simm.s32 @p0 $0x1  }
0x13: {  	[smem:$0x3FB7] =	sst s0;
	s0 =	simm.s32 @!p1 $0x0  }
0x14: {  	s2 =	sld [smem:$0x3F9B];
	s0 =	simm.s32 @p1 $0x1  }
0x15: {  	[smem:$0x3FB8] =	sst s0;
	s0 =	simm.s32 @!p2 $0x0  }
0x16: {  	s3 =	sld [smem:$0x3FDB];
	s0 =	simm.s32 @p2 $0x1  }
0x17: {  	s4 =	simm.s32 $0x1BF5;
	[smem:$0x3FBA] =	sst s0  }
0x18: {  	s0 =	sld [smem:$0x3F9D];
	_ =	swait.ge [sflag:s4], $0x0  }
0x19: {  	s7 =	sld [smem:$0x3F9E]  }
0x1a: {  	s8 =	sadd.s32 $0xFFFFE003, lr  }
0x1b: {  	s9 =	sadd.s32 $0xFFFFFEF7, lr;
	s5 =	simm.s32 $0xFFFFFFFF;
	p2 =	slt.u32 s8, $0xFFFFF086  }
0x1c: {  	p1 =	slt.u32 s9, $0xF7A;
	s5 =	simm.s32 @!p2 $0x0  }
0x1d: {  	s5 =	simm.s32 @p1 $0x1;
	p0 =	seq.s32 s7, s2  }
0x1e: {  	s7 =	smul.u32 @!p0 $0xF7A, s2;
	p2 =	seq.s32 @!p0 s5, $0x0  }
0x1f: {  	s9 =	smul.u32 $0xF7A, s1;
	s8 =	simm.s32 @!p0 $0x1BF5;
	p2 =	por !p2, p0  }
0x20: {  	[sflag:s8] =	ssyncset.s32 @!p0 $0xFFFFF086;
	s6 =	sadd.s32 @!p0 s3, s7;
	s7 =	simm.s32 @!p0 $0x108  }
0x21: {  	s3 =	sadd.s32 s3, s9;
	s6 =	sadd.s32 @!p0 $0x88, s6;
	s7 =	simm.s32 @p2 $0x1082  }
0x22: {  	[simem:s7], [sflag:s8] =	dma.local @!p0 [hbm:s6], $0xF7A  }
0x23: {  	s9 =	sor.u32 $0xD0000000, s2;
	s6 =	simm.s32 $0x108;
	_ =	swait.ge @!p0 [sflag:s8], $0x0  }
0x24: {  	s3 =	sadd.s32 $0x88, s3;
	s6 =	simm.s32 @!p1 $0x1082;
	[sflag:s4] =	ssyncset.s32 $0xFFFFF086  }
0x25: {  	[simem:s6], [sflag:s4] =	dma.local [hbm:s3], $0xF7A  }
0x26: {  	[smem:$0x3F9E] =	sst s1;
	(tag) =	ssettag s2;
	_ =	strace s9  }
0x27: {  	s1 =	sld [smem:$0x3FAE]  }
0x28: {  	s2 =	sld [smem:$0x3FAF]  }
0x29: {  	s4 =	sld [smem:$0x3FB1]  }
0x2a: {  	p0 =	seq.s32 s5, $0x0;
	s5 =	sld [smem:$0x3FB2]  }
0x2b: {  	s6 =	sld [smem:$0x3FB3]  }
0x2c: {  	s7 =	sld [smem:$0x3FB4]  }
0x2d: {  	s3 =	simm.s32 $0x108;
	s8 =	sld [smem:$0x3FB5]  }
0x2e: {  	s3 =	simm.s32 @!p0 $0x1082;
	s9 =	sld [smem:$0x3FB6]  }
0x2f: {  	lr =	sadd.s32 s0, s3;
	s0 =	sld [smem:$0x3FAD]  }
0x30: {  	s3 =	sld [smem:$0x3FB0]  }
0x31: {  	[smem:$0x3FB9] =	sst s10  }
0x32: {  	s10 =	sld [smem:$0x3FB7];
	_ =	sdelay $0x3  }
0x33: {  	p0 =	seq.s32 s10, $0x1;
	s10 =	sld [smem:$0x3FB9];
	_ =	sdelay $0x3  }
0x34: {  	[smem:$0x3FB9] =	sst s10  }
0x35: {  	s10 =	sld [smem:$0x3FB8];
	_ =	sdelay $0x3  }
0x36: {  	p1 =	seq.s32 s10, $0x1;
	s10 =	sld [smem:$0x3FB9];
	_ =	sdelay $0x3  }
0x37: {  	[smem:$0x3FB9] =	sst s10  }
0x38: {  	s10 =	sld [smem:$0x3FBA]  }
0x39: {  	_ = 	snop;
	(pc) =	sbr.ind lr, $3  }
0x3a: {  	_ = 	snop  }
0x3b: {  	_ = 	snop  }
0x3c: {  	p2 =	seq.s32 s10, $0x1;
	s10 =	sld [smem:$0x3FB9]  }
0x3d: {  	_ =	shalt  }
0x3e: {  	_ =	shalt  }
0x3f: {  	_ =	shalt  }
0x40: {  	_ =	shalt  }
0x41: {  	_ =	shalt  }
0x42: {  	_ =	shalt  }
0x43: {  	_ =	shalt  }
0x44: {  	_ =	shalt  }
0x45: {  	_ =	shalt  }
0x46: {  	_ =	shalt  }
0x47: {  	_ =	shalt  }
0x48: {  	_ =	shalt  }
0x49: {  	_ =	shalt  }
0x4a: {  	_ =	shalt  }
0x4b: {  	_ =	shalt  }
0x4c: {  	_ =	shalt  }
0x4d: {  	_ =	shalt  }
0x4e: {  	_ =	shalt  }
0x4f: {  	_ =	shalt  }
0x50: {  	_ =	shalt  }
0x51: {  	_ =	shalt  }
0x52: {  	_ =	shalt  }
0x53: {  	_ =	shalt  }
0x54: {  	_ =	shalt  }
0x55: {  	_ =	shalt  }
0x56: {  	_ =	shalt  }
0x57: {  	_ =	shalt  }
0x58: {  	_ =	shalt  }
0x59: {  	_ =	shalt  }
0x5a: {  	_ =	shalt  }
0x5b: {  	_ =	shalt  }
0x5c: {  	_ =	shalt  }
0x5d: {  	_ =	shalt  }
0x5e: {  	_ =	shalt  }
0x5f: {  	_ =	shalt  }
0x60: {  	_ =	shalt  }
0x61: {  	_ =	shalt  }
0x62: {  	_ =	shalt  }
0x63: {  	_ =	shalt  }
0x64: {  	_ =	shalt  }
0x65: {  	_ =	shalt  }
0x66: {  	_ =	shalt  }
0x67: {  	_ =	shalt  }
0x68: {  	_ =	shalt  }
0x69: {  	_ =	shalt  }
0x6a: {  	_ =	shalt  }
0x6b: {  	_ =	shalt  }
0x6c: {  	_ =	shalt  }
0x6d: {  	_ =	shalt  }
0x6e: {  	_ =	shalt  }
0x6f: {  	_ =	shalt  }
0x70: {  	_ =	shalt  }
0x71: {  	_ =	shalt  }
0x72: {  	_ =	shalt  }
0x73: {  	_ =	shalt  }
0x74: {  	_ =	shalt  }
0x75: {  	_ =	shalt  }
0x76: {  	_ =	shalt  }
0x77: {  	_ =	shalt  }
0x78: {  	_ =	shalt  }
0x79: {  	_ =	shalt  }
0x7a: {  	_ =	shalt  }
0x7b: {  	_ =	shalt  }
0x7c: {  	_ =	shalt  }
0x7d: {  	_ =	shalt  }
0x7e: {  	_ =	shalt  }
0x7f: {  	_ =	shalt  }
0x80: {  	_ =	shalt  }
0x81: {  	_ =	shalt  }
0x82: {  	_ =	shalt  }
0x83: {  	_ =	shalt  }
0x84: {  	_ =	shalt  }
0x85: {  	_ =	shalt  }
0x86: {  	_ =	shalt  }
0x87: {  	_ =	shalt  }
.Lfunc_end0:
.L_simem_size_0:
called_computation_lowered:
.L_overlay_start_0:
0x88: {  	s2 =	sld [smem:$0x3FD9]  }
0x89: {  	s3 =	sld [smem:$0x3FFE];
	_ =	sdelay $0x1  }
0x8a: {  	s1 =	srdreg.scid  }
0x8b: {  	s0 =	sand.u32 $0x1, s1  }
0x8c: {  	s17 =	sshll.u32 s0, $0xA;
	s2 =	sadd.s32 s3, s2  }
0x8d: {  	s2 =	sadd.s32 s2, s17  }
0x8e: {  	[smem:$0x3FC5] =	sst s2  }
0x8f: {  	_ = 	snop  }
0x90: {  	s2 =	sld [smem:$0x3FD0];
	(tm) =	ssettm $0x1  }
0x91: {  	s18 =	sld [smem:$0x3FFB];
	_ =	sdelay $0x3  }
0x92: {  	_ =	strace s18  }
0x93: {  	s3 =	sld [smem:$0x3FFC];
	_ =	sdelay $0x3  }
0x94: {  	_ =	strace s3  }
0x95: {  	s3 =	sld [smem:$0x3FFD];
	_ =	sdelay $0x3  }
0x96: {  	_ =	strace s3  }
0x97: {  	_ =	strace $0x8FFFFFFF  }
0x98: {  	s19 =	sld [smem:$0x3FDB];
	_ =	sdelay $0x1  }
0x99: {  	s4 =	simm.s32 $_scs_section_size  }
0x9a: {  	s5 =	simm.s32 $_size__tile_overlayer_lowered;
	s6 =	simm.s32 $_tile_overlayer_lowered  }
0x9b: {  	s22 =	simm.s32 $0x1BFF;
	s21 =	sshll.u32 s6, $0x1;
	s3 =	sadd.s32 s4, s19  }
0x9c: {  	s7 =	simm.s32 $0x0;
	s20 =	sshll.u32 s5, $0x1;
	s5 =	sadd.s32 s21, s3  }
0x9d: {  	[timem:s7], [sflag:s22] =	dma.local [hbm:s5], s20  }
0x9e: {  	_ =	swait.ge [sflag:s22], s20  }
0x9f: {  	s4 =	ssub.s32 $0x0, s20;
	[sflag:s22] =	ssyncset.done $0x0  }
0xa0: {  	[sflag:s22] =	ssyncadd.s32 s4;
	_ =	sdelay $0x1  }
0xa1: {  	s23 =	simm.s32 $0x1B8B  }
0xa2: {  	_ =	swait.ge [sflag:s23], $0x1  }
0xa3: {  	[sflag:s23] =	ssyncset.done $0x0  }
0xa4: {  	s25 =	simm.s32 $0x1B8E;
	s24 =	sld [smem:$0x3FFE];
	[sflag:s23] =	ssyncadd.s32 $0xFFFFFFFF  }
0xa5: {  	s26 =	simm.s32 $execute0_lowered;
	[smem:$0x3FD2] =	sst s25  }
0xa6: {  	s5 =	sshll.u32 s26, $0x1;
	_ =	strace $0x80000046;
	[dreg:$0x1] =	wrdreg $0xFFFFFFFF  }
0xa7: {  	s28 =	simm.s32 $_size_execute0_lowered;
	s3 =	sadd.s32 s3, s5;
	[dreg:$0x0] =	wrdreg $0x0  }
0xa8: {  	s5 =	sshll.u32 s28, $0x1;
	[dreg:$0x2] =	wrdreg s3  }
0xa9: {  	[dreg:$0x3] =	wrdreg s5  }
0xaa: {  	[dreg:$0x4] =	wrdreg $0xC0  }
0xab: {  	_ =	task [dreg:s7], $0x5FFFF  }
0xac: {  	[dreg:$0x1] =	wrdreg $0xFFFFFFFF  }
0xad: {  	[dreg:$0x0] =	wrdreg $0x60  }
0xae: {  	[dreg:$0x2] =	wrdreg s24  }
0xaf: {  	[dreg:$0x3] =	wrdreg s2  }
0xb0: {  	[dreg:$0x4] =	wrdreg $0x9  }
0xb1: {  	_ =	task.clear_ibuf [dreg:s7], $0x5FFFF;
	_ =	strace $0x90000046  }
0xb2: {  	s29 =	simm.s32 $0x9;
	_ =	strace $0x80000048  }
0xb3: {  	_ =	swait.ge [sflag:s29], $0x1  }
0xb4: {  	[sflag:s29] =	ssyncadd.s32 $0xFFFFFFFF  }
0xb5: {  	_ =	strace $0x90000048  }
0xb6: {  	_ =	sfence  }
0xb7: {  	s30 =	sld [smem:$0x0];
	_ =	sdelay $0x2  }
0xb8: {  	s31 =	sshll.u32 s1, $0xD;
	s1 =	sshrl.u32 s1, $0x2  }
0xb9: {  	s3 =	sand.u32 $0x4000, s31;
	s1 =	sadd.s32 s1, s30  }
0xba: {  	s0 =	sor.u32 s3, s0;
	s1 =	sshll.u32 s1, $0x11  }
0xbb: {  	s0 =	sor.u32 s1, s0  }
0xbc: {  	s0 =	sadd.s32 $0x8F2B, s0  }
0xbd: {  	[sflag:s0] =	ssyncadd.remote.s32 $0x1  }
0xbe: {  	_ =	sfence.sel $0xFFFF  }
0xbf: {  	[dreg:$0x0] =	wrdreg $0xFFFFFFFF;
	(pc) =	sbr.abs _section_cstart, $3  }
0xc0: {  	[dreg:$0x1] =	wrdreg $0xFFFFFFFF  }
0xc1: {  	_ =	task.clear_ibuf [dreg:s7], $0x2FFFF;
	_ =	strace $0x9FFFFFFF  }
0xc2: {  	(tm) =	ssettm $0x7FFFFFFF  }
0xc3: {  	_ =	shalt  }
tec
execute0_lowered:
.L_overlay_start_1:
0x0: {  	(tag) =	ssettag $0x1  }
0x1: {  	s0 =	rddreg [dreg:$0x0]  }
0x2: {  	s1 =	rddreg [dreg:$0x1];
	s3 =	simm.s32 $0x0;
	s2 =	srdreg.scid  }
0x3: {  	s4 =	stileid.u32;
	s18 =	simm.s32 $0x1A600;
	s19 =	simm.s32 $0x1AE00  }
0x4: {  	s20 =	simm.s32 $0x1B200;
	s21 =	simm.s32 $0x1EA00;
	s22 =	simm.s32 $0x1EE00  }
0x5: {  	s23 =	simm.s32 $0x1F600;
	s24 =	simm.s32 $0xAA00;
	s25 =	simm.s32 $0x5  }
0x6: {  	s26 =	simm.s32 $0x7;
	s28 =	simm.s32 $0x8;
	s29 =	simm.s32 $0x6  }
0x7: {  	[smem:$0x7FF] =	sst s3;
	s2 =	sand.u32 $0x1, s2;
	s6 =	sshll.u32 s4, $0x1  }
0x8: {  	s4 =	sadd.s32 $0x65400, s0;
	s5 =	sadd.s32 $0x600, s0;
	s8 =	sor.u32 s2, s6  }
0x9: {  	s7 =	sadd.s32 $0x1565400, s0;
	s12 =	sadd.s32 $0x100, s1;
	s9 =	smul.u32 $0x380, s8  }
0xa: {  	_ =	strace $0x80000047;
	s2 =	ssub.s32 $0x2, s2;
	s11 =	smul.u32 $0xA8000, s8  }
.Ltmp0:
0xb: {  	s10 =	sshrl.u32 s2, $0x1;
	s9 =	sadd.s32 s5, s9;
	(pc) =	sbr.rel .LBB2_1-.Ltmp0, $4  }
0xc: {  	s2 =	ssub.s32 s2, s10;
	s30 =	sadd.s32 s4, s11;
	[dreg:$0x3] =	wrdreg s9  }
0xd: {  	v2 =	vlaneseq.u32;
	s13 =	sadd.s32 $0x7700, s0;
	s31 =	smax.u32 s2, $0x1;
	[dreg:$0x5] =	wrdreg s30  }
0xe: {  	vm0 =	vmmov $0xffff;
	vm1 =	vmmov $0xff;
	v1 =	vshrl.u32 v2, $0x3;
	s6 =	sadd.s32 $0x7600, s0;
	s9 =	sadd.s32 $0x7, s9;
	[dreg:$0x6] =	wrdreg s31  }
0xf: {  	v0 =	vand.u32 $0x7, v2;
	v2 =	vor.u32 $0x8, v2;
	v1 =	vmul.u32 $0x8, v1;
	s8 =	sshll.u32 s8, $0x7;
	[dreg:$0x4] =	wrdreg s9;
	s9 =	simm.s32 $0x0  }
.LBB2_16:
0x10: {  	[hbm4b:s2+s3] =	stream.linear.scatter [tilespmem:s24], [sflag:$0xA], $0xA800, $0x38;
	[tilespmem:$0x1FA00] =	vst v63  }
0x11: {  	s0 =	simm.s32 $0x9  }
0x12: {  	_ =	swait.ge [sflag:s0], $0xA800  }
0x13: {  	[sflag:s0] =	ssyncset.done $0x0  }
0x14: {  	s30 =	simm.s32 $0xA;
	[sflag:s0] =	ssyncadd.s32 $0xFFFF5800  }
0x15: {  	_ =	swait.ge [sflag:s30], $0xA800  }
0x16: {  	s9 =	rddreg [dreg:$0x7]  }
0x17: {  	s31 =	rddreg [dreg:$0x6];
	s9 =	sadd.s32 $0x1, s9  }
0x18: {  	p0 =	sne.s32 s9, s31  }
.Ltmp1:
0x19: {  	_ = 	snop;
	(pc) =	sbr.rel @!p0 .LBB2_17-.Ltmp1, $3  }
0x1a: {  	_ =	sdelay $0x1  }
0x1b: {  	[sflag:s30] =	ssyncset.done $0x0  }
0x1c: {  	[sflag:s30] =	ssyncadd.s32 $0xFFFF5800  }
.LBB2_1:
0x1d: {  	[dreg:$0x7] =	wrdreg s9  }
0x1e: {  	s0 =	rddreg [dreg:$0x3]  }
0x1f: {  	[tilespmem:s3], [sflag:$0x1] =	stream.linear.gather [hbm4b:s0+s3], $0x38, $0x38;
	[tilespmem:$0x1FA00] =	vst v63  }
0x20: {  	s11 =	rddreg [dreg:$0x4];
	s2 =	simm.s32 $0x80;
	s14 =	simm.s32 $0x1  }
0x21: {  	[tilespmem:s2], [sflag:$0x2] =	stream.linear.gather [hbm4b:s11+s3], $0x38, $0x38;
	[tilespmem:$0x1FA00] =	vst v63  }
0x22: {  	_ =	swait.ge [sflag:s14], $0x38  }
0x23: {  	[sflag:s14] =	ssyncset.done $0x0  }
0x24: {  	s16 =	simm.s32 $0x200;
	s15 =	rddreg [dreg:$0x5];
	[sflag:s14] =	ssyncadd.s32 $0xFFFFFFC8  }
0x25: {  	[tilespmem:s16], [sflag:$0x5] =	stream.linear.gather [hbm4b:s15+s3], $0xA800, $0x38;
	[tilespmem:$0x1FA00] =	vst v63  }
0x26: {  	v3 =	vld [tilespmem:$0x0];
	_ =	sdelay $0x4  }
0x27: {  	v4 =	vshrl.u32 v3, $0x3  }
0x28: {  	v4 =	vmul.u32 $0x18, v4  }
0x29: {  	v3 =	vand.u32 $0x7, v3  }
0x2a: {  	v3 =	vor.u32 v3, v4  }
0x2b: {  	v4 =	vperm.xlane v3, v0;
	_ =	sdelay $0x1  }
0x2c: {  	v4 =	vadd.s32 v1, v4;
	_ =	sdelay $0x1  }
0x2d: {  	v3 =	vperm.xlane v3, v2;
	_ =	sdelay $0x1  }
0x2e: {  	s17 =	simm.s32 $0x15200;
	v3 =	vadd.s32 v1, v3  }
0x2f: {  	[tilespmem:s17], [sflag:$0x7] =	stream.indirect_vreg.gather [hbm4b:s1+s3], $0x80, v4, vm0, $0xb8;
	[tilespmem:$0x1FA00] =	vst v63  }
0x30: {  	s30 =	simm.s32 $0x15A00  }
0x31: {  	[tilespmem:s30], [sflag:$0x7] =	stream.indirect_vreg.gather [hbm4b:s12+s3], $0x80, v4, vm1, $0xb8;
	[tilespmem:$0x1FA00] =	vst v63  }
0x32: {  	s2 =	simm.s32 $0x15E00  }
0x33: {  	[tilespmem:s2], [sflag:$0x7] =	stream.indirect_vreg.gather [hbm4b:s1+s3], $0x80, v3, vm0, $0xb8;
	[tilespmem:$0x1FA00] =	vst v63  }
0x34: {  	s9 =	simm.s32 $0x16600  }
0x35: {  	[tilespmem:s9], [sflag:$0x7] =	stream.indirect_vreg.gather [hbm4b:s12+s3], $0x80, v3, vm1, $0xb8;
	[tilespmem:$0x1FA00] =	vst v63  }
0x36: {  	v3 =	vld [tilespmem:$0x10];
	_ =	sdelay $0x4  }
0x37: {  	v57 =	vshrl.u32 v3, $0x3  }
0x38: {  	v4 =	vmul.u32 $0x18, v57  }
0x39: {  	v3 =	vand.u32 $0x7, v3  }
0x3a: {  	v3 =	vor.u32 v3, v4  }
0x3b: {  	v4 =	vperm.xlane v3, v0;
	_ =	sdelay $0x1  }
0x3c: {  	v4 =	vadd.s32 v1, v4;
	_ =	sdelay $0x1  }
0x3d: {  	v3 =	vperm.xlane v3, v2;
	_ =	sdelay $0x1  }
0x3e: {  	s10 =	simm.s32 $0x16A00;
	v3 =	vadd.s32 v1, v3  }
0x3f: {  	[tilespmem:s10], [sflag:$0x7] =	stream.indirect_vreg.gather [hbm4b:s1+s3], $0x80, v4, vm0, $0xb8;
	[tilespmem:$0x1FA00] =	vst v63  }
0x40: {  	s11 =	simm.s32 $0x17200  }
0x41: {  	[tilespmem:s11], [sflag:$0x7] =	stream.indirect_vreg.gather [hbm4b:s12+s3], $0x80, v4, vm1, $0xb8;
	[tilespmem:$0x1FA00] =	vst v63  }
0x42: {  	s14 =	simm.s32 $0x17600  }
0x43: {  	[tilespmem:s14], [sflag:$0x7] =	stream.indirect_vreg.gather [hbm4b:s1+s3], $0x80, v3, vm0, $0xb8;
	[tilespmem:$0x1FA00] =	vst v63  }
0x44: {  	s15 =	simm.s32 $0x17E00  }
0x45: {  	[tilespmem:s15], [sflag:$0x7] =	stream.indirect_vreg.gather [hbm4b:s12+s3], $0x80, v3, vm1, $0xb8;
	[tilespmem:$0x1FA00] =	vst v63  }
0x46: {  	v3 =	vld [tilespmem:$0x20];
	_ =	sdelay $0x4  }
0x47: {  	v58 =	vshrl.u32 v3, $0x3  }
0x48: {  	v4 =	vmul.u32 $0x18, v58  }
0x49: {  	v3 =	vand.u32 $0x7, v3  }
0x4a: {  	v3 =	vor.u32 v3, v4  }
0x4b: {  	v4 =	vperm.xlane v3, v0;
	_ =	sdelay $0x1  }
0x4c: {  	v4 =	vadd.s32 v1, v4;
	_ =	sdelay $0x1  }
0x4d: {  	v3 =	vperm.xlane v3, v2;
	_ =	sdelay $0x1  }
0x4e: {  	s16 =	simm.s32 $0x18200;
	v3 =	vadd.s32 v1, v3  }
0x4f: {  	[tilespmem:s16], [sflag:$0x7] =	stream.indirect_vreg.gather [hbm4b:s1+s3], $0x80, v4, vm0, $0xb8;
	[tilespmem:$0x1FA00] =	vst v63  }
0x50: {  	s17 =	simm.s32 $0x18A00  }
0x51: {  	[tilespmem:s17], [sflag:$0x7] =	stream.indirect_vreg.gather [hbm4b:s12+s3], $0x80, v4, vm1, $0xb8;
	[tilespmem:$0x1FA00] =	vst v63  }
0x52: {  	s30 =	simm.s32 $0x18E00  }
0x53: {  	[tilespmem:s30], [sflag:$0x7] =	stream.indirect_vreg.gather [hbm4b:s1+s3], $0x80, v3, vm0, $0xb8;
	[tilespmem:$0x1FA00] =	vst v63  }
0x54: {  	s2 =	simm.s32 $0x19600  }
0x55: {  	[tilespmem:s2], [sflag:$0x7] =	stream.indirect_vreg.gather [hbm4b:s12+s3], $0x80, v3, vm1, $0xb8;
	[tilespmem:$0x1FA00] =	vst v63  }
0x56: {  	v3 =	vld.msk [tilespmem:$0x30], $0xff;
	_ =	sdelay $0x4  }
0x57: {  	v59 =	vshrl.u32 v3, $0x3  }
0x58: {  	v4 =	vmul.u32 $0x18, v59  }
0x59: {  	v3 =	vand.u32 $0x7, v3  }
0x5a: {  	v3 =	vor.u32 v3, v4  }
0x5b: {  	v3 =	vperm.xlane v3, v0;
	_ =	sdelay $0x1  }
0x5c: {  	v3 =	vadd.s32 v1, v3;
	_ =	sdelay $0x3  }
0x5d: {  	s9 =	simm.s32 $0x19A00  }
0x5e: {  	[tilespmem:s9], [sflag:$0x7] =	stream.indirect_vreg.gather [hbm4b:s1+s3], $0x80, v3, vm0, $0xb8;
	[tilespmem:$0x1FA00] =	vst v63  }
0x5f: {  	s10 =	simm.s32 $0x1A200  }
0x60: {  	[tilespmem:s10], [sflag:$0x7] =	stream.indirect_vreg.gather [hbm4b:s12+s3], $0x80, v3, vm1, $0xb8;
	[tilespmem:$0x1FA00] =	vst v63  }
0x61: {  	v3 =	vld [tilespmem:$0x0];
	_ =	sdelay $0x4  }
0x62: {  	v60 =	vshrl.u32 v3, $0x3  }
0x63: {  	v4 =	vmul.u32 $0x18, v60  }
0x64: {  	v3 =	vand.u32 $0x7, v3  }
0x65: {  	v3 =	vor.u32 v3, v4  }
0x66: {  	v4 =	vperm.xlane v3, v0;
	_ =	sdelay $0x1  }
0x67: {  	v4 =	vadd.s32 v1, v4;
	_ =	sdelay $0x1  }
0x68: {  	v3 =	vperm.xlane v3, v2;
	_ =	sdelay $0x1  }
0x69: {  	v3 =	vadd.s32 v1, v3  }
0x6a: {  	[tilespmem:s18], [sflag:$0x8] =	stream.indirect_vreg.gather [hbm4b:s6+s3], $0x80, v4, vm0, $0xb8;
	[tilespmem:$0x1FA00] =	vst v63  }
0x6b: {  	_ = 	snop  }
0x6c: {  	[tilespmem:s19], [sflag:$0x8] =	stream.indirect_vreg.gather [hbm4b:s13+s3], $0x80, v4, vm1, $0xb8;
	[tilespmem:$0x1FA00] =	vst v63  }
0x6d: {  	_ = 	snop  }
0x6e: {  	[tilespmem:s20], [sflag:$0x8] =	stream.indirect_vreg.gather [hbm4b:s6+s3], $0x80, v3, vm0, $0xb8;
	[tilespmem:$0x1FA00] =	vst v63  }
0x6f: {  	s11 =	simm.s32 $0x1BA00  }
0x70: {  	[tilespmem:s11], [sflag:$0x8] =	stream.indirect_vreg.gather [hbm4b:s13+s3], $0x80, v3, vm1, $0xb8;
	[tilespmem:$0x1FA00] =	vst v63  }
0x71: {  	v3 =	vld [tilespmem:$0x10];
	_ =	sdelay $0x4  }
0x72: {  	v61 =	vshrl.u32 v3, $0x3  }
0x73: {  	v4 =	vmul.u32 $0x18, v61  }
0x74: {  	v3 =	vand.u32 $0x7, v3  }
0x75: {  	v3 =	vor.u32 v3, v4  }
0x76: {  	v4 =	vperm.xlane v3, v0;
	_ =	sdelay $0x1  }
0x77: {  	v4 =	vadd.s32 v1, v4;
	_ =	sdelay $0x1  }
0x78: {  	v3 =	vperm.xlane v3, v2;
	_ =	sdelay $0x1  }
0x79: {  	s14 =	simm.s32 $0x1BE00;
	v3 =	vadd.s32 v1, v3  }
0x7a: {  	[tilespmem:s14], [sflag:$0x8] =	stream.indirect_vreg.gather [hbm4b:s6+s3], $0x80, v4, vm0, $0xb8;
	[tilespmem:$0x1FA00] =	vst v63  }
0x7b: {  	s15 =	simm.s32 $0x1C600  }
0x7c: {  	[tilespmem:s15], [sflag:$0x8] =	stream.indirect_vreg.gather [hbm4b:s13+s3], $0x80, v4, vm1, $0xb8;
	[tilespmem:$0x1FA00] =	vst v63  }
0x7d: {  	s16 =	simm.s32 $0x1CA00  }
0x7e: {  	[tilespmem:s16], [sflag:$0x8] =	stream.indirect_vreg.gather [hbm4b:s6+s3], $0x80, v3, vm0, $0xb8;
	[tilespmem:$0x1FA00] =	vst v63  }
0x7f: {  	s17 =	simm.s32 $0x1D200  }
0x80: {  	[tilespmem:s17], [sflag:$0x8] =	stream.indirect_vreg.gather [hbm4b:s13+s3], $0x80, v3, vm1, $0xb8;
	[tilespmem:$0x1FA00] =	vst v63  }
0x81: {  	v3 =	vld [tilespmem:$0x20];
	_ =	sdelay $0x4  }
0x82: {  	v62 =	vshrl.u32 v3, $0x3  }
0x83: {  	v4 =	vmul.u32 $0x18, v62  }
0x84: {  	v3 =	vand.u32 $0x7, v3  }
0x85: {  	v3 =	vor.u32 v3, v4  }
0x86: {  	v4 =	vperm.xlane v3, v0;
	_ =	sdelay $0x1  }
0x87: {  	v4 =	vadd.s32 v1, v4;
	_ =	sdelay $0x1  }
0x88: {  	v3 =	vperm.xlane v3, v2;
	_ =	sdelay $0x1  }
0x89: {  	s18 =	simm.s32 $0x1D600;
	v3 =	vadd.s32 v1, v3  }
0x8a: {  	[tilespmem:s18], [sflag:$0x8] =	stream.indirect_vreg.gather [hbm4b:s6+s3], $0x80, v4, vm0, $0xb8;
	[tilespmem:$0x1FA00] =	vst v63  }
0x8b: {  	s19 =	simm.s32 $0x1DE00  }
0x8c: {  	[tilespmem:s19], [sflag:$0x8] =	stream.indirect_vreg.gather [hbm4b:s13+s3], $0x80, v4, vm1, $0xb8;
	[tilespmem:$0x1FA00] =	vst v63  }
0x8d: {  	s20 =	simm.s32 $0x1E200  }
0x8e: {  	[tilespmem:s20], [sflag:$0x8] =	stream.indirect_vreg.gather [hbm4b:s6+s3], $0x80, v3, vm0, $0xb8;
	[tilespmem:$0x1FA00] =	vst v63  }
0x8f: {  	_ = 	snop  }
0x90: {  	[tilespmem:s21], [sflag:$0x8] =	stream.indirect_vreg.gather [hbm4b:s13+s3], $0x80, v3, vm1, $0xb8;
	[tilespmem:$0x1FA00] =	vst v63  }
0x91: {  	v3 =	vld.msk [tilespmem:$0x30], $0xff;
	_ =	sdelay $0x4  }
0x92: {  	v63 =	vshrl.u32 v3, $0x3  }
0x93: {  	v4 =	vmul.u32 $0x18, v63  }
0x94: {  	v3 =	vand.u32 $0x7, v3  }
0x95: {  	v3 =	vor.u32 v3, v4  }
0x96: {  	v3 =	vperm.xlane v3, v0;
	_ =	sdelay $0x1  }
0x97: {  	v3 =	vadd.s32 v1, v3;
	_ =	sdelay $0x4  }
0x98: {  	[tilespmem:s22], [sflag:$0x8] =	stream.indirect_vreg.gather [hbm4b:s6+s3], $0x80, v3, vm0, $0xb8;
	[tilespmem:$0x1FA00] =	vst v63  }
0x99: {  	s30 =	simm.s32 $0x2  }
0x9a: {  	[tilespmem:s23], [sflag:$0x8] =	stream.indirect_vreg.gather [hbm4b:s13+s3], $0x80, v3, vm1, $0xb8;
	[tilespmem:$0x1FA00] =	vst v63  }
0x9b: {  	_ =	swait.ge [sflag:s30], $0x38  }
0x9c: {  	[sflag:s30] =	ssyncset.done $0x0  }
0x9d: {  	s31 =	simm.s32 $0x0;
	[sflag:s30] =	ssyncadd.s32 $0xFFFFFFC8  }
.LBB2_2:
0x9e: {  	s15 =	sshll.u32 s31, $0x1  }
0x9f: {  	p0 =	seq.s32 s31, $0x3F;
	s0 =	sadd.s32 $0x2, s15  }
0xa0: {  	p1 =	seq.s32 @!p0 s31, $0x0;
	s30 =	sadd.s32 @!p0 s8, s0  }
0xa1: {  	p1 =	por p0, !p1;
	s9 =	smul.u32 @!p0 $0x7, s30  }
.Ltmp2:
0xa2: {  	s2 =	sand.u32 @!p0 $0x2, s0;
	(pc) =	sbr.rel @!p1 .LBB2_4-.Ltmp2, $4  }
0xa3: {  	s11 =	sshll.u32 @!p0 s2, $0x7  }
0xa4: {  	s10 =	sor.u32 @!p0 $0x1, s2;
	s2 =	sadd.s32 @!p0 s5, s9;
	s9 =	simm.s32 @!p0 $0x0  }
0xa5: {  	[tilespmem:s11], [sflag:s10] =	stream.linear.gather @!p0 [hbm4b:s2+s9], $0x38, $0x38;
	[tilespmem:$0x1FA00] =	vst v63  }
0xa6: {  	s11 =	sor.u32 @!p0 $0x1, s15  }
0xa7: {  	s2 =	simm.s32 $0xA  }
0xa8: {  	_ =	swait.ge [sflag:s2], $0xA800  }
0xa9: {  	[sflag:s2] =	ssyncset.done $0x0  }
0xaa: {  	s11 =	simm.s32 @p0 $0x7F;
	[sflag:s2] =	ssyncadd.s32 $0xFFFF5800  }
.LBB2_4:
0xab: {  	s2 =	sor.u32 s8, s11  }
0xac: {  	s2 =	smul.u32 $0x1500, s2;
	_ =	sdelay $0x1  }
0xad: {  	s9 =	simm.s32 $0x0;
	s14 =	sadd.s32 s4, s2  }
0xae: {  	[tilespmem:s24], [sflag:$0x6] =	stream.linear.gather [hbm4b:s14+s9], $0xA800, $0x38;
	[tilespmem:$0x1FA00] =	vst v63  }
0xaf: {  	_ =	swait.ge [sflag:s25], $0xA800  }
0xb0: {  	s18 =	simm.s32 $0x0;
	[sflag:s25] =	ssyncset.done $0x0  }
0xb1: {  	s16 =	smul.u32 $0x3000, s18;
	[sflag:s25] =	ssyncadd.s32 $0xFFFF5800  }
0xb2: {  	_ =	swait.ge [sflag:s26], $0x5400  }
0xb3: {  	s17 =	sand.u32 $0x380, s9;
	s16 =	sshra.s32 s16, $0x2;
	[sflag:s26] =	ssyncset.done $0x0  }
0xb4: {  	s16 =	sor.u32 s17, s16;
	[sflag:s26] =	ssyncadd.s32 $0xFFFFAC00  }
0xb5: {  	v3 =	vld [tilespmem:s16+$0x15200]  }
0xb6: {  	s14 =	smul.u32 $0x6000, s18;
	_ =	sdelay $0x1  }
0xb7: {  	s14 =	sshra.s32 s14, $0x2  }
0xb8: {  	s14 =	sor.u32 s17, s14  }
0xb9: {  	s19 =	sadd.s32 $0x15200, s16;
	[tilespmem:s14+$0x200] =	vst.add.f32.msk $0xffff, v3  }
0xba: {  	v3 =	vld [tilespmem:s19+$0x10];
	_ =	sdelay $0x4  }
0xbb: {  	[tilespmem:s14+$0x210] =	vst.add.f32.msk $0xffff, v3  }
0xbc: {  	v3 =	vld [tilespmem:s19+$0x20];
	_ =	sdelay $0x4  }
0xbd: {  	[tilespmem:s14+$0x220] =	vst.add.f32.msk $0xffff, v3  }
0xbe: {  	v3 =	vld [tilespmem:s19+$0x30];
	_ =	sdelay $0x4  }
0xbf: {  	[tilespmem:s14+$0x230] =	vst.add.f32.msk $0xffff, v3  }
0xc0: {  	v3 =	vld [tilespmem:s19+$0x40];
	_ =	sdelay $0x4  }
0xc1: {  	[tilespmem:s14+$0x240] =	vst.add.f32.msk $0xffff, v3  }
0xc2: {  	v3 =	vld [tilespmem:s19+$0x50];
	_ =	sdelay $0x4  }
0xc3: {  	[tilespmem:s14+$0x250] =	vst.add.f32.msk $0xffff, v3  }
0xc4: {  	v3 =	vld [tilespmem:s19+$0x60];
	_ =	sdelay $0x4  }
0xc5: {  	[tilespmem:s14+$0x260] =	vst.add.f32.msk $0xffff, v3  }
0xc6: {  	v3 =	vld [tilespmem:s19+$0x70];
	_ =	sdelay $0x4  }
0xc7: {  	[tilespmem:s14+$0x270] =	vst.add.f32.msk $0xffff, v3  }
0xc8: {  	v3 =	vld [tilespmem:s16+$0x15600];
	_ =	sdelay $0x4  }
0xc9: {  	s20 =	sadd.s32 $0x15600, s16;
	[tilespmem:s14+$0x600] =	vst.add.f32.msk $0xffff, v3  }
0xca: {  	v3 =	vld [tilespmem:s20+$0x10];
	_ =	sdelay $0x4  }
0xcb: {  	[tilespmem:s14+$0x610] =	vst.add.f32.msk $0xffff, v3  }
0xcc: {  	v3 =	vld [tilespmem:s20+$0x20];
	_ =	sdelay $0x4  }
0xcd: {  	[tilespmem:s14+$0x620] =	vst.add.f32.msk $0xffff, v3  }
0xce: {  	v3 =	vld [tilespmem:s20+$0x30];
	_ =	sdelay $0x4  }
0xcf: {  	[tilespmem:s14+$0x630] =	vst.add.f32.msk $0xffff, v3  }
0xd0: {  	v3 =	vld [tilespmem:s20+$0x40];
	_ =	sdelay $0x4  }
0xd1: {  	[tilespmem:s14+$0x640] =	vst.add.f32.msk $0xffff, v3  }
0xd2: {  	v3 =	vld [tilespmem:s20+$0x50];
	_ =	sdelay $0x4  }
0xd3: {  	[tilespmem:s14+$0x650] =	vst.add.f32.msk $0xffff, v3  }
0xd4: {  	v3 =	vld [tilespmem:s20+$0x60];
	_ =	sdelay $0x4  }
0xd5: {  	[tilespmem:s14+$0x660] =	vst.add.f32.msk $0xffff, v3  }
0xd6: {  	v3 =	vld [tilespmem:s20+$0x70];
	_ =	sdelay $0x4  }
0xd7: {  	[tilespmem:s14+$0x670] =	vst.add.f32.msk $0xffff, v3  }
0xd8: {  	v3 =	vld [tilespmem:s16+$0x15A00];
	_ =	sdelay $0x4  }
0xd9: {  	s16 =	sadd.s32 $0x15A00, s16;
	[tilespmem:s14+$0xA00] =	vst.add.f32.msk $0xffff, v3  }
0xda: {  	v3 =	vld [tilespmem:s16+$0x10];
	_ =	sdelay $0x4  }
0xdb: {  	[tilespmem:s14+$0xA10] =	vst.add.f32.msk $0xffff, v3  }
0xdc: {  	v3 =	vld [tilespmem:s16+$0x20];
	_ =	sdelay $0x4  }
0xdd: {  	[tilespmem:s14+$0xA20] =	vst.add.f32.msk $0xffff, v3  }
0xde: {  	v3 =	vld [tilespmem:s16+$0x30];
	_ =	sdelay $0x4  }
0xdf: {  	[tilespmem:s14+$0xA30] =	vst.add.f32.msk $0xffff, v3  }
0xe0: {  	v3 =	vld [tilespmem:s16+$0x40];
	_ =	sdelay $0x4  }
0xe1: {  	[tilespmem:s14+$0xA40] =	vst.add.f32.msk $0xffff, v3  }
0xe2: {  	v3 =	vld [tilespmem:s16+$0x50];
	_ =	sdelay $0x4  }
0xe3: {  	[tilespmem:s14+$0xA50] =	vst.add.f32.msk $0xffff, v3  }
0xe4: {  	v3 =	vld [tilespmem:s16+$0x60];
	_ =	sdelay $0x4  }
0xe5: {  	[tilespmem:s14+$0xA60] =	vst.add.f32.msk $0xffff, v3  }
0xe6: {  	v3 =	vld [tilespmem:s16+$0x70]  }
0xe7: {  	s18 =	simm.s32 $0x0;
	s16 =	simm.s32 $0x2  }
.LBB2_5:
0xe8: {  	p1 =	sne.s32 s16, $0x31;
	s17 =	smul.u32 $0x3000, s18  }
0xe9: {  	s9 =	sadd.s32 $0x80, s9  }
0xea: {  	s19 =	sand.u32 $0x380, s9;
	s17 =	sshra.s32 s17, $0x2  }
0xeb: {  	s17 =	sor.u32 s19, s17;
	[tilespmem:s14+$0xA70] =	vst.add.f32.msk $0xffff, v3  }
0xec: {  	v3 =	vld [tilespmem:s17+$0x15200]  }
0xed: {  	s14 =	smul.u32 $0x6000, s18;
	_ =	sdelay $0x1  }
0xee: {  	s14 =	sshra.s32 s14, $0x2  }
0xef: {  	s14 =	sor.u32 s19, s14  }
0xf0: {  	s18 =	sadd.s32 $0x15200, s17;
	[tilespmem:s14+$0x200] =	vst.add.f32.msk $0xffff, v3  }
0xf1: {  	v3 =	vld [tilespmem:s18+$0x10];
	_ =	sdelay $0x4  }
0xf2: {  	[tilespmem:s14+$0x210] =	vst.add.f32.msk $0xffff, v3  }
0xf3: {  	v3 =	vld [tilespmem:s18+$0x20];
	_ =	sdelay $0x4  }
0xf4: {  	[tilespmem:s14+$0x220] =	vst.add.f32.msk $0xffff, v3  }
0xf5: {  	v3 =	vld [tilespmem:s18+$0x30];
	_ =	sdelay $0x4  }
0xf6: {  	[tilespmem:s14+$0x230] =	vst.add.f32.msk $0xffff, v3  }
0xf7: {  	v3 =	vld [tilespmem:s18+$0x40];
	_ =	sdelay $0x4  }
0xf8: {  	[tilespmem:s14+$0x240] =	vst.add.f32.msk $0xffff, v3  }
0xf9: {  	v3 =	vld [tilespmem:s18+$0x50];
	_ =	sdelay $0x4  }
0xfa: {  	[tilespmem:s14+$0x250] =	vst.add.f32.msk $0xffff, v3  }
0xfb: {  	v3 =	vld [tilespmem:s18+$0x60];
	_ =	sdelay $0x4  }
0xfc: {  	[tilespmem:s14+$0x260] =	vst.add.f32.msk $0xffff, v3  }
0xfd: {  	v3 =	vld [tilespmem:s18+$0x70];
	_ =	sdelay $0x4  }
0xfe: {  	[tilespmem:s14+$0x270] =	vst.add.f32.msk $0xffff, v3  }
0xff: {  	v3 =	vld [tilespmem:s17+$0x15600];
	_ =	sdelay $0x4  }
0x100: {  	s18 =	sadd.s32 $0x15600, s17;
	[tilespmem:s14+$0x600] =	vst.add.f32.msk $0xffff, v3  }
0x101: {  	v3 =	vld [tilespmem:s18+$0x10];
	_ =	sdelay $0x4  }
0x102: {  	[tilespmem:s14+$0x610] =	vst.add.f32.msk $0xffff, v3  }
0x103: {  	v3 =	vld [tilespmem:s18+$0x20];
	_ =	sdelay $0x4  }
0x104: {  	[tilespmem:s14+$0x620] =	vst.add.f32.msk $0xffff, v3  }
0x105: {  	v3 =	vld [tilespmem:s18+$0x30];
	_ =	sdelay $0x4  }
0x106: {  	[tilespmem:s14+$0x630] =	vst.add.f32.msk $0xffff, v3  }
0x107: {  	v3 =	vld [tilespmem:s18+$0x40];
	_ =	sdelay $0x4  }
0x108: {  	[tilespmem:s14+$0x640] =	vst.add.f32.msk $0xffff, v3  }
0x109: {  	v3 =	vld [tilespmem:s18+$0x50];
	_ =	sdelay $0x4  }
0x10a: {  	[tilespmem:s14+$0x650] =	vst.add.f32.msk $0xffff, v3  }
0x10b: {  	v3 =	vld [tilespmem:s18+$0x60];
	_ =	sdelay $0x4  }
0x10c: {  	[tilespmem:s14+$0x660] =	vst.add.f32.msk $0xffff, v3  }
0x10d: {  	v3 =	vld [tilespmem:s18+$0x70];
	_ =	sdelay $0x4  }
0x10e: {  	[tilespmem:s14+$0x670] =	vst.add.f32.msk $0xffff, v3  }
0x10f: {  	v3 =	vld [tilespmem:s17+$0x15A00];
	_ =	sdelay $0x4  }
0x110: {  	s17 =	sadd.s32 $0x15A00, s17;
	[tilespmem:s14+$0xA00] =	vst.add.f32.msk $0xffff, v3  }
0x111: {  	v3 =	vld [tilespmem:s17+$0x10];
	_ =	sdelay $0x4  }
0x112: {  	[tilespmem:s14+$0xA10] =	vst.add.f32.msk $0xffff, v3  }
0x113: {  	v3 =	vld [tilespmem:s17+$0x20];
	_ =	sdelay $0x4  }
0x114: {  	[tilespmem:s14+$0xA20] =	vst.add.f32.msk $0xffff, v3  }
0x115: {  	v3 =	vld [tilespmem:s17+$0x30];
	_ =	sdelay $0x4  }
0x116: {  	[tilespmem:s14+$0xA30] =	vst.add.f32.msk $0xffff, v3  }
0x117: {  	v3 =	vld [tilespmem:s17+$0x40];
	_ =	sdelay $0x4  }
0x118: {  	[tilespmem:s14+$0xA40] =	vst.add.f32.msk $0xffff, v3  }
0x119: {  	v3 =	vld [tilespmem:s17+$0x50];
	_ =	sdelay $0x4  }
0x11a: {  	[tilespmem:s14+$0xA50] =	vst.add.f32.msk $0xffff, v3  }
0x11b: {  	v3 =	vld [tilespmem:s17+$0x60];
	_ =	sdelay $0x2  }
.Ltmp3:
0x11c: {  	(pc) =	sbr.rel @p1 .LBB2_5-.Ltmp3, $4  }
0x11d: {  	_ = 	snop  }
0x11e: {  	[tilespmem:s14+$0xA60] =	vst.add.f32.msk $0xffff, v3  }
0x11f: {  	v3 =	vld [tilespmem:s17+$0x70]  }
0x120: {  	s18 =	sshrl.u32 s16, $0x3;
	s16 =	sadd.s32 $0x1, s16  }
0x121: {  	s16 =	smul.u32 $0x3000, s18  }
0x122: {  	s9 =	sadd.s32 $0x80, s9  }
0x123: {  	s9 =	sand.u32 $0x380, s9;
	s16 =	sshra.s32 s16, $0x2  }
0x124: {  	s16 =	sor.u32 s9, s16;
	[tilespmem:s14+$0xA70] =	vst.add.f32.msk $0xffff, v3  }
0x125: {  	v3 =	vld [tilespmem:s16+$0x15200]  }
0x126: {  	s20 =	smul.u32 $0x6000, s18;
	_ =	sdelay $0x1  }
0x127: {  	s14 =	sshra.s32 s20, $0x2  }
0x128: {  	s9 =	sor.u32 s9, s14  }
0x129: {  	s17 =	sadd.s32 $0x15200, s16;
	[tilespmem:s9+$0x200] =	vst.add.f32.msk $0xffff, v3  }
0x12a: {  	v3 =	vld [tilespmem:s17+$0x10];
	_ =	sdelay $0x4  }
0x12b: {  	[tilespmem:s9+$0x210] =	vst.add.f32.msk $0xffff, v3  }
0x12c: {  	v3 =	vld [tilespmem:s17+$0x20];
	_ =	sdelay $0x4  }
0x12d: {  	[tilespmem:s9+$0x220] =	vst.add.f32.msk $0xffff, v3  }
0x12e: {  	v3 =	vld [tilespmem:s17+$0x30];
	_ =	sdelay $0x4  }
0x12f: {  	[tilespmem:s9+$0x230] =	vst.add.f32.msk $0xffff, v3  }
0x130: {  	v3 =	vld [tilespmem:s17+$0x40];
	_ =	sdelay $0x4  }
0x131: {  	[tilespmem:s9+$0x240] =	vst.add.f32.msk $0xffff, v3  }
0x132: {  	v3 =	vld [tilespmem:s17+$0x50];
	_ =	sdelay $0x4  }
0x133: {  	[tilespmem:s9+$0x250] =	vst.add.f32.msk $0xffff, v3  }
0x134: {  	v3 =	vld [tilespmem:s17+$0x60];
	_ =	sdelay $0x4  }
0x135: {  	[tilespmem:s9+$0x260] =	vst.add.f32.msk $0xffff, v3  }
0x136: {  	v3 =	vld [tilespmem:s17+$0x70];
	_ =	sdelay $0x4  }
0x137: {  	[tilespmem:s9+$0x270] =	vst.add.f32.msk $0xffff, v3  }
0x138: {  	v3 =	vld [tilespmem:s16+$0x15600];
	_ =	sdelay $0x4  }
0x139: {  	s18 =	sadd.s32 $0x15600, s16;
	[tilespmem:s9+$0x600] =	vst.add.f32.msk $0xffff, v3  }
0x13a: {  	v3 =	vld [tilespmem:s18+$0x10];
	_ =	sdelay $0x4  }
0x13b: {  	[tilespmem:s9+$0x610] =	vst.add.f32.msk $0xffff, v3  }
0x13c: {  	v3 =	vld [tilespmem:s18+$0x20];
	_ =	sdelay $0x4  }
0x13d: {  	[tilespmem:s9+$0x620] =	vst.add.f32.msk $0xffff, v3  }
0x13e: {  	v3 =	vld [tilespmem:s18+$0x30];
	_ =	sdelay $0x4  }
0x13f: {  	[tilespmem:s9+$0x630] =	vst.add.f32.msk $0xffff, v3  }
0x140: {  	v3 =	vld [tilespmem:s18+$0x40];
	_ =	sdelay $0x4  }
0x141: {  	[tilespmem:s9+$0x640] =	vst.add.f32.msk $0xffff, v3  }
0x142: {  	v3 =	vld [tilespmem:s18+$0x50];
	_ =	sdelay $0x4  }
0x143: {  	[tilespmem:s9+$0x650] =	vst.add.f32.msk $0xffff, v3  }
0x144: {  	v3 =	vld [tilespmem:s18+$0x60];
	_ =	sdelay $0x4  }
0x145: {  	[tilespmem:s9+$0x660] =	vst.add.f32.msk $0xffff, v3  }
0x146: {  	v3 =	vld [tilespmem:s18+$0x70];
	_ =	sdelay $0x4  }
0x147: {  	[tilespmem:s9+$0x670] =	vst.add.f32.msk $0xffff, v3  }
0x148: {  	v3 =	vld [tilespmem:s16+$0x15A00];
	_ =	sdelay $0x4  }
0x149: {  	s19 =	sadd.s32 $0x15A00, s16;
	[tilespmem:s9+$0xA00] =	vst.add.f32.msk $0xffff, v3  }
0x14a: {  	v3 =	vld [tilespmem:s19+$0x10];
	_ =	sdelay $0x4  }
0x14b: {  	[tilespmem:s9+$0xA10] =	vst.add.f32.msk $0xffff, v3  }
0x14c: {  	v3 =	vld [tilespmem:s19+$0x20];
	_ =	sdelay $0x4  }
0x14d: {  	[tilespmem:s9+$0xA20] =	vst.add.f32.msk $0xffff, v3  }
0x14e: {  	v3 =	vld [tilespmem:s19+$0x30];
	_ =	sdelay $0x4  }
0x14f: {  	[tilespmem:s9+$0xA30] =	vst.add.f32.msk $0xffff, v3  }
0x150: {  	v3 =	vld [tilespmem:s19+$0x40];
	_ =	sdelay $0x4  }
0x151: {  	[tilespmem:s9+$0xA40] =	vst.add.f32.msk $0xffff, v3  }
0x152: {  	v3 =	vld [tilespmem:s19+$0x50];
	_ =	sdelay $0x4  }
0x153: {  	[tilespmem:s9+$0xA50] =	vst.add.f32.msk $0xffff, v3  }
0x154: {  	v3 =	vld [tilespmem:s19+$0x60];
	_ =	sdelay $0x4  }
0x155: {  	[tilespmem:s9+$0xA60] =	vst.add.f32.msk $0xffff, v3  }
0x156: {  	v3 =	vld [tilespmem:s19+$0x70];
	_ =	sdelay $0x3  }
0x157: {  	s11 =	sshll.u32 s11, $0x7  }
0x158: {  	s11 =	sand.u32 $0x180, s11;
	[tilespmem:s9+$0xA70] =	vst.add.f32.msk $0xffff, v3  }
0x159: {  	v3 =	vld [tilespmem:s11+$0x0];
	_ =	sdelay $0x4  }
0x15a: {  	v4 =	vshrl.u32 v3, $0x3  }
0x15b: {  	v4 =	vmul.u32 $0x18, v4  }
0x15c: {  	v3 =	vand.u32 $0x7, v3  }
0x15d: {  	v3 =	vor.u32 v3, v4  }
0x15e: {  	v4 =	vperm.xlane v3, v0;
	_ =	sdelay $0x1  }
0x15f: {  	v4 =	vadd.s32 v1, v4;
	_ =	sdelay $0x1  }
0x160: {  	v3 =	vperm.xlane v3, v2;
	_ =	sdelay $0x1  }
0x161: {  	s20 =	simm.s32 $0x15200;
	s9 =	simm.s32 $0x0;
	v3 =	vadd.s32 v1, v3  }
0x162: {  	[tilespmem:s20], [sflag:$0x7] =	stream.indirect_vreg.gather [hbm4b:s1+s9], $0x80, v4, vm0, $0xb8;
	[tilespmem:$0x1FA00] =	vst v63  }
0x163: {  	s16 =	simm.s32 $0x15A00  }
0x164: {  	[tilespmem:s16], [sflag:$0x7] =	stream.indirect_vreg.gather [hbm4b:s12+s9], $0x80, v4, vm1, $0xb8;
	[tilespmem:$0x1FA00] =	vst v63  }
0x165: {  	s17 =	simm.s32 $0x15E00  }
0x166: {  	[tilespmem:s17], [sflag:$0x7] =	stream.indirect_vreg.gather [hbm4b:s1+s9], $0x80, v3, vm0, $0xb8;
	[tilespmem:$0x1FA00] =	vst v63  }
0x167: {  	s18 =	simm.s32 $0x16600  }
0x168: {  	[tilespmem:s18], [sflag:$0x7] =	stream.indirect_vreg.gather [hbm4b:s12+s9], $0x80, v3, vm1, $0xb8;
	[tilespmem:$0x1FA00] =	vst v63  }
0x169: {  	v3 =	vld [tilespmem:s11+$0x10];
	_ =	sdelay $0x4  }
0x16a: {  	v4 =	vshrl.u32 v3, $0x3  }
0x16b: {  	v4 =	vmul.u32 $0x18, v4  }
0x16c: {  	v3 =	vand.u32 $0x7, v3  }
0x16d: {  	v3 =	vor.u32 v3, v4  }
0x16e: {  	v4 =	vperm.xlane v3, v0;
	_ =	sdelay $0x1  }
0x16f: {  	v4 =	vadd.s32 v1, v4;
	_ =	sdelay $0x1  }
0x170: {  	v3 =	vperm.xlane v3, v2;
	_ =	sdelay $0x1  }
0x171: {  	s19 =	simm.s32 $0x16A00;
	v3 =	vadd.s32 v1, v3  }
0x172: {  	[tilespmem:s19], [sflag:$0x7] =	stream.indirect_vreg.gather [hbm4b:s1+s9], $0x80, v4, vm0, $0xb8;
	[tilespmem:$0x1FA00] =	vst v63  }
0x173: {  	s20 =	simm.s32 $0x17200  }
0x174: {  	[tilespmem:s20], [sflag:$0x7] =	stream.indirect_vreg.gather [hbm4b:s12+s9], $0x80, v4, vm1, $0xb8;
	[tilespmem:$0x1FA00] =	vst v63  }
0x175: {  	s16 =	simm.s32 $0x17600  }
0x176: {  	[tilespmem:s16], [sflag:$0x7] =	stream.indirect_vreg.gather [hbm4b:s1+s9], $0x80, v3, vm0, $0xb8;
	[tilespmem:$0x1FA00] =	vst v63  }
0x177: {  	s17 =	simm.s32 $0x17E00  }
0x178: {  	[tilespmem:s17], [sflag:$0x7] =	stream.indirect_vreg.gather [hbm4b:s12+s9], $0x80, v3, vm1, $0xb8;
	[tilespmem:$0x1FA00] =	vst v63  }
0x179: {  	v3 =	vld [tilespmem:s11+$0x20];
	_ =	sdelay $0x4  }
0x17a: {  	v4 =	vshrl.u32 v3, $0x3  }
0x17b: {  	v4 =	vmul.u32 $0x18, v4  }
0x17c: {  	v3 =	vand.u32 $0x7, v3  }
0x17d: {  	v3 =	vor.u32 v3, v4  }
0x17e: {  	v4 =	vperm.xlane v3, v0;
	_ =	sdelay $0x1  }
0x17f: {  	v4 =	vadd.s32 v1, v4;
	_ =	sdelay $0x1  }
0x180: {  	v3 =	vperm.xlane v3, v2;
	_ =	sdelay $0x1  }
0x181: {  	s18 =	simm.s32 $0x18200;
	v3 =	vadd.s32 v1, v3  }
0x182: {  	[tilespmem:s18], [sflag:$0x7] =	stream.indirect_vreg.gather [hbm4b:s1+s9], $0x80, v4, vm0, $0xb8;
	[tilespmem:$0x1FA00] =	vst v63  }
0x183: {  	s19 =	simm.s32 $0x18A00  }
0x184: {  	[tilespmem:s19], [sflag:$0x7] =	stream.indirect_vreg.gather [hbm4b:s12+s9], $0x80, v4, vm1, $0xb8;
	[tilespmem:$0x1FA00] =	vst v63  }
0x185: {  	s20 =	simm.s32 $0x18E00  }
0x186: {  	[tilespmem:s20], [sflag:$0x7] =	stream.indirect_vreg.gather [hbm4b:s1+s9], $0x80, v3, vm0, $0xb8;
	[tilespmem:$0x1FA00] =	vst v63  }
0x187: {  	s14 =	sor.u32 $0x30, s11;
	s16 =	simm.s32 $0x19600  }
0x188: {  	[tilespmem:s16], [sflag:$0x7] =	stream.indirect_vreg.gather [hbm4b:s12+s9], $0x80, v3, vm1, $0xb8;
	[tilespmem:$0x1FA00] =	vst v63  }
0x189: {  	v3 =	vld.msk [tilespmem:s14+$0x0], $0xff;
	_ =	sdelay $0x4  }
0x18a: {  	v4 =	vshrl.u32 v3, $0x3  }
0x18b: {  	v4 =	vmul.u32 $0x18, v4  }
0x18c: {  	v3 =	vand.u32 $0x7, v3  }
0x18d: {  	v3 =	vor.u32 v3, v4  }
0x18e: {  	v3 =	vperm.xlane v3, v0;
	_ =	sdelay $0x1  }
0x18f: {  	v3 =	vadd.s32 v1, v3;
	_ =	sdelay $0x3  }
0x190: {  	s17 =	simm.s32 $0x19A00;
	s19 =	simm.s32 $0x0  }
0x191: {  	[tilespmem:s17], [sflag:$0x7] =	stream.indirect_vreg.gather [hbm4b:s1+s9], $0x80, v3, vm0, $0xb8;
	[tilespmem:$0x1FA00] =	vst v63  }
0x192: {  	s18 =	simm.s32 $0x1A200;
	s17 =	smul.u32 $0x3000, s19  }
0x193: {  	[tilespmem:s18], [sflag:$0x7] =	stream.indirect_vreg.gather [hbm4b:s12+s9], $0x80, v3, vm1, $0xb8;
	[tilespmem:$0x1FA00] =	vst v63  }
0x194: {  	_ =	swait.ge [sflag:s28], $0x5400  }
0x195: {  	s20 =	sand.u32 $0x380, s9;
	s17 =	sshra.s32 s17, $0x2;
	[sflag:s28] =	ssyncset.done $0x0  }
0x196: {  	s17 =	sor.u32 s20, s17;
	[sflag:s28] =	ssyncadd.s32 $0xFFFFAC00  }
0x197: {  	v3 =	vld [tilespmem:s17+$0x1A600]  }
0x198: {  	s16 =	smul.u32 $0x6000, s19;
	_ =	sdelay $0x1  }
0x199: {  	s16 =	sshra.s32 s16, $0x2  }
0x19a: {  	s16 =	sor.u32 s20, s16  }
0x19b: {  	s19 =	sadd.s32 $0x1A600, s17;
	[tilespmem:s16+$0xE00] =	vst.add.f32.msk $0xffff, v3  }
0x19c: {  	v3 =	vld [tilespmem:s19+$0x10];
	_ =	sdelay $0x4  }
0x19d: {  	[tilespmem:s16+$0xE10] =	vst.add.f32.msk $0xffff, v3  }
0x19e: {  	v3 =	vld [tilespmem:s19+$0x20];
	_ =	sdelay $0x4  }
0x19f: {  	[tilespmem:s16+$0xE20] =	vst.add.f32.msk $0xffff, v3  }
0x1a0: {  	v3 =	vld [tilespmem:s19+$0x30];
	_ =	sdelay $0x4  }
0x1a1: {  	[tilespmem:s16+$0xE30] =	vst.add.f32.msk $0xffff, v3  }
0x1a2: {  	v3 =	vld [tilespmem:s19+$0x40];
	_ =	sdelay $0x4  }
0x1a3: {  	[tilespmem:s16+$0xE40] =	vst.add.f32.msk $0xffff, v3  }
0x1a4: {  	v3 =	vld [tilespmem:s19+$0x50];
	_ =	sdelay $0x4  }
0x1a5: {  	[tilespmem:s16+$0xE50] =	vst.add.f32.msk $0xffff, v3  }
0x1a6: {  	v3 =	vld [tilespmem:s19+$0x60];
	_ =	sdelay $0x4  }
0x1a7: {  	[tilespmem:s16+$0xE60] =	vst.add.f32.msk $0xffff, v3  }
0x1a8: {  	v3 =	vld [tilespmem:s19+$0x70];
	_ =	sdelay $0x4  }
0x1a9: {  	[tilespmem:s16+$0xE70] =	vst.add.f32.msk $0xffff, v3  }
0x1aa: {  	v3 =	vld [tilespmem:s17+$0x1AA00];
	_ =	sdelay $0x4  }
0x1ab: {  	s20 =	sadd.s32 $0x1AA00, s17;
	[tilespmem:s16+$0x1200] =	vst.add.f32.msk $0xffff, v3  }
0x1ac: {  	v3 =	vld [tilespmem:s20+$0x10];
	_ =	sdelay $0x4  }
0x1ad: {  	[tilespmem:s16+$0x1210] =	vst.add.f32.msk $0xffff, v3  }
0x1ae: {  	v3 =	vld [tilespmem:s20+$0x20];
	_ =	sdelay $0x4  }
0x1af: {  	[tilespmem:s16+$0x1220] =	vst.add.f32.msk $0xffff, v3  }
0x1b0: {  	v3 =	vld [tilespmem:s20+$0x30];
	_ =	sdelay $0x4  }
0x1b1: {  	[tilespmem:s16+$0x1230] =	vst.add.f32.msk $0xffff, v3  }
0x1b2: {  	v3 =	vld [tilespmem:s20+$0x40];
	_ =	sdelay $0x4  }
0x1b3: {  	[tilespmem:s16+$0x1240] =	vst.add.f32.msk $0xffff, v3  }
0x1b4: {  	v3 =	vld [tilespmem:s20+$0x50];
	_ =	sdelay $0x4  }
0x1b5: {  	[tilespmem:s16+$0x1250] =	vst.add.f32.msk $0xffff, v3  }
0x1b6: {  	v3 =	vld [tilespmem:s20+$0x60];
	_ =	sdelay $0x4  }
0x1b7: {  	[tilespmem:s16+$0x1260] =	vst.add.f32.msk $0xffff, v3  }
0x1b8: {  	v3 =	vld [tilespmem:s20+$0x70];
	_ =	sdelay $0x4  }
0x1b9: {  	[tilespmem:s16+$0x1270] =	vst.add.f32.msk $0xffff, v3  }
0x1ba: {  	v3 =	vld [tilespmem:s17+$0x1AE00];
	_ =	sdelay $0x4  }
0x1bb: {  	s17 =	sadd.s32 $0x1AE00, s17;
	[tilespmem:s16+$0x1600] =	vst.add.f32.msk $0xffff, v3  }
0x1bc: {  	v3 =	vld [tilespmem:s17+$0x10];
	_ =	sdelay $0x4  }
0x1bd: {  	[tilespmem:s16+$0x1610] =	vst.add.f32.msk $0xffff, v3  }
0x1be: {  	v3 =	vld [tilespmem:s17+$0x20];
	_ =	sdelay $0x4  }
0x1bf: {  	[tilespmem:s16+$0x1620] =	vst.add.f32.msk $0xffff, v3  }
0x1c0: {  	v3 =	vld [tilespmem:s17+$0x30];
	_ =	sdelay $0x4  }
0x1c1: {  	[tilespmem:s16+$0x1630] =	vst.add.f32.msk $0xffff, v3  }
0x1c2: {  	v3 =	vld [tilespmem:s17+$0x40];
	_ =	sdelay $0x4  }
0x1c3: {  	[tilespmem:s16+$0x1640] =	vst.add.f32.msk $0xffff, v3  }
0x1c4: {  	v3 =	vld [tilespmem:s17+$0x50];
	_ =	sdelay $0x4  }
0x1c5: {  	[tilespmem:s16+$0x1650] =	vst.add.f32.msk $0xffff, v3  }
0x1c6: {  	v3 =	vld [tilespmem:s17+$0x60];
	_ =	sdelay $0x4  }
0x1c7: {  	[tilespmem:s16+$0x1660] =	vst.add.f32.msk $0xffff, v3  }
0x1c8: {  	v3 =	vld [tilespmem:s17+$0x70]  }
0x1c9: {  	s19 =	simm.s32 $0x0;
	s17 =	simm.s32 $0x2  }
.LBB2_7:
0x1ca: {  	p1 =	sne.s32 s17, $0x31;
	s18 =	smul.u32 $0x3000, s19  }
0x1cb: {  	s9 =	sadd.s32 $0x80, s9  }
0x1cc: {  	s20 =	sand.u32 $0x380, s9;
	s18 =	sshra.s32 s18, $0x2  }
0x1cd: {  	s18 =	sor.u32 s20, s18;
	[tilespmem:s16+$0x1670] =	vst.add.f32.msk $0xffff, v3  }
0x1ce: {  	v3 =	vld [tilespmem:s18+$0x1A600]  }
0x1cf: {  	s16 =	smul.u32 $0x6000, s19;
	_ =	sdelay $0x1  }
0x1d0: {  	s16 =	sshra.s32 s16, $0x2  }
0x1d1: {  	s16 =	sor.u32 s20, s16  }
0x1d2: {  	s19 =	sadd.s32 $0x1A600, s18;
	[tilespmem:s16+$0xE00] =	vst.add.f32.msk $0xffff, v3  }
0x1d3: {  	v3 =	vld [tilespmem:s19+$0x10];
	_ =	sdelay $0x4  }
0x1d4: {  	[tilespmem:s16+$0xE10] =	vst.add.f32.msk $0xffff, v3  }
0x1d5: {  	v3 =	vld [tilespmem:s19+$0x20];
	_ =	sdelay $0x4  }
0x1d6: {  	[tilespmem:s16+$0xE20] =	vst.add.f32.msk $0xffff, v3  }
0x1d7: {  	v3 =	vld [tilespmem:s19+$0x30];
	_ =	sdelay $0x4  }
0x1d8: {  	[tilespmem:s16+$0xE30] =	vst.add.f32.msk $0xffff, v3  }
0x1d9: {  	v3 =	vld [tilespmem:s19+$0x40];
	_ =	sdelay $0x4  }
0x1da: {  	[tilespmem:s16+$0xE40] =	vst.add.f32.msk $0xffff, v3  }
0x1db: {  	v3 =	vld [tilespmem:s19+$0x50];
	_ =	sdelay $0x4  }
0x1dc: {  	[tilespmem:s16+$0xE50] =	vst.add.f32.msk $0xffff, v3  }
0x1dd: {  	v3 =	vld [tilespmem:s19+$0x60];
	_ =	sdelay $0x4  }
0x1de: {  	[tilespmem:s16+$0xE60] =	vst.add.f32.msk $0xffff, v3  }
0x1df: {  	v3 =	vld [tilespmem:s19+$0x70];
	_ =	sdelay $0x4  }
0x1e0: {  	[tilespmem:s16+$0xE70] =	vst.add.f32.msk $0xffff, v3  }
0x1e1: {  	v3 =	vld [tilespmem:s18+$0x1AA00];
	_ =	sdelay $0x4  }
0x1e2: {  	s19 =	sadd.s32 $0x1AA00, s18;
	[tilespmem:s16+$0x1200] =	vst.add.f32.msk $0xffff, v3  }
0x1e3: {  	v3 =	vld [tilespmem:s19+$0x10];
	_ =	sdelay $0x4  }
0x1e4: {  	[tilespmem:s16+$0x1210] =	vst.add.f32.msk $0xffff, v3  }
0x1e5: {  	v3 =	vld [tilespmem:s19+$0x20];
	_ =	sdelay $0x4  }
0x1e6: {  	[tilespmem:s16+$0x1220] =	vst.add.f32.msk $0xffff, v3  }
0x1e7: {  	v3 =	vld [tilespmem:s19+$0x30];
	_ =	sdelay $0x4  }
0x1e8: {  	[tilespmem:s16+$0x1230] =	vst.add.f32.msk $0xffff, v3  }
0x1e9: {  	v3 =	vld [tilespmem:s19+$0x40];
	_ =	sdelay $0x4  }
0x1ea: {  	[tilespmem:s16+$0x1240] =	vst.add.f32.msk $0xffff, v3  }
0x1eb: {  	v3 =	vld [tilespmem:s19+$0x50];
	_ =	sdelay $0x4  }
0x1ec: {  	[tilespmem:s16+$0x1250] =	vst.add.f32.msk $0xffff, v3  }
0x1ed: {  	v3 =	vld [tilespmem:s19+$0x60];
	_ =	sdelay $0x4  }
0x1ee: {  	[tilespmem:s16+$0x1260] =	vst.add.f32.msk $0xffff, v3  }
0x1ef: {  	v3 =	vld [tilespmem:s19+$0x70];
	_ =	sdelay $0x4  }
0x1f0: {  	[tilespmem:s16+$0x1270] =	vst.add.f32.msk $0xffff, v3  }
0x1f1: {  	v3 =	vld [tilespmem:s18+$0x1AE00];
	_ =	sdelay $0x4  }
0x1f2: {  	s18 =	sadd.s32 $0x1AE00, s18;
	[tilespmem:s16+$0x1600] =	vst.add.f32.msk $0xffff, v3  }
0x1f3: {  	v3 =	vld [tilespmem:s18+$0x10];
	_ =	sdelay $0x4  }
0x1f4: {  	[tilespmem:s16+$0x1610] =	vst.add.f32.msk $0xffff, v3  }
0x1f5: {  	v3 =	vld [tilespmem:s18+$0x20];
	_ =	sdelay $0x4  }
0x1f6: {  	[tilespmem:s16+$0x1620] =	vst.add.f32.msk $0xffff, v3  }
0x1f7: {  	v3 =	vld [tilespmem:s18+$0x30];
	_ =	sdelay $0x4  }
0x1f8: {  	[tilespmem:s16+$0x1630] =	vst.add.f32.msk $0xffff, v3  }
0x1f9: {  	v3 =	vld [tilespmem:s18+$0x40];
	_ =	sdelay $0x4  }
0x1fa: {  	[tilespmem:s16+$0x1640] =	vst.add.f32.msk $0xffff, v3  }
0x1fb: {  	v3 =	vld [tilespmem:s18+$0x50];
	_ =	sdelay $0x4  }
0x1fc: {  	[tilespmem:s16+$0x1650] =	vst.add.f32.msk $0xffff, v3  }
0x1fd: {  	v3 =	vld [tilespmem:s18+$0x60];
	_ =	sdelay $0x2  }
.Ltmp4:
0x1fe: {  	(pc) =	sbr.rel @p1 .LBB2_7-.Ltmp4, $4  }
0x1ff: {  	_ = 	snop  }
0x200: {  	[tilespmem:s16+$0x1660] =	vst.add.f32.msk $0xffff, v3  }
0x201: {  	v3 =	vld [tilespmem:s18+$0x70]  }
0x202: {  	s19 =	sshrl.u32 s17, $0x3;
	s17 =	sadd.s32 $0x1, s17  }
0x203: {  	s17 =	smul.u32 $0x3000, s19  }
0x204: {  	s9 =	sadd.s32 $0x80, s9  }
0x205: {  	s9 =	sand.u32 $0x380, s9;
	s17 =	sshra.s32 s17, $0x2  }
0x206: {  	[tilespmem:s16+$0x1670] =	vst.add.f32.msk $0xffff, v3;
	s16 =	sor.u32 s9, s17  }
0x207: {  	v3 =	vld [tilespmem:s16+$0x1A600]  }
0x208: {  	s18 =	smul.u32 $0x6000, s19;
	_ =	sdelay $0x1  }
0x209: {  	s17 =	sshra.s32 s18, $0x2  }
0x20a: {  	s9 =	sor.u32 s9, s17  }
0x20b: {  	s19 =	sadd.s32 $0x1A600, s16;
	[tilespmem:s9+$0xE00] =	vst.add.f32.msk $0xffff, v3  }
0x20c: {  	v3 =	vld [tilespmem:s19+$0x10];
	_ =	sdelay $0x4  }
0x20d: {  	[tilespmem:s9+$0xE10] =	vst.add.f32.msk $0xffff, v3  }
0x20e: {  	v3 =	vld [tilespmem:s19+$0x20];
	_ =	sdelay $0x4  }
0x20f: {  	[tilespmem:s9+$0xE20] =	vst.add.f32.msk $0xffff, v3  }
0x210: {  	v3 =	vld [tilespmem:s19+$0x30];
	_ =	sdelay $0x4  }
0x211: {  	[tilespmem:s9+$0xE30] =	vst.add.f32.msk $0xffff, v3  }
0x212: {  	v3 =	vld [tilespmem:s19+$0x40];
	_ =	sdelay $0x4  }
0x213: {  	[tilespmem:s9+$0xE40] =	vst.add.f32.msk $0xffff, v3  }
0x214: {  	v3 =	vld [tilespmem:s19+$0x50];
	_ =	sdelay $0x4  }
0x215: {  	[tilespmem:s9+$0xE50] =	vst.add.f32.msk $0xffff, v3  }
0x216: {  	v3 =	vld [tilespmem:s19+$0x60];
	_ =	sdelay $0x4  }
0x217: {  	[tilespmem:s9+$0xE60] =	vst.add.f32.msk $0xffff, v3  }
0x218: {  	v3 =	vld [tilespmem:s19+$0x70];
	_ =	sdelay $0x4  }
0x219: {  	[tilespmem:s9+$0xE70] =	vst.add.f32.msk $0xffff, v3  }
0x21a: {  	v3 =	vld [tilespmem:s16+$0x1AA00];
	_ =	sdelay $0x4  }
0x21b: {  	s20 =	sadd.s32 $0x1AA00, s16;
	[tilespmem:s9+$0x1200] =	vst.add.f32.msk $0xffff, v3  }
0x21c: {  	v3 =	vld [tilespmem:s20+$0x10];
	_ =	sdelay $0x4  }
0x21d: {  	[tilespmem:s9+$0x1210] =	vst.add.f32.msk $0xffff, v3  }
0x21e: {  	v3 =	vld [tilespmem:s20+$0x20];
	_ =	sdelay $0x4  }
0x21f: {  	[tilespmem:s9+$0x1220] =	vst.add.f32.msk $0xffff, v3  }
0x220: {  	v3 =	vld [tilespmem:s20+$0x30];
	_ =	sdelay $0x4  }
0x221: {  	[tilespmem:s9+$0x1230] =	vst.add.f32.msk $0xffff, v3  }
0x222: {  	v3 =	vld [tilespmem:s20+$0x40];
	_ =	sdelay $0x4  }
0x223: {  	[tilespmem:s9+$0x1240] =	vst.add.f32.msk $0xffff, v3  }
0x224: {  	v3 =	vld [tilespmem:s20+$0x50];
	_ =	sdelay $0x4  }
0x225: {  	[tilespmem:s9+$0x1250] =	vst.add.f32.msk $0xffff, v3  }
0x226: {  	v3 =	vld [tilespmem:s20+$0x60];
	_ =	sdelay $0x4  }
0x227: {  	[tilespmem:s9+$0x1260] =	vst.add.f32.msk $0xffff, v3  }
0x228: {  	v3 =	vld [tilespmem:s20+$0x70];
	_ =	sdelay $0x4  }
0x229: {  	[tilespmem:s9+$0x1270] =	vst.add.f32.msk $0xffff, v3  }
0x22a: {  	v3 =	vld [tilespmem:s16+$0x1AE00];
	_ =	sdelay $0x4  }
0x22b: {  	s16 =	sadd.s32 $0x1AE00, s16;
	[tilespmem:s9+$0x1600] =	vst.add.f32.msk $0xffff, v3  }
0x22c: {  	v3 =	vld [tilespmem:s16+$0x10];
	_ =	sdelay $0x4  }
0x22d: {  	[tilespmem:s9+$0x1610] =	vst.add.f32.msk $0xffff, v3  }
0x22e: {  	v3 =	vld [tilespmem:s16+$0x20];
	_ =	sdelay $0x4  }
0x22f: {  	[tilespmem:s9+$0x1620] =	vst.add.f32.msk $0xffff, v3  }
0x230: {  	v3 =	vld [tilespmem:s16+$0x30];
	_ =	sdelay $0x4  }
0x231: {  	[tilespmem:s9+$0x1630] =	vst.add.f32.msk $0xffff, v3  }
0x232: {  	v3 =	vld [tilespmem:s16+$0x40];
	_ =	sdelay $0x4  }
0x233: {  	[tilespmem:s9+$0x1640] =	vst.add.f32.msk $0xffff, v3  }
0x234: {  	v3 =	vld [tilespmem:s16+$0x50];
	_ =	sdelay $0x4  }
0x235: {  	[tilespmem:s9+$0x1650] =	vst.add.f32.msk $0xffff, v3  }
0x236: {  	v3 =	vld [tilespmem:s16+$0x60];
	_ =	sdelay $0x4  }
0x237: {  	[tilespmem:s9+$0x1660] =	vst.add.f32.msk $0xffff, v3  }
0x238: {  	v3 =	vld [tilespmem:s16+$0x70];
	_ =	sdelay $0x4  }
0x239: {  	[tilespmem:s9+$0x1670] =	vst.add.f32.msk $0xffff, v3  }
0x23a: {  	v3 =	vld [tilespmem:s11+$0x0];
	_ =	sdelay $0x4  }
0x23b: {  	v4 =	vshrl.u32 v3, $0x3  }
0x23c: {  	v4 =	vmul.u32 $0x18, v4  }
0x23d: {  	v3 =	vand.u32 $0x7, v3  }
0x23e: {  	v3 =	vor.u32 v3, v4  }
0x23f: {  	v4 =	vperm.xlane v3, v0;
	_ =	sdelay $0x1  }
0x240: {  	v4 =	vadd.s32 v1, v4;
	_ =	sdelay $0x1  }
0x241: {  	v3 =	vperm.xlane v3, v2;
	_ =	sdelay $0x1  }
0x242: {  	s18 =	simm.s32 $0x1A600;
	v3 =	vadd.s32 v1, v3  }
0x243: {  	[tilespmem:s18], [sflag:$0x8] =	stream.indirect_vreg.gather [hbm4b:s6+s3], $0x80, v4, vm0, $0xb8;
	[tilespmem:$0x1FA00] =	vst v63  }
0x244: {  	s19 =	simm.s32 $0x1AE00  }
0x245: {  	[tilespmem:s19], [sflag:$0x8] =	stream.indirect_vreg.gather [hbm4b:s13+s3], $0x80, v4, vm1, $0xb8;
	[tilespmem:$0x1FA00] =	vst v63  }
0x246: {  	s20 =	simm.s32 $0x1B200  }
0x247: {  	[tilespmem:s20], [sflag:$0x8] =	stream.indirect_vreg.gather [hbm4b:s6+s3], $0x80, v3, vm0, $0xb8;
	[tilespmem:$0x1FA00] =	vst v63  }
0x248: {  	s17 =	simm.s32 $0x1BA00  }
0x249: {  	[tilespmem:s17], [sflag:$0x8] =	stream.indirect_vreg.gather [hbm4b:s13+s3], $0x80, v3, vm1, $0xb8;
	[tilespmem:$0x1FA00] =	vst v63  }
0x24a: {  	v3 =	vld [tilespmem:s11+$0x10];
	_ =	sdelay $0x4  }
0x24b: {  	v4 =	vshrl.u32 v3, $0x3  }
0x24c: {  	v4 =	vmul.u32 $0x18, v4  }
0x24d: {  	v3 =	vand.u32 $0x7, v3  }
0x24e: {  	v3 =	vor.u32 v3, v4  }
0x24f: {  	v4 =	vperm.xlane v3, v0;
	_ =	sdelay $0x1  }
0x250: {  	v4 =	vadd.s32 v1, v4;
	_ =	sdelay $0x1  }
0x251: {  	v3 =	vperm.xlane v3, v2;
	_ =	sdelay $0x1  }
0x252: {  	s16 =	simm.s32 $0x1BE00;
	v3 =	vadd.s32 v1, v3  }
0x253: {  	[tilespmem:s16], [sflag:$0x8] =	stream.indirect_vreg.gather [hbm4b:s6+s3], $0x80, v4, vm0, $0xb8;
	[tilespmem:$0x1FA00] =	vst v63  }
0x254: {  	s17 =	simm.s32 $0x1C600  }
0x255: {  	[tilespmem:s17], [sflag:$0x8] =	stream.indirect_vreg.gather [hbm4b:s13+s3], $0x80, v4, vm1, $0xb8;
	[tilespmem:$0x1FA00] =	vst v63  }
0x256: {  	s16 =	simm.s32 $0x1CA00  }
0x257: {  	[tilespmem:s16], [sflag:$0x8] =	stream.indirect_vreg.gather [hbm4b:s6+s3], $0x80, v3, vm0, $0xb8;
	[tilespmem:$0x1FA00] =	vst v63  }
0x258: {  	s17 =	simm.s32 $0x1D200  }
0x259: {  	[tilespmem:s17], [sflag:$0x8] =	stream.indirect_vreg.gather [hbm4b:s13+s3], $0x80, v3, vm1, $0xb8;
	[tilespmem:$0x1FA00] =	vst v63  }
0x25a: {  	v3 =	vld [tilespmem:s11+$0x20];
	_ =	sdelay $0x4  }
0x25b: {  	v4 =	vshrl.u32 v3, $0x3  }
0x25c: {  	v4 =	vmul.u32 $0x18, v4  }
0x25d: {  	v3 =	vand.u32 $0x7, v3  }
0x25e: {  	v3 =	vor.u32 v3, v4  }
0x25f: {  	v4 =	vperm.xlane v3, v0;
	_ =	sdelay $0x1  }
0x260: {  	v4 =	vadd.s32 v1, v4;
	_ =	sdelay $0x1  }
0x261: {  	v3 =	vperm.xlane v3, v2;
	_ =	sdelay $0x1  }
0x262: {  	s16 =	simm.s32 $0x1D600;
	v3 =	vadd.s32 v1, v3  }
0x263: {  	[tilespmem:s16], [sflag:$0x8] =	stream.indirect_vreg.gather [hbm4b:s6+s3], $0x80, v4, vm0, $0xb8;
	[tilespmem:$0x1FA00] =	vst v63  }
0x264: {  	s17 =	simm.s32 $0x1DE00  }
0x265: {  	[tilespmem:s17], [sflag:$0x8] =	stream.indirect_vreg.gather [hbm4b:s13+s3], $0x80, v4, vm1, $0xb8;
	[tilespmem:$0x1FA00] =	vst v63  }
0x266: {  	s11 =	simm.s32 $0x1E200  }
0x267: {  	[tilespmem:s11], [sflag:$0x8] =	stream.indirect_vreg.gather [hbm4b:s6+s3], $0x80, v3, vm0, $0xb8;
	[tilespmem:$0x1FA00] =	vst v63  }
0x268: {  	_ = 	snop  }
0x269: {  	[tilespmem:s21], [sflag:$0x8] =	stream.indirect_vreg.gather [hbm4b:s13+s3], $0x80, v3, vm1, $0xb8;
	[tilespmem:$0x1FA00] =	vst v63  }
0x26a: {  	v3 =	vld.msk [tilespmem:s14+$0x0], $0xff;
	_ =	sdelay $0x4  }
0x26b: {  	v4 =	vshrl.u32 v3, $0x3  }
0x26c: {  	v4 =	vmul.u32 $0x18, v4  }
0x26d: {  	v3 =	vand.u32 $0x7, v3  }
0x26e: {  	v3 =	vor.u32 v3, v4  }
0x26f: {  	v3 =	vperm.xlane v3, v0;
	_ =	sdelay $0x1  }
0x270: {  	v3 =	vadd.s32 v1, v3;
	_ =	sdelay $0x3  }
0x271: {  	s16 =	sadd.s32 s8, s15  }
0x272: {  	[tilespmem:s22], [sflag:$0x8] =	stream.indirect_vreg.gather [hbm4b:s6+s3], $0x80, v3, vm0, $0xb8;
	[tilespmem:$0x1FA00] =	vst v63  }
0x273: {  	s9 =	smul.u32 $0x1500, s16  }
0x274: {  	[tilespmem:s23], [sflag:$0x8] =	stream.indirect_vreg.gather [hbm4b:s13+s3], $0x80, v3, vm1, $0xb8;
	[tilespmem:$0x1FA00] =	vst v63  }
0x275: {  	s17 =	simm.s32 $0x200;
	s9 =	sadd.s32 s7, s9  }
0x276: {  	[hbm4b:s9+s3] =	stream.linear.scatter [tilespmem:s17], [sflag:$0x9], $0xA800, $0x38;
	[tilespmem:$0x1FA00] =	vst v63  }
0x277: {  	s9 =	sadd.s32 @!p0 $0x3, s15  }
0x278: {  	s11 =	sadd.s32 @!p0 s8, s9  }
0x279: {  	_ =	swait.ge @!p0 [sflag:s10], $0x38;
	s15 =	sand.u32 @!p0 $0x3, s9;
	s9 =	smul.u32 @!p0 $0x7, s11  }
0x27a: {  	s14 =	simm.s32 @!p0 $0x0;
	[sflag:s10] =	ssyncset.done @!p0 $0x0;
	s11 =	sadd.s32 @!p0 $0x1, s15  }
0x27b: {  	[sflag:s10] =	ssyncadd.s32 @!p0 $0xFFFFFFC8;
	s10 =	sshll.u32 @!p0 s15, $0x7;
	s9 =	sadd.s32 @!p0 s5, s9  }
0x27c: {  	[tilespmem:s10], [sflag:s11] =	stream.linear.gather @!p0 [hbm4b:s9+s14], $0x38, $0x38;
	[tilespmem:$0x1FA00] =	vst v63  }
0x27d: {  	s9 =	simm.s32 @!p0 $0x9  }
0x27e: {  	s10 =	smul.u32 @!p0 $0x1500, s30;
	_ =	swait.ge @!p0 [sflag:s9], $0xA800  }
0x27f: {  	[sflag:s9] =	ssyncset.done @!p0 $0x0  }
0x280: {  	[sflag:s9] =	ssyncadd.s32 @!p0 $0xFFFF5800;
	s9 =	sadd.s32 @!p0 s4, s10;
	s10 =	simm.s32 @!p0 $0x200  }
0x281: {  	[tilespmem:s10], [sflag:$0x5] =	stream.linear.gather @!p0 [hbm4b:s9+s14], $0xA800, $0x38;
	[tilespmem:$0x1FA00] =	vst v63  }
0x282: {  	_ =	swait.ge [sflag:s29], $0xA800  }
0x283: {  	s30 =	simm.s32 $0x0;
	[sflag:s29] =	ssyncset.done $0x0  }
0x284: {  	s14 =	smul.u32 $0x3000, s30;
	[sflag:s29] =	ssyncadd.s32 $0xFFFF5800  }
0x285: {  	s9 =	simm.s32 $0x0;
	_ =	swait.ge [sflag:s26], $0x5400  }
0x286: {  	s16 =	sand.u32 $0x380, s9;
	s11 =	sshra.s32 s14, $0x2;
	[sflag:s26] =	ssyncset.done $0x0  }
0x287: {  	s11 =	sor.u32 s16, s11;
	[sflag:s26] =	ssyncadd.s32 $0xFFFFAC00  }
0x288: {  	v3 =	vld [tilespmem:s11+$0x15200]  }
0x289: {  	s10 =	smul.u32 $0x6000, s30;
	_ =	sdelay $0x1  }
0x28a: {  	s10 =	sshra.s32 s10, $0x2  }
0x28b: {  	s10 =	sor.u32 s16, s10  }
0x28c: {  	s17 =	sadd.s32 $0x15200, s11;
	[tilespmem:s10+$0xAA00] =	vst.add.f32.msk $0xffff, v3  }
0x28d: {  	v3 =	vld [tilespmem:s17+$0x10];
	_ =	sdelay $0x4  }
0x28e: {  	[tilespmem:s10+$0xAA10] =	vst.add.f32.msk $0xffff, v3  }
0x28f: {  	v3 =	vld [tilespmem:s17+$0x20];
	_ =	sdelay $0x4  }
0x290: {  	[tilespmem:s10+$0xAA20] =	vst.add.f32.msk $0xffff, v3  }
0x291: {  	v3 =	vld [tilespmem:s17+$0x30];
	_ =	sdelay $0x4  }
0x292: {  	[tilespmem:s10+$0xAA30] =	vst.add.f32.msk $0xffff, v3  }
0x293: {  	v3 =	vld [tilespmem:s17+$0x40];
	_ =	sdelay $0x4  }
0x294: {  	[tilespmem:s10+$0xAA40] =	vst.add.f32.msk $0xffff, v3  }
0x295: {  	v3 =	vld [tilespmem:s17+$0x50];
	_ =	sdelay $0x4  }
0x296: {  	[tilespmem:s10+$0xAA50] =	vst.add.f32.msk $0xffff, v3  }
0x297: {  	v3 =	vld [tilespmem:s17+$0x60];
	_ =	sdelay $0x4  }
0x298: {  	[tilespmem:s10+$0xAA60] =	vst.add.f32.msk $0xffff, v3  }
0x299: {  	v3 =	vld [tilespmem:s17+$0x70];
	_ =	sdelay $0x4  }
0x29a: {  	[tilespmem:s10+$0xAA70] =	vst.add.f32.msk $0xffff, v3  }
0x29b: {  	v3 =	vld [tilespmem:s11+$0x15600];
	_ =	sdelay $0x4  }
0x29c: {  	s30 =	sadd.s32 $0x15600, s11;
	[tilespmem:s10+$0xAE00] =	vst.add.f32.msk $0xffff, v3  }
0x29d: {  	v3 =	vld [tilespmem:s30+$0x10];
	_ =	sdelay $0x4  }
0x29e: {  	[tilespmem:s10+$0xAE10] =	vst.add.f32.msk $0xffff, v3  }
0x29f: {  	v3 =	vld [tilespmem:s30+$0x20];
	_ =	sdelay $0x4  }
0x2a0: {  	[tilespmem:s10+$0xAE20] =	vst.add.f32.msk $0xffff, v3  }
0x2a1: {  	v3 =	vld [tilespmem:s30+$0x30];
	_ =	sdelay $0x4  }
0x2a2: {  	[tilespmem:s10+$0xAE30] =	vst.add.f32.msk $0xffff, v3  }
0x2a3: {  	v3 =	vld [tilespmem:s30+$0x40];
	_ =	sdelay $0x4  }
0x2a4: {  	[tilespmem:s10+$0xAE40] =	vst.add.f32.msk $0xffff, v3  }
0x2a5: {  	v3 =	vld [tilespmem:s30+$0x50];
	_ =	sdelay $0x4  }
0x2a6: {  	[tilespmem:s10+$0xAE50] =	vst.add.f32.msk $0xffff, v3  }
0x2a7: {  	v3 =	vld [tilespmem:s30+$0x60];
	_ =	sdelay $0x4  }
0x2a8: {  	[tilespmem:s10+$0xAE60] =	vst.add.f32.msk $0xffff, v3  }
0x2a9: {  	v3 =	vld [tilespmem:s30+$0x70];
	_ =	sdelay $0x4  }
0x2aa: {  	[tilespmem:s10+$0xAE70] =	vst.add.f32.msk $0xffff, v3  }
0x2ab: {  	v3 =	vld [tilespmem:s11+$0x15A00];
	_ =	sdelay $0x4  }
0x2ac: {  	s11 =	sadd.s32 $0x15A00, s11;
	[tilespmem:s10+$0xB200] =	vst.add.f32.msk $0xffff, v3  }
0x2ad: {  	v3 =	vld [tilespmem:s11+$0x10];
	_ =	sdelay $0x4  }
0x2ae: {  	[tilespmem:s10+$0xB210] =	vst.add.f32.msk $0xffff, v3  }
0x2af: {  	v3 =	vld [tilespmem:s11+$0x20];
	_ =	sdelay $0x4  }
0x2b0: {  	[tilespmem:s10+$0xB220] =	vst.add.f32.msk $0xffff, v3  }
0x2b1: {  	v3 =	vld [tilespmem:s11+$0x30];
	_ =	sdelay $0x4  }
0x2b2: {  	[tilespmem:s10+$0xB230] =	vst.add.f32.msk $0xffff, v3  }
0x2b3: {  	v3 =	vld [tilespmem:s11+$0x40];
	_ =	sdelay $0x4  }
0x2b4: {  	[tilespmem:s10+$0xB240] =	vst.add.f32.msk $0xffff, v3  }
0x2b5: {  	v3 =	vld [tilespmem:s11+$0x50];
	_ =	sdelay $0x4  }
0x2b6: {  	[tilespmem:s10+$0xB250] =	vst.add.f32.msk $0xffff, v3  }
0x2b7: {  	v3 =	vld [tilespmem:s11+$0x60];
	_ =	sdelay $0x4  }
0x2b8: {  	[tilespmem:s10+$0xB260] =	vst.add.f32.msk $0xffff, v3  }
0x2b9: {  	v3 =	vld [tilespmem:s11+$0x70]  }
0x2ba: {  	s15 =	simm.s32 @p0 $0x1;
	s16 =	simm.s32 $0x0;
	s11 =	simm.s32 $0x2  }
.LBB2_9:
0x2bb: {  	p1 =	sne.s32 s11, $0x31;
	s14 =	smul.u32 $0x3000, s16  }
0x2bc: {  	s9 =	sadd.s32 $0x80, s9  }
0x2bd: {  	s17 =	sand.u32 $0x380, s9;
	s14 =	sshra.s32 s14, $0x2  }
0x2be: {  	s14 =	sor.u32 s17, s14;
	[tilespmem:s10+$0xB270] =	vst.add.f32.msk $0xffff, v3  }
0x2bf: {  	v3 =	vld [tilespmem:s14+$0x15200]  }
0x2c0: {  	s10 =	smul.u32 $0x6000, s16;
	_ =	sdelay $0x1  }
0x2c1: {  	s10 =	sshra.s32 s10, $0x2  }
0x2c2: {  	s10 =	sor.u32 s17, s10  }
0x2c3: {  	s16 =	sadd.s32 $0x15200, s14;
	[tilespmem:s10+$0xAA00] =	vst.add.f32.msk $0xffff, v3  }
0x2c4: {  	v3 =	vld [tilespmem:s16+$0x10];
	_ =	sdelay $0x4  }
0x2c5: {  	[tilespmem:s10+$0xAA10] =	vst.add.f32.msk $0xffff, v3  }
0x2c6: {  	v3 =	vld [tilespmem:s16+$0x20];
	_ =	sdelay $0x4  }
0x2c7: {  	[tilespmem:s10+$0xAA20] =	vst.add.f32.msk $0xffff, v3  }
0x2c8: {  	v3 =	vld [tilespmem:s16+$0x30];
	_ =	sdelay $0x4  }
0x2c9: {  	[tilespmem:s10+$0xAA30] =	vst.add.f32.msk $0xffff, v3  }
0x2ca: {  	v3 =	vld [tilespmem:s16+$0x40];
	_ =	sdelay $0x4  }
0x2cb: {  	[tilespmem:s10+$0xAA40] =	vst.add.f32.msk $0xffff, v3  }
0x2cc: {  	v3 =	vld [tilespmem:s16+$0x50];
	_ =	sdelay $0x4  }
0x2cd: {  	[tilespmem:s10+$0xAA50] =	vst.add.f32.msk $0xffff, v3  }
0x2ce: {  	v3 =	vld [tilespmem:s16+$0x60];
	_ =	sdelay $0x4  }
0x2cf: {  	[tilespmem:s10+$0xAA60] =	vst.add.f32.msk $0xffff, v3  }
0x2d0: {  	v3 =	vld [tilespmem:s16+$0x70];
	_ =	sdelay $0x4  }
0x2d1: {  	[tilespmem:s10+$0xAA70] =	vst.add.f32.msk $0xffff, v3  }
0x2d2: {  	v3 =	vld [tilespmem:s14+$0x15600];
	_ =	sdelay $0x4  }
0x2d3: {  	s16 =	sadd.s32 $0x15600, s14;
	[tilespmem:s10+$0xAE00] =	vst.add.f32.msk $0xffff, v3  }
0x2d4: {  	v3 =	vld [tilespmem:s16+$0x10];
	_ =	sdelay $0x4  }
0x2d5: {  	[tilespmem:s10+$0xAE10] =	vst.add.f32.msk $0xffff, v3  }
0x2d6: {  	v3 =	vld [tilespmem:s16+$0x20];
	_ =	sdelay $0x4  }
0x2d7: {  	[tilespmem:s10+$0xAE20] =	vst.add.f32.msk $0xffff, v3  }
0x2d8: {  	v3 =	vld [tilespmem:s16+$0x30];
	_ =	sdelay $0x4  }
0x2d9: {  	[tilespmem:s10+$0xAE30] =	vst.add.f32.msk $0xffff, v3  }
0x2da: {  	v3 =	vld [tilespmem:s16+$0x40];
	_ =	sdelay $0x4  }
0x2db: {  	[tilespmem:s10+$0xAE40] =	vst.add.f32.msk $0xffff, v3  }
0x2dc: {  	v3 =	vld [tilespmem:s16+$0x50];
	_ =	sdelay $0x4  }
0x2dd: {  	[tilespmem:s10+$0xAE50] =	vst.add.f32.msk $0xffff, v3  }
0x2de: {  	v3 =	vld [tilespmem:s16+$0x60];
	_ =	sdelay $0x4  }
0x2df: {  	[tilespmem:s10+$0xAE60] =	vst.add.f32.msk $0xffff, v3  }
0x2e0: {  	v3 =	vld [tilespmem:s16+$0x70];
	_ =	sdelay $0x4  }
0x2e1: {  	[tilespmem:s10+$0xAE70] =	vst.add.f32.msk $0xffff, v3  }
0x2e2: {  	v3 =	vld [tilespmem:s14+$0x15A00];
	_ =	sdelay $0x4  }
0x2e3: {  	s14 =	sadd.s32 $0x15A00, s14;
	[tilespmem:s10+$0xB200] =	vst.add.f32.msk $0xffff, v3  }
0x2e4: {  	v3 =	vld [tilespmem:s14+$0x10];
	_ =	sdelay $0x4  }
0x2e5: {  	[tilespmem:s10+$0xB210] =	vst.add.f32.msk $0xffff, v3  }
0x2e6: {  	v3 =	vld [tilespmem:s14+$0x20];
	_ =	sdelay $0x4  }
0x2e7: {  	[tilespmem:s10+$0xB220] =	vst.add.f32.msk $0xffff, v3  }
0x2e8: {  	v3 =	vld [tilespmem:s14+$0x30];
	_ =	sdelay $0x4  }
0x2e9: {  	[tilespmem:s10+$0xB230] =	vst.add.f32.msk $0xffff, v3  }
0x2ea: {  	v3 =	vld [tilespmem:s14+$0x40];
	_ =	sdelay $0x4  }
0x2eb: {  	[tilespmem:s10+$0xB240] =	vst.add.f32.msk $0xffff, v3  }
0x2ec: {  	v3 =	vld [tilespmem:s14+$0x50];
	_ =	sdelay $0x4  }
0x2ed: {  	[tilespmem:s10+$0xB250] =	vst.add.f32.msk $0xffff, v3  }
0x2ee: {  	v3 =	vld [tilespmem:s14+$0x60];
	_ =	sdelay $0x2  }
.Ltmp5:
0x2ef: {  	(pc) =	sbr.rel @p1 .LBB2_9-.Ltmp5, $4  }
0x2f0: {  	_ = 	snop  }
0x2f1: {  	[tilespmem:s10+$0xB260] =	vst.add.f32.msk $0xffff, v3  }
0x2f2: {  	v3 =	vld [tilespmem:s14+$0x70]  }
0x2f3: {  	s16 =	sshrl.u32 s11, $0x3;
	s11 =	sadd.s32 $0x1, s11  }
0x2f4: {  	s11 =	smul.u32 $0x3000, s16  }
0x2f5: {  	s9 =	sadd.s32 $0x80, s9  }
0x2f6: {  	s9 =	sand.u32 $0x380, s9;
	s11 =	sshra.s32 s11, $0x2  }
0x2f7: {  	s11 =	sor.u32 s9, s11;
	[tilespmem:s10+$0xB270] =	vst.add.f32.msk $0xffff, v3  }
0x2f8: {  	v3 =	vld [tilespmem:s11+$0x15200]  }
0x2f9: {  	s14 =	smul.u32 $0x6000, s16;
	_ =	sdelay $0x1  }
0x2fa: {  	s10 =	sshra.s32 s14, $0x2  }
0x2fb: {  	s9 =	sor.u32 s9, s10  }
0x2fc: {  	s16 =	sadd.s32 $0x15200, s11;
	[tilespmem:s9+$0xAA00] =	vst.add.f32.msk $0xffff, v3  }
0x2fd: {  	v3 =	vld [tilespmem:s16+$0x10];
	_ =	sdelay $0x4  }
0x2fe: {  	[tilespmem:s9+$0xAA10] =	vst.add.f32.msk $0xffff, v3  }
0x2ff: {  	v3 =	vld [tilespmem:s16+$0x20];
	_ =	sdelay $0x4  }
0x300: {  	[tilespmem:s9+$0xAA20] =	vst.add.f32.msk $0xffff, v3  }
0x301: {  	v3 =	vld [tilespmem:s16+$0x30];
	_ =	sdelay $0x4  }
0x302: {  	[tilespmem:s9+$0xAA30] =	vst.add.f32.msk $0xffff, v3  }
0x303: {  	v3 =	vld [tilespmem:s16+$0x40];
	_ =	sdelay $0x4  }
0x304: {  	[tilespmem:s9+$0xAA40] =	vst.add.f32.msk $0xffff, v3  }
0x305: {  	v3 =	vld [tilespmem:s16+$0x50];
	_ =	sdelay $0x4  }
0x306: {  	[tilespmem:s9+$0xAA50] =	vst.add.f32.msk $0xffff, v3  }
0x307: {  	v3 =	vld [tilespmem:s16+$0x60];
	_ =	sdelay $0x4  }
0x308: {  	[tilespmem:s9+$0xAA60] =	vst.add.f32.msk $0xffff, v3  }
0x309: {  	v3 =	vld [tilespmem:s16+$0x70];
	_ =	sdelay $0x4  }
0x30a: {  	[tilespmem:s9+$0xAA70] =	vst.add.f32.msk $0xffff, v3  }
0x30b: {  	v3 =	vld [tilespmem:s11+$0x15600];
	_ =	sdelay $0x4  }
0x30c: {  	s17 =	sadd.s32 $0x15600, s11;
	[tilespmem:s9+$0xAE00] =	vst.add.f32.msk $0xffff, v3  }
0x30d: {  	v3 =	vld [tilespmem:s17+$0x10];
	_ =	sdelay $0x4  }
0x30e: {  	[tilespmem:s9+$0xAE10] =	vst.add.f32.msk $0xffff, v3  }
0x30f: {  	v3 =	vld [tilespmem:s17+$0x20];
	_ =	sdelay $0x4  }
0x310: {  	[tilespmem:s9+$0xAE20] =	vst.add.f32.msk $0xffff, v3  }
0x311: {  	v3 =	vld [tilespmem:s17+$0x30];
	_ =	sdelay $0x4  }
0x312: {  	[tilespmem:s9+$0xAE30] =	vst.add.f32.msk $0xffff, v3  }
0x313: {  	v3 =	vld [tilespmem:s17+$0x40];
	_ =	sdelay $0x4  }
0x314: {  	[tilespmem:s9+$0xAE40] =	vst.add.f32.msk $0xffff, v3  }
0x315: {  	v3 =	vld [tilespmem:s17+$0x50];
	_ =	sdelay $0x4  }
0x316: {  	[tilespmem:s9+$0xAE50] =	vst.add.f32.msk $0xffff, v3  }
0x317: {  	v3 =	vld [tilespmem:s17+$0x60];
	_ =	sdelay $0x4  }
0x318: {  	[tilespmem:s9+$0xAE60] =	vst.add.f32.msk $0xffff, v3  }
0x319: {  	v3 =	vld [tilespmem:s17+$0x70];
	_ =	sdelay $0x4  }
0x31a: {  	[tilespmem:s9+$0xAE70] =	vst.add.f32.msk $0xffff, v3  }
0x31b: {  	v3 =	vld [tilespmem:s11+$0x15A00];
	_ =	sdelay $0x4  }
0x31c: {  	s30 =	sadd.s32 $0x15A00, s11;
	[tilespmem:s9+$0xB200] =	vst.add.f32.msk $0xffff, v3  }
0x31d: {  	v3 =	vld [tilespmem:s30+$0x10];
	_ =	sdelay $0x4  }
0x31e: {  	[tilespmem:s9+$0xB210] =	vst.add.f32.msk $0xffff, v3  }
0x31f: {  	v3 =	vld [tilespmem:s30+$0x20];
	_ =	sdelay $0x4  }
0x320: {  	[tilespmem:s9+$0xB220] =	vst.add.f32.msk $0xffff, v3  }
0x321: {  	v3 =	vld [tilespmem:s30+$0x30];
	_ =	sdelay $0x4  }
0x322: {  	[tilespmem:s9+$0xB230] =	vst.add.f32.msk $0xffff, v3  }
0x323: {  	v3 =	vld [tilespmem:s30+$0x40];
	_ =	sdelay $0x4  }
0x324: {  	[tilespmem:s9+$0xB240] =	vst.add.f32.msk $0xffff, v3  }
0x325: {  	v3 =	vld [tilespmem:s30+$0x50];
	_ =	sdelay $0x4  }
0x326: {  	[tilespmem:s9+$0xB250] =	vst.add.f32.msk $0xffff, v3  }
0x327: {  	v3 =	vld [tilespmem:s30+$0x60];
	_ =	sdelay $0x4  }
0x328: {  	[tilespmem:s9+$0xB260] =	vst.add.f32.msk $0xffff, v3  }
0x329: {  	v3 =	vld [tilespmem:s30+$0x70]  }
.Ltmp6:
0x32a: {  	_ = 	snop;
	(pc) =	sbr.rel @p0 .LBB2_12-.Ltmp6, $2  }
0x32b: {  	_ =	sdelay $0x2  }
0x32c: {  	[tilespmem:s9+$0xB270] =	vst.add.f32.msk $0xffff, v3  }
0x32d: {  	s9 =	sshll.u32 s0, $0x7  }
0x32e: {  	s9 =	sand.u32 $0x100, s9  }
0x32f: {  	v3 =	vld [tilespmem:s9+$0x0];
	_ =	sdelay $0x4  }
0x330: {  	v4 =	vshrl.u32 v3, $0x3  }
0x331: {  	v4 =	vmul.u32 $0x18, v4  }
0x332: {  	v3 =	vand.u32 $0x7, v3  }
0x333: {  	v3 =	vor.u32 v3, v4  }
0x334: {  	v4 =	vperm.xlane v3, v0;
	_ =	sdelay $0x1  }
0x335: {  	v4 =	vadd.s32 v1, v4;
	_ =	sdelay $0x1  }
0x336: {  	v3 =	vperm.xlane v3, v2;
	_ =	sdelay $0x1  }
0x337: {  	s10 =	simm.s32 $0x15200;
	v3 =	vadd.s32 v1, v3  }
0x338: {  	[tilespmem:s10], [sflag:$0x7] =	stream.indirect_vreg.gather [hbm4b:s1+s3], $0x80, v4, vm0, $0xb8;
	[tilespmem:$0x1FA00] =	vst v63  }
0x339: {  	s16 =	simm.s32 $0x15A00  }
0x33a: {  	[tilespmem:s16], [sflag:$0x7] =	stream.indirect_vreg.gather [hbm4b:s12+s3], $0x80, v4, vm1, $0xb8;
	[tilespmem:$0x1FA00] =	vst v63  }
0x33b: {  	s17 =	simm.s32 $0x15E00  }
0x33c: {  	[tilespmem:s17], [sflag:$0x7] =	stream.indirect_vreg.gather [hbm4b:s1+s3], $0x80, v3, vm0, $0xb8;
	[tilespmem:$0x1FA00] =	vst v63  }
0x33d: {  	s30 =	simm.s32 $0x16600  }
0x33e: {  	[tilespmem:s30], [sflag:$0x7] =	stream.indirect_vreg.gather [hbm4b:s12+s3], $0x80, v3, vm1, $0xb8;
	[tilespmem:$0x1FA00] =	vst v63  }
0x33f: {  	v3 =	vld [tilespmem:s9+$0x10];
	_ =	sdelay $0x4  }
0x340: {  	v61 =	vshrl.u32 v3, $0x3  }
0x341: {  	v4 =	vmul.u32 $0x18, v61  }
0x342: {  	v3 =	vand.u32 $0x7, v3  }
0x343: {  	v3 =	vor.u32 v3, v4  }
0x344: {  	v4 =	vperm.xlane v3, v0;
	_ =	sdelay $0x1  }
0x345: {  	v4 =	vadd.s32 v1, v4;
	_ =	sdelay $0x1  }
0x346: {  	v3 =	vperm.xlane v3, v2;
	_ =	sdelay $0x1  }
0x347: {  	s11 =	simm.s32 $0x16A00;
	v3 =	vadd.s32 v1, v3  }
0x348: {  	[tilespmem:s11], [sflag:$0x7] =	stream.indirect_vreg.gather [hbm4b:s1+s3], $0x80, v4, vm0, $0xb8;
	[tilespmem:$0x1FA00] =	vst v63  }
0x349: {  	s14 =	simm.s32 $0x17200  }
0x34a: {  	[tilespmem:s14], [sflag:$0x7] =	stream.indirect_vreg.gather [hbm4b:s12+s3], $0x80, v4, vm1, $0xb8;
	[tilespmem:$0x1FA00] =	vst v63  }
0x34b: {  	s16 =	simm.s32 $0x17600  }
0x34c: {  	[tilespmem:s16], [sflag:$0x7] =	stream.indirect_vreg.gather [hbm4b:s1+s3], $0x80, v3, vm0, $0xb8;
	[tilespmem:$0x1FA00] =	vst v63  }
0x34d: {  	s17 =	simm.s32 $0x17E00  }
0x34e: {  	[tilespmem:s17], [sflag:$0x7] =	stream.indirect_vreg.gather [hbm4b:s12+s3], $0x80, v3, vm1, $0xb8;
	[tilespmem:$0x1FA00] =	vst v63  }
0x34f: {  	v3 =	vld [tilespmem:s9+$0x20];
	_ =	sdelay $0x4  }
0x350: {  	v62 =	vshrl.u32 v3, $0x3  }
0x351: {  	v4 =	vmul.u32 $0x18, v62  }
0x352: {  	v3 =	vand.u32 $0x7, v3  }
0x353: {  	v3 =	vor.u32 v3, v4  }
0x354: {  	v4 =	vperm.xlane v3, v0;
	_ =	sdelay $0x1  }
0x355: {  	v4 =	vadd.s32 v1, v4;
	_ =	sdelay $0x1  }
0x356: {  	v3 =	vperm.xlane v3, v2;
	_ =	sdelay $0x1  }
0x357: {  	s30 =	simm.s32 $0x18200;
	v3 =	vadd.s32 v1, v3  }
0x358: {  	[tilespmem:s30], [sflag:$0x7] =	stream.indirect_vreg.gather [hbm4b:s1+s3], $0x80, v4, vm0, $0xb8;
	[tilespmem:$0x1FA00] =	vst v63  }
0x359: {  	s11 =	simm.s32 $0x18A00  }
0x35a: {  	[tilespmem:s11], [sflag:$0x7] =	stream.indirect_vreg.gather [hbm4b:s12+s3], $0x80, v4, vm1, $0xb8;
	[tilespmem:$0x1FA00] =	vst v63  }
0x35b: {  	s14 =	simm.s32 $0x18E00  }
0x35c: {  	[tilespmem:s14], [sflag:$0x7] =	stream.indirect_vreg.gather [hbm4b:s1+s3], $0x80, v3, vm0, $0xb8;
	[tilespmem:$0x1FA00] =	vst v63  }
0x35d: {  	s16 =	simm.s32 $0x19600;
	s9 =	sor.u32 $0x30, s9  }
0x35e: {  	[tilespmem:s16], [sflag:$0x7] =	stream.indirect_vreg.gather [hbm4b:s12+s3], $0x80, v3, vm1, $0xb8;
	[tilespmem:$0x1FA00] =	vst v63  }
0x35f: {  	v3 =	vld.msk [tilespmem:s9+$0x0], $0xff;
	_ =	sdelay $0x4  }
0x360: {  	v63 =	vshrl.u32 v3, $0x3  }
0x361: {  	v4 =	vmul.u32 $0x18, v63  }
0x362: {  	v3 =	vand.u32 $0x7, v3  }
0x363: {  	v3 =	vor.u32 v3, v4  }
0x364: {  	v3 =	vperm.xlane v3, v0;
	_ =	sdelay $0x1  }
0x365: {  	v3 =	vadd.s32 v1, v3;
	_ =	sdelay $0x3  }
0x366: {  	s17 =	simm.s32 $0x19A00  }
0x367: {  	[tilespmem:s17], [sflag:$0x7] =	stream.indirect_vreg.gather [hbm4b:s1+s3], $0x80, v3, vm0, $0xb8;
	[tilespmem:$0x1FA00] =	vst v63  }
0x368: {  	s30 =	simm.s32 $0x1A200  }
0x369: {  	[tilespmem:s30], [sflag:$0x7] =	stream.indirect_vreg.gather [hbm4b:s12+s3], $0x80, v3, vm1, $0xb8;
	[tilespmem:$0x1FA00] =	vst v63  }
.LBB2_12:
0x36a: {  	s10 =	simm.s32 $0x0  }
0x36b: {  	s11 =	smul.u32 $0x3000, s10  }
0x36c: {  	_ =	swait.ge [sflag:s28], $0x5400;
	s9 =	simm.s32 $0x0  }
0x36d: {  	[sflag:s28] =	ssyncset.done $0x0;
	s14 =	sand.u32 $0x380, s9;
	s11 =	sshra.s32 s11, $0x2  }
0x36e: {  	[sflag:s28] =	ssyncadd.s32 $0xFFFFAC00;
	s11 =	sor.u32 s14, s11  }
0x36f: {  	v3 =	vld [tilespmem:s11+$0x1A600]  }
0x370: {  	s10 =	smul.u32 $0x6000, s10;
	_ =	sdelay $0x1  }
0x371: {  	s10 =	sshra.s32 s10, $0x2  }
0x372: {  	s10 =	sor.u32 s14, s10  }
0x373: {  	s17 =	sadd.s32 $0x1A600, s11;
	[tilespmem:s10+$0xB600] =	vst.add.f32.msk $0xffff, v3  }
0x374: {  	v3 =	vld [tilespmem:s17+$0x10];
	_ =	sdelay $0x4  }
0x375: {  	[tilespmem:s10+$0xB610] =	vst.add.f32.msk $0xffff, v3  }
0x376: {  	v3 =	vld [tilespmem:s17+$0x20];
	_ =	sdelay $0x4  }
0x377: {  	[tilespmem:s10+$0xB620] =	vst.add.f32.msk $0xffff, v3  }
0x378: {  	v3 =	vld [tilespmem:s17+$0x30];
	_ =	sdelay $0x4  }
0x379: {  	[tilespmem:s10+$0xB630] =	vst.add.f32.msk $0xffff, v3  }
0x37a: {  	v3 =	vld [tilespmem:s17+$0x40];
	_ =	sdelay $0x4  }
0x37b: {  	[tilespmem:s10+$0xB640] =	vst.add.f32.msk $0xffff, v3  }
0x37c: {  	v3 =	vld [tilespmem:s17+$0x50];
	_ =	sdelay $0x4  }
0x37d: {  	[tilespmem:s10+$0xB650] =	vst.add.f32.msk $0xffff, v3  }
0x37e: {  	v3 =	vld [tilespmem:s17+$0x60];
	_ =	sdelay $0x4  }
0x37f: {  	[tilespmem:s10+$0xB660] =	vst.add.f32.msk $0xffff, v3  }
0x380: {  	v3 =	vld [tilespmem:s17+$0x70];
	_ =	sdelay $0x4  }
0x381: {  	[tilespmem:s10+$0xB670] =	vst.add.f32.msk $0xffff, v3  }
0x382: {  	v3 =	vld [tilespmem:s11+$0x1AA00];
	_ =	sdelay $0x4  }
0x383: {  	s30 =	sadd.s32 $0x1AA00, s11;
	[tilespmem:s10+$0xBA00] =	vst.add.f32.msk $0xffff, v3  }
0x384: {  	v3 =	vld [tilespmem:s30+$0x10];
	_ =	sdelay $0x4  }
0x385: {  	[tilespmem:s10+$0xBA10] =	vst.add.f32.msk $0xffff, v3  }
0x386: {  	v3 =	vld [tilespmem:s30+$0x20];
	_ =	sdelay $0x4  }
0x387: {  	[tilespmem:s10+$0xBA20] =	vst.add.f32.msk $0xffff, v3  }
0x388: {  	v3 =	vld [tilespmem:s30+$0x30];
	_ =	sdelay $0x4  }
0x389: {  	[tilespmem:s10+$0xBA30] =	vst.add.f32.msk $0xffff, v3  }
0x38a: {  	v3 =	vld [tilespmem:s30+$0x40];
	_ =	sdelay $0x4  }
0x38b: {  	[tilespmem:s10+$0xBA40] =	vst.add.f32.msk $0xffff, v3  }
0x38c: {  	v3 =	vld [tilespmem:s30+$0x50];
	_ =	sdelay $0x4  }
0x38d: {  	[tilespmem:s10+$0xBA50] =	vst.add.f32.msk $0xffff, v3  }
0x38e: {  	v3 =	vld [tilespmem:s30+$0x60];
	_ =	sdelay $0x4  }
0x38f: {  	[tilespmem:s10+$0xBA60] =	vst.add.f32.msk $0xffff, v3  }
0x390: {  	v3 =	vld [tilespmem:s30+$0x70];
	_ =	sdelay $0x4  }
0x391: {  	[tilespmem:s10+$0xBA70] =	vst.add.f32.msk $0xffff, v3  }
0x392: {  	v3 =	vld [tilespmem:s11+$0x1AE00];
	_ =	sdelay $0x4  }
0x393: {  	s11 =	sadd.s32 $0x1AE00, s11;
	[tilespmem:s10+$0xBE00] =	vst.add.f32.msk $0xffff, v3  }
0x394: {  	v3 =	vld [tilespmem:s11+$0x10];
	_ =	sdelay $0x4  }
0x395: {  	[tilespmem:s10+$0xBE10] =	vst.add.f32.msk $0xffff, v3  }
0x396: {  	v3 =	vld [tilespmem:s11+$0x20];
	_ =	sdelay $0x4  }
0x397: {  	[tilespmem:s10+$0xBE20] =	vst.add.f32.msk $0xffff, v3  }
0x398: {  	v3 =	vld [tilespmem:s11+$0x30];
	_ =	sdelay $0x4  }
0x399: {  	[tilespmem:s10+$0xBE30] =	vst.add.f32.msk $0xffff, v3  }
0x39a: {  	v3 =	vld [tilespmem:s11+$0x40];
	_ =	sdelay $0x4  }
0x39b: {  	[tilespmem:s10+$0xBE40] =	vst.add.f32.msk $0xffff, v3  }
0x39c: {  	v3 =	vld [tilespmem:s11+$0x50];
	_ =	sdelay $0x4  }
0x39d: {  	[tilespmem:s10+$0xBE50] =	vst.add.f32.msk $0xffff, v3  }
0x39e: {  	v3 =	vld [tilespmem:s11+$0x60];
	_ =	sdelay $0x4  }
0x39f: {  	[tilespmem:s10+$0xBE60] =	vst.add.f32.msk $0xffff, v3  }
0x3a0: {  	v3 =	vld [tilespmem:s11+$0x70]  }
0x3a1: {  	s16 =	simm.s32 $0x0;
	s11 =	simm.s32 $0x2  }
.LBB2_13:
0x3a2: {  	p1 =	sne.s32 s11, $0x31;
	s14 =	smul.u32 $0x3000, s16  }
0x3a3: {  	s9 =	sadd.s32 $0x80, s9  }
0x3a4: {  	s17 =	sand.u32 $0x380, s9;
	s14 =	sshra.s32 s14, $0x2  }
0x3a5: {  	s14 =	sor.u32 s17, s14;
	[tilespmem:s10+$0xBE70] =	vst.add.f32.msk $0xffff, v3  }
0x3a6: {  	v3 =	vld [tilespmem:s14+$0x1A600]  }
0x3a7: {  	s10 =	smul.u32 $0x6000, s16;
	_ =	sdelay $0x1  }
0x3a8: {  	s10 =	sshra.s32 s10, $0x2  }
0x3a9: {  	s10 =	sor.u32 s17, s10  }
0x3aa: {  	s16 =	sadd.s32 $0x1A600, s14;
	[tilespmem:s10+$0xB600] =	vst.add.f32.msk $0xffff, v3  }
0x3ab: {  	v3 =	vld [tilespmem:s16+$0x10];
	_ =	sdelay $0x4  }
0x3ac: {  	[tilespmem:s10+$0xB610] =	vst.add.f32.msk $0xffff, v3  }
0x3ad: {  	v3 =	vld [tilespmem:s16+$0x20];
	_ =	sdelay $0x4  }
0x3ae: {  	[tilespmem:s10+$0xB620] =	vst.add.f32.msk $0xffff, v3  }
0x3af: {  	v3 =	vld [tilespmem:s16+$0x30];
	_ =	sdelay $0x4  }
0x3b0: {  	[tilespmem:s10+$0xB630] =	vst.add.f32.msk $0xffff, v3  }
0x3b1: {  	v3 =	vld [tilespmem:s16+$0x40];
	_ =	sdelay $0x4  }
0x3b2: {  	[tilespmem:s10+$0xB640] =	vst.add.f32.msk $0xffff, v3  }
0x3b3: {  	v3 =	vld [tilespmem:s16+$0x50];
	_ =	sdelay $0x4  }
0x3b4: {  	[tilespmem:s10+$0xB650] =	vst.add.f32.msk $0xffff, v3  }
0x3b5: {  	v3 =	vld [tilespmem:s16+$0x60];
	_ =	sdelay $0x4  }
0x3b6: {  	[tilespmem:s10+$0xB660] =	vst.add.f32.msk $0xffff, v3  }
0x3b7: {  	v3 =	vld [tilespmem:s16+$0x70];
	_ =	sdelay $0x4  }
0x3b8: {  	[tilespmem:s10+$0xB670] =	vst.add.f32.msk $0xffff, v3  }
0x3b9: {  	v3 =	vld [tilespmem:s14+$0x1AA00];
	_ =	sdelay $0x4  }
0x3ba: {  	s16 =	sadd.s32 $0x1AA00, s14;
	[tilespmem:s10+$0xBA00] =	vst.add.f32.msk $0xffff, v3  }
0x3bb: {  	v3 =	vld [tilespmem:s16+$0x10];
	_ =	sdelay $0x4  }
0x3bc: {  	[tilespmem:s10+$0xBA10] =	vst.add.f32.msk $0xffff, v3  }
0x3bd: {  	v3 =	vld [tilespmem:s16+$0x20];
	_ =	sdelay $0x4  }
0x3be: {  	[tilespmem:s10+$0xBA20] =	vst.add.f32.msk $0xffff, v3  }
0x3bf: {  	v3 =	vld [tilespmem:s16+$0x30];
	_ =	sdelay $0x4  }
0x3c0: {  	[tilespmem:s10+$0xBA30] =	vst.add.f32.msk $0xffff, v3  }
0x3c1: {  	v3 =	vld [tilespmem:s16+$0x40];
	_ =	sdelay $0x4  }
0x3c2: {  	[tilespmem:s10+$0xBA40] =	vst.add.f32.msk $0xffff, v3  }
0x3c3: {  	v3 =	vld [tilespmem:s16+$0x50];
	_ =	sdelay $0x4  }
0x3c4: {  	[tilespmem:s10+$0xBA50] =	vst.add.f32.msk $0xffff, v3  }
0x3c5: {  	v3 =	vld [tilespmem:s16+$0x60];
	_ =	sdelay $0x4  }
0x3c6: {  	[tilespmem:s10+$0xBA60] =	vst.add.f32.msk $0xffff, v3  }
0x3c7: {  	v3 =	vld [tilespmem:s16+$0x70];
	_ =	sdelay $0x4  }
0x3c8: {  	[tilespmem:s10+$0xBA70] =	vst.add.f32.msk $0xffff, v3  }
0x3c9: {  	v3 =	vld [tilespmem:s14+$0x1AE00];
	_ =	sdelay $0x4  }
0x3ca: {  	s14 =	sadd.s32 $0x1AE00, s14;
	[tilespmem:s10+$0xBE00] =	vst.add.f32.msk $0xffff, v3  }
0x3cb: {  	v3 =	vld [tilespmem:s14+$0x10];
	_ =	sdelay $0x4  }
0x3cc: {  	[tilespmem:s10+$0xBE10] =	vst.add.f32.msk $0xffff, v3  }
0x3cd: {  	v3 =	vld [tilespmem:s14+$0x20];
	_ =	sdelay $0x4  }
0x3ce: {  	[tilespmem:s10+$0xBE20] =	vst.add.f32.msk $0xffff, v3  }
0x3cf: {  	v3 =	vld [tilespmem:s14+$0x30];
	_ =	sdelay $0x4  }
0x3d0: {  	[tilespmem:s10+$0xBE30] =	vst.add.f32.msk $0xffff, v3  }
0x3d1: {  	v3 =	vld [tilespmem:s14+$0x40];
	_ =	sdelay $0x4  }
0x3d2: {  	[tilespmem:s10+$0xBE40] =	vst.add.f32.msk $0xffff, v3  }
0x3d3: {  	v3 =	vld [tilespmem:s14+$0x50];
	_ =	sdelay $0x4  }
0x3d4: {  	[tilespmem:s10+$0xBE50] =	vst.add.f32.msk $0xffff, v3  }
0x3d5: {  	v3 =	vld [tilespmem:s14+$0x60];
	_ =	sdelay $0x2  }
.Ltmp7:
0x3d6: {  	(pc) =	sbr.rel @p1 .LBB2_13-.Ltmp7, $4  }
0x3d7: {  	_ = 	snop  }
0x3d8: {  	[tilespmem:s10+$0xBE60] =	vst.add.f32.msk $0xffff, v3  }
0x3d9: {  	v3 =	vld [tilespmem:s14+$0x70]  }
0x3da: {  	s16 =	sshrl.u32 s11, $0x3;
	s11 =	sadd.s32 $0x1, s11  }
0x3db: {  	s11 =	smul.u32 $0x3000, s16  }
0x3dc: {  	s9 =	sadd.s32 $0x80, s9  }
0x3dd: {  	s9 =	sand.u32 $0x380, s9;
	s11 =	sshra.s32 s11, $0x2  }
0x3de: {  	s11 =	sor.u32 s9, s11;
	[tilespmem:s10+$0xBE70] =	vst.add.f32.msk $0xffff, v3  }
0x3df: {  	v3 =	vld [tilespmem:s11+$0x1A600]  }
0x3e0: {  	s14 =	smul.u32 $0x6000, s16;
	_ =	sdelay $0x1  }
0x3e1: {  	s10 =	sshra.s32 s14, $0x2  }
0x3e2: {  	s9 =	sor.u32 s9, s10  }
0x3e3: {  	s16 =	sadd.s32 $0x1A600, s11;
	[tilespmem:s9+$0xB600] =	vst.add.f32.msk $0xffff, v3  }
0x3e4: {  	v3 =	vld [tilespmem:s16+$0x10];
	_ =	sdelay $0x4  }
0x3e5: {  	[tilespmem:s9+$0xB610] =	vst.add.f32.msk $0xffff, v3  }
0x3e6: {  	v3 =	vld [tilespmem:s16+$0x20];
	_ =	sdelay $0x4  }
0x3e7: {  	[tilespmem:s9+$0xB620] =	vst.add.f32.msk $0xffff, v3  }
0x3e8: {  	v3 =	vld [tilespmem:s16+$0x30];
	_ =	sdelay $0x4  }
0x3e9: {  	[tilespmem:s9+$0xB630] =	vst.add.f32.msk $0xffff, v3  }
0x3ea: {  	v3 =	vld [tilespmem:s16+$0x40];
	_ =	sdelay $0x4  }
0x3eb: {  	[tilespmem:s9+$0xB640] =	vst.add.f32.msk $0xffff, v3  }
0x3ec: {  	v3 =	vld [tilespmem:s16+$0x50];
	_ =	sdelay $0x4  }
0x3ed: {  	[tilespmem:s9+$0xB650] =	vst.add.f32.msk $0xffff, v3  }
0x3ee: {  	v3 =	vld [tilespmem:s16+$0x60];
	_ =	sdelay $0x4  }
0x3ef: {  	[tilespmem:s9+$0xB660] =	vst.add.f32.msk $0xffff, v3  }
0x3f0: {  	v3 =	vld [tilespmem:s16+$0x70];
	_ =	sdelay $0x4  }
0x3f1: {  	[tilespmem:s9+$0xB670] =	vst.add.f32.msk $0xffff, v3  }
0x3f2: {  	v3 =	vld [tilespmem:s11+$0x1AA00];
	_ =	sdelay $0x4  }
0x3f3: {  	s17 =	sadd.s32 $0x1AA00, s11;
	[tilespmem:s9+$0xBA00] =	vst.add.f32.msk $0xffff, v3  }
0x3f4: {  	v3 =	vld [tilespmem:s17+$0x10];
	_ =	sdelay $0x4  }
0x3f5: {  	[tilespmem:s9+$0xBA10] =	vst.add.f32.msk $0xffff, v3  }
0x3f6: {  	v3 =	vld [tilespmem:s17+$0x20];
	_ =	sdelay $0x4  }
0x3f7: {  	[tilespmem:s9+$0xBA20] =	vst.add.f32.msk $0xffff, v3  }
0x3f8: {  	v3 =	vld [tilespmem:s17+$0x30];
	_ =	sdelay $0x4  }
0x3f9: {  	[tilespmem:s9+$0xBA30] =	vst.add.f32.msk $0xffff, v3  }
0x3fa: {  	v3 =	vld [tilespmem:s17+$0x40];
	_ =	sdelay $0x4  }
0x3fb: {  	[tilespmem:s9+$0xBA40] =	vst.add.f32.msk $0xffff, v3  }
0x3fc: {  	v3 =	vld [tilespmem:s17+$0x50];
	_ =	sdelay $0x4  }
0x3fd: {  	[tilespmem:s9+$0xBA50] =	vst.add.f32.msk $0xffff, v3  }
0x3fe: {  	v3 =	vld [tilespmem:s17+$0x60];
	_ =	sdelay $0x4  }
0x3ff: {  	[tilespmem:s9+$0xBA60] =	vst.add.f32.msk $0xffff, v3  }
0x400: {  	v3 =	vld [tilespmem:s17+$0x70];
	_ =	sdelay $0x4  }
0x401: {  	[tilespmem:s9+$0xBA70] =	vst.add.f32.msk $0xffff, v3  }
0x402: {  	v3 =	vld [tilespmem:s11+$0x1AE00];
	_ =	sdelay $0x4  }
0x403: {  	s30 =	sadd.s32 $0x1AE00, s11;
	[tilespmem:s9+$0xBE00] =	vst.add.f32.msk $0xffff, v3  }
0x404: {  	v3 =	vld [tilespmem:s30+$0x10];
	_ =	sdelay $0x4  }
0x405: {  	[tilespmem:s9+$0xBE10] =	vst.add.f32.msk $0xffff, v3  }
0x406: {  	v3 =	vld [tilespmem:s30+$0x20];
	_ =	sdelay $0x4  }
0x407: {  	[tilespmem:s9+$0xBE20] =	vst.add.f32.msk $0xffff, v3  }
0x408: {  	v3 =	vld [tilespmem:s30+$0x30];
	_ =	sdelay $0x4  }
0x409: {  	[tilespmem:s9+$0xBE30] =	vst.add.f32.msk $0xffff, v3  }
0x40a: {  	v3 =	vld [tilespmem:s30+$0x40];
	_ =	sdelay $0x4  }
0x40b: {  	[tilespmem:s9+$0xBE40] =	vst.add.f32.msk $0xffff, v3  }
0x40c: {  	v3 =	vld [tilespmem:s30+$0x50];
	_ =	sdelay $0x4  }
0x40d: {  	[tilespmem:s9+$0xBE50] =	vst.add.f32.msk $0xffff, v3  }
0x40e: {  	v3 =	vld [tilespmem:s30+$0x60];
	_ =	sdelay $0x4  }
0x40f: {  	[tilespmem:s9+$0xBE60] =	vst.add.f32.msk $0xffff, v3  }
0x410: {  	v3 =	vld [tilespmem:s30+$0x70]  }
.Ltmp8:
0x411: {  	_ = 	snop;
	(pc) =	sbr.rel @p0 .LBB2_16-.Ltmp8, $2  }
0x412: {  	_ =	sdelay $0x2  }
0x413: {  	s2 =	sadd.s32 s7, s2;
	[tilespmem:s9+$0xBE70] =	vst.add.f32.msk $0xffff, v3  }
0x414: {  	s0 =	sshll.u32 s0, $0x7  }
0x415: {  	s0 =	sand.u32 $0x100, s0  }
0x416: {  	v3 =	vld [tilespmem:s0+$0x0];
	_ =	sdelay $0x4  }
0x417: {  	v4 =	vshrl.u32 v3, $0x3  }
0x418: {  	v4 =	vmul.u32 $0x18, v4  }
0x419: {  	v3 =	vand.u32 $0x7, v3  }
0x41a: {  	v3 =	vor.u32 v3, v4  }
0x41b: {  	v4 =	vperm.xlane v3, v0;
	_ =	sdelay $0x1  }
0x41c: {  	v4 =	vadd.s32 v1, v4;
	_ =	sdelay $0x1  }
0x41d: {  	v3 =	vperm.xlane v3, v2;
	_ =	sdelay $0x1  }
0x41e: {  	v3 =	vadd.s32 v1, v3  }
0x41f: {  	[tilespmem:s18], [sflag:$0x8] =	stream.indirect_vreg.gather [hbm4b:s6+s3], $0x80, v4, vm0, $0xb8;
	[tilespmem:$0x1FA00] =	vst v63  }
0x420: {  	_ = 	snop  }
0x421: {  	[tilespmem:s19], [sflag:$0x8] =	stream.indirect_vreg.gather [hbm4b:s13+s3], $0x80, v4, vm1, $0xb8;
	[tilespmem:$0x1FA00] =	vst v63  }
0x422: {  	_ = 	snop  }
0x423: {  	[tilespmem:s20], [sflag:$0x8] =	stream.indirect_vreg.gather [hbm4b:s6+s3], $0x80, v3, vm0, $0xb8;
	[tilespmem:$0x1FA00] =	vst v63  }
0x424: {  	s9 =	simm.s32 $0x1BA00  }
0x425: {  	[tilespmem:s9], [sflag:$0x8] =	stream.indirect_vreg.gather [hbm4b:s13+s3], $0x80, v3, vm1, $0xb8;
	[tilespmem:$0x1FA00] =	vst v63  }
0x426: {  	v3 =	vld [tilespmem:s0+$0x10];
	_ =	sdelay $0x4  }
0x427: {  	v61 =	vshrl.u32 v3, $0x3  }
0x428: {  	v4 =	vmul.u32 $0x18, v61  }
0x429: {  	v3 =	vand.u32 $0x7, v3  }
0x42a: {  	v3 =	vor.u32 v3, v4  }
0x42b: {  	v4 =	vperm.xlane v3, v0;
	_ =	sdelay $0x1  }
0x42c: {  	v4 =	vadd.s32 v1, v4;
	_ =	sdelay $0x1  }
0x42d: {  	v3 =	vperm.xlane v3, v2;
	_ =	sdelay $0x1  }
0x42e: {  	s11 =	simm.s32 $0x1BE00;
	v3 =	vadd.s32 v1, v3  }
0x42f: {  	[tilespmem:s11], [sflag:$0x8] =	stream.indirect_vreg.gather [hbm4b:s6+s3], $0x80, v4, vm0, $0xb8;
	[tilespmem:$0x1FA00] =	vst v63  }
0x430: {  	s14 =	simm.s32 $0x1C600  }
0x431: {  	[tilespmem:s14], [sflag:$0x8] =	stream.indirect_vreg.gather [hbm4b:s13+s3], $0x80, v4, vm1, $0xb8;
	[tilespmem:$0x1FA00] =	vst v63  }
0x432: {  	s16 =	simm.s32 $0x1CA00  }
0x433: {  	[tilespmem:s16], [sflag:$0x8] =	stream.indirect_vreg.gather [hbm4b:s6+s3], $0x80, v3, vm0, $0xb8;
	[tilespmem:$0x1FA00] =	vst v63  }
0x434: {  	s17 =	simm.s32 $0x1D200  }
0x435: {  	[tilespmem:s17], [sflag:$0x8] =	stream.indirect_vreg.gather [hbm4b:s13+s3], $0x80, v3, vm1, $0xb8;
	[tilespmem:$0x1FA00] =	vst v63  }
0x436: {  	v3 =	vld [tilespmem:s0+$0x20];
	_ =	sdelay $0x4  }
0x437: {  	v62 =	vshrl.u32 v3, $0x3  }
0x438: {  	v4 =	vmul.u32 $0x18, v62  }
0x439: {  	v3 =	vand.u32 $0x7, v3  }
0x43a: {  	v3 =	vor.u32 v3, v4  }
0x43b: {  	v4 =	vperm.xlane v3, v0;
	_ =	sdelay $0x1  }
0x43c: {  	v4 =	vadd.s32 v1, v4;
	_ =	sdelay $0x1  }
0x43d: {  	v3 =	vperm.xlane v3, v2;
	_ =	sdelay $0x1  }
0x43e: {  	s18 =	simm.s32 $0x1D600;
	v3 =	vadd.s32 v1, v3  }
0x43f: {  	[tilespmem:s18], [sflag:$0x8] =	stream.indirect_vreg.gather [hbm4b:s6+s3], $0x80, v4, vm0, $0xb8;
	[tilespmem:$0x1FA00] =	vst v63  }
0x440: {  	s19 =	simm.s32 $0x1DE00  }
0x441: {  	[tilespmem:s19], [sflag:$0x8] =	stream.indirect_vreg.gather [hbm4b:s13+s3], $0x80, v4, vm1, $0xb8;
	[tilespmem:$0x1FA00] =	vst v63  }
0x442: {  	s20 =	simm.s32 $0x1E200  }
0x443: {  	[tilespmem:s20], [sflag:$0x8] =	stream.indirect_vreg.gather [hbm4b:s6+s3], $0x80, v3, vm0, $0xb8;
	[tilespmem:$0x1FA00] =	vst v63  }
0x444: {  	s0 =	sor.u32 $0x30, s0  }
0x445: {  	[tilespmem:s21], [sflag:$0x8] =	stream.indirect_vreg.gather [hbm4b:s13+s3], $0x80, v3, vm1, $0xb8;
	[tilespmem:$0x1FA00] =	vst v63  }
0x446: {  	v3 =	vld.msk [tilespmem:s0+$0x0], $0xff;
	_ =	sdelay $0x4  }
0x447: {  	v63 =	vshrl.u32 v3, $0x3  }
0x448: {  	v4 =	vmul.u32 $0x18, v63  }
0x449: {  	v3 =	vand.u32 $0x7, v3  }
0x44a: {  	v3 =	vor.u32 v3, v4  }
0x44b: {  	v3 =	vperm.xlane v3, v0;
	_ =	sdelay $0x1  }
0x44c: {  	v3 =	vadd.s32 v1, v3;
	_ =	sdelay $0x4  }
0x44d: {  	[tilespmem:s22], [sflag:$0x8] =	stream.indirect_vreg.gather [hbm4b:s6+s3], $0x80, v3, vm0, $0xb8;
	[tilespmem:$0x1FA00] =	vst v63  }
0x44e: {  	_ = 	snop  }
0x44f: {  	[tilespmem:s23], [sflag:$0x8] =	stream.indirect_vreg.gather [hbm4b:s13+s3], $0x80, v3, vm1, $0xb8;
	[tilespmem:$0x1FA00] =	vst v63  }
.Ltmp9:
0x450: {  	s30 =	sadd.s32 $0x1, s15;
	(pc) =	sbr.rel .LBB2_2-.Ltmp9, $4  }
0x451: {  	[hbm4b:s2+s3] =	stream.linear.scatter [tilespmem:s24], [sflag:$0xA], $0xA800, $0x38;
	[tilespmem:$0x1FA00] =	vst v63  }
0x452: {  	_ =	swait.ge [sflag:s30], $0x38  }
0x453: {  	[sflag:s30] =	ssyncset.done $0x0  }
0x454: {  	s31 =	sadd.s32 $0x1, s31;
	[sflag:s30] =	ssyncadd.s32 $0xFFFFFFC8  }
.LBB2_17:
0x455: {  	_ =	sfence.sel $0x180000  }
0x456: {  	[bflag:$0x0] =	sbarrier.arrive $0xFFFF  }
0x457: {  	_ =	strace $0x90000047  }
0x458: {  	s0 =	stileid.u32;
	[bflag:$0x2] =	sbarrier.arrive $0xFFFF  }
0x459: {  	p0 =	sne.s32 s0, $0x0;
	s0 =	rddreg [dreg:$0x2]  }
0x45a: {  	s0 =	sadd.s32 @!p0 $0x100000, s0  }
0x45b: {  	[sflag:s0] =	ssyncadd.tile.s32 @!p0 $0x1;
	_ =	shalt  }
.Lfunc_end2:
_tile_overlayer_lowered:
.L_overlay_start_2:
0x45c: {  	(tag) =	ssettag $0x2  }
0x45d: {  	s0 =	rddreg [dreg:$0x0];
	s2 =	stileid.u32  }
0x45e: {  	s1 =	rddreg [dreg:$0x1];
	p0 =	sne.s32 s2, $0x0  }
0x45f: {  	s3 =	rddreg [dreg:$0x2];
	[bflag:$0x3] =	sbarrier.arrive $0xFFFF;
	s2 =	simm.s32 @!p0 $0x1C0B  }
0x460: {  	[timem:s3], [sflag:s2] =	dma.local @!p0 [hbm:s0], s1  }
0x461: {  	s0 =	simm.s32 @!p0 $0xB  }
0x462: {  	_ =	swait.ge @!p0 [sflag:s0], s1  }
0x463: {  	s1 =	ssub.s32 @!p0 $0x0, s1;
	[sflag:s0] =	ssyncset.done @!p0 $0x0  }
0x464: {  	[sflag:s0] =	ssyncadd.s32 @!p0 s1  }
0x465: {  	[bflag:$0x3] =	sbarrier.arrive $0xFFFF  }
0x466: {  	_ =	shalt  }

</sc_bundles>
